<compile_context>
chip_gen: v7x
topology: tpu7x:2x2x1
jax: 0.10.2.dev20260603
libtpu: 0.0.44.dev20260713+nightly
codegen_flags: <defaults>
</compile_context>

<pallas_src>
import functools

import jax
import jax.numpy as jnp
from jax import lax
from jax.experimental import pallas as pl
from jax.experimental.pallas import tpu as pltpu
from jax.experimental.pallas import tpu_sc as plsc

_N = 10000
_NS = 16
_C = 128
_E = _N * _NS
_EPS = 1e-5

_NPAD = 10240
_CB = 1024
_NCHUNK = _NPAD // _CB
_QB = 128


def _full_spec(shape):
    return pl.BlockSpec(shape, lambda i, _s=shape: (0,) * len(_s))



def _qkv_body(x_ref, w_ref, b_ref, q_ref, k_ref, v_ref):
    out = jnp.dot(x_ref[...], w_ref[...],
                  preferred_element_type=jnp.float32) + b_ref[...]
    q_ref[...] = out[:, 0:_C]
    k_ref[...] = out[:, _C:2 * _C]
    v_ref[...] = out[:, 2 * _C:3 * _C]


def _qkv(x, W, b):
    RB = 400
    return pl.pallas_call(
        _qkv_body,
        grid=(_N // RB,),
        in_specs=[
            pl.BlockSpec((RB, _C), lambda i: (i, 0)),
            _full_spec((_C, 3 * _C)),
            _full_spec((1, 3 * _C)),
        ],
        out_specs=[pl.BlockSpec((RB, _C), lambda i: (i, 0))] * 3,
        out_shape=[jax.ShapeDtypeStruct((_N, _C), jnp.float32)] * 3,
    )(x, W, b)



_L = 8


def _knn_body(q_ref, pt_ref, idx_ref, d_ref, cd_ref, cj_ref):
    BIG = jnp.int32(2 ** 30)
    INF = jnp.float32(jnp.inf)

    def build(jb, _):
        pxyz = pt_ref[jb]
        dx = q_ref[:, 0:1] - pxyz[0:1, :]
        dy = q_ref[:, 1:2] - pxyz[1:2, :]
        dz = q_ref[:, 2:3] - pxyz[2:3, :]
        d_ref[jb] = dx * dx + dy * dy + dz * dz
        return 0

    lax.fori_loop(0, _NCHUNK, build, 0)

    def p1(jb, _):
        iota = lax.broadcasted_iota(jnp.int32, (_QB, _CB), 1) + jb * _CB
        jp = jnp.full((_QB, 1), -1, jnp.int32)
        bms, bjs = [], []
        for t in range(_L):
            blk = jnp.where(iota == jp, INF, d_ref[jb])
            d_ref[jb] = blk
            bm = jnp.min(blk, axis=1, keepdims=True)
            bj = jnp.min(jnp.where(blk == bm, iota, BIG),
                         axis=1, keepdims=True)
            bms.append(bm)
            bjs.append(bj)
            jp = bj
        d_ref[jb] = jnp.where(iota == jp, INF, d_ref[jb])
        cd_ref[jb] = jnp.concatenate(bms, axis=1)
        cj_ref[jb] = jnp.concatenate(bjs, axis=1)
        return 0

    lax.fori_loop(0, _NCHUNK, p1, 0)

    cdv = jnp.concatenate([cd_ref[jb] for jb in range(_NCHUNK)], axis=1)
    cjv = jnp.concatenate([cj_ref[jb] for jb in range(_NCHUNK)], axis=1)
    lane = lax.broadcasted_iota(jnp.int32, (_QB, _NCHUNK * _L), 1)
    tau = None
    for t in range(_NS):
        m = jnp.min(cdv, axis=1, keepdims=True)
        j = jnp.min(jnp.where(cdv == m, cjv, BIG), axis=1, keepdims=True)
        lsel = jnp.min(jnp.where((cdv == m) & (cjv == j), lane, BIG),
                       axis=1, keepdims=True)
        cdv = jnp.where(lane == lsel, INF, cdv)
        idx_ref[:, t:t + 1] = j
        tau = m

    def verify(jb, acc):
        bm = jnp.min(d_ref[jb], axis=1, keepdims=True)
        return acc + (bm <= tau).astype(jnp.int32)

    bad = lax.fori_loop(0, _NCHUNK, verify,
                        jnp.zeros((_QB, 1), jnp.int32))
    nbad = jnp.sum(bad)

    @pl.when(nbad > 0)
    def _fallback():
        lax.fori_loop(0, _NCHUNK, build, 0)
        jprev = jnp.full((_QB, 1), -1, jnp.int32)
        for t in range(_NS):
            def fmin(jb, carry):
                am, aj, jp = carry
                iota = (lax.broadcasted_iota(jnp.int32, (_QB, _CB), 1)
                        + jb * _CB)
                blk = jnp.where(iota == jp, INF, d_ref[jb])
                d_ref[jb] = blk
                bm = jnp.min(blk, axis=1, keepdims=True)
                bj = jnp.min(jnp.where(blk == bm, iota, BIG),
                             axis=1, keepdims=True)
                take = bm < am
                return (jnp.where(take, bm, am), jnp.where(take, bj, aj),
                        jp)

            m, j, _ = lax.fori_loop(
                0, _NCHUNK, fmin,
                (jnp.full((_QB, 1), INF, jnp.float32),
                 jnp.full((_QB, 1), BIG, jnp.int32),
                 jprev))
            idx_ref[:, t:t + 1] = j
            jprev = j


def _knn(p_pad, pt3):
    return pl.pallas_call(
        _knn_body,
        grid=(_NPAD // _QB,),
        in_specs=[
            pl.BlockSpec((_QB, 8), lambda i: (i, 0)),
            _full_spec((_NCHUNK, 8, _CB)),
        ],
        out_specs=pl.BlockSpec((_QB, _NS), lambda i: (i, 0)),
        out_shape=jax.ShapeDtypeStruct((_NPAD, _NS), jnp.int32),
        scratch_shapes=[pltpu.VMEM((_NCHUNK, _QB, _CB), jnp.float32),
                        pltpu.VMEM((_NCHUNK, _QB, _L), jnp.float32),
                        pltpu.VMEM((_NCHUNK, _QB, _L), jnp.int32)],
    )(p_pad, pt3)



def _gather3(idx_flat, tk, tv, tp):
    info = plsc.get_sparse_core_info()
    nw = info.num_cores * info.num_subcores
    per_w = _E // nw
    CH = 40
    nchunk = per_w // CH
    mesh = plsc.VectorSubcoreMesh(core_axis_name="c", subcore_axis_name="s")

    @functools.partial(
        pl.kernel,
        out_type=[jax.ShapeDtypeStruct((_E, _C), jnp.float32),
                  jax.ShapeDtypeStruct((_E, _C), jnp.float32),
                  jax.ShapeDtypeStruct((_E, _C), jnp.float32)],
        mesh=mesh,
        scratch_types=[pltpu.VMEM((CH,), jnp.int32),
                       pltpu.VMEM((CH, _C), jnp.float32),
                       pltpu.VMEM((CH, _C), jnp.float32),
                       pltpu.VMEM((CH, _C), jnp.float32),
                       pltpu.SemaphoreType.DMA,
                       pltpu.SemaphoreType.DMA,
                       pltpu.SemaphoreType.DMA],
    )
    def gath(idx_hbm, tk_hbm, tv_hbm, tp_hbm, ok_hbm, ov_hbm, op_hbm,
             idx_v, bk, bv, bp, s1, s2, s3):
        wid = lax.axis_index("s") * info.num_cores + lax.axis_index("c")
        base = wid * per_w

        def chunk(cc, _):
            start = base + cc * CH
            pltpu.sync_copy(idx_hbm.at[pl.ds(start, CH)], idx_v)
            c1 = pltpu.async_copy(tk_hbm.at[idx_v], bk, s1)
            c2 = pltpu.async_copy(tv_hbm.at[idx_v], bv, s2)
            c3 = pltpu.async_copy(tp_hbm.at[idx_v], bp, s3)
            c1.wait()
            c2.wait()
            c3.wait()
            pltpu.sync_copy(bk, ok_hbm.at[pl.ds(start, CH)])
            pltpu.sync_copy(bv, ov_hbm.at[pl.ds(start, CH)])
            pltpu.sync_copy(bp, op_hbm.at[pl.ds(start, CH)])
            return 0

        lax.fori_loop(0, nchunk, chunk, 0)

    return gath(idx_flat, tk, tv, tp)



def _tstats_body(pp_ref, pc_ref, w_ref, b_ref, o_ref):
    @pl.when(pl.program_id(0) == 0)
    def _():
        o_ref[...] = jnp.zeros_like(o_ref)

    bn = pp_ref.shape[0]
    pr = (pp_ref[...] - jnp.broadcast_to(pc_ref[...], (bn, _NS, _C))
          ).reshape(bn * _NS, _C)
    t = jnp.dot(pr, w_ref[...],
                preferred_element_type=jnp.float32) + b_ref[...]
    o_ref[0:1, :] += jnp.sum(t, axis=0, keepdims=True)
    o_ref[1:2, :] += jnp.sum(t * t, axis=0, keepdims=True)


def _tstats(pp_e3, pc3, Wp1p, bp1p):
    BT = 125
    return pl.pallas_call(
        _tstats_body,
        grid=(_N // BT,),
        in_specs=[
            pl.BlockSpec((BT, _NS, _C), lambda i: (i, 0, 0)),
            pl.BlockSpec((BT, 1, _C), lambda i: (i, 0, 0)),
            _full_spec((_C, 16)),
            _full_spec((1, 16)),
        ],
        out_specs=_full_spec((8, 16)),
        out_shape=jax.ShapeDtypeStruct((8, 16), jnp.float32),
    )(pp_e3, pc3, Wp1p, bp1p)



_BN = 80
_GRID_E = _N // _BN


def _front(pp_ref, pc_ref, xk_ref, q_ref, wp1_ref, bp1_ref, at_ref, bt_ref,
           wp2_ref, bp2_ref):
    pr = (pp_ref[...] - jnp.broadcast_to(pc_ref[...], (_BN, _NS, _C))
          ).reshape(_BN * _NS, _C)
    t = jnp.dot(pr, wp1_ref[...],
                preferred_element_type=jnp.float32) + bp1_ref[...]
    h = jnp.maximum(t * at_ref[...] + bt_ref[...], 0.0)
    pe = jnp.dot(h, wp2_ref[...],
                 preferred_element_type=jnp.float32) + bp2_ref[...]
    xk = xk_ref[...].reshape(_BN * _NS, _C)
    q = jnp.broadcast_to(q_ref[...], (_BN, _NS, _C)).reshape(_BN * _NS, _C)
    return pe, xk - q + pe



def _w0stats_body(pp_ref, pc_ref, xk_ref, q_ref, wp1_ref, bp1_ref, at_ref,
                  bt_ref, wp2_ref, bp2_ref, o_ref):
    @pl.when(pl.program_id(0) == 0)
    def _():
        o_ref[...] = jnp.zeros_like(o_ref)

    _, w0 = _front(pp_ref, pc_ref, xk_ref, q_ref, wp1_ref, bp1_ref, at_ref,
                   bt_ref, wp2_ref, bp2_ref)
    o_ref[0:1, :] += jnp.sum(w0, axis=0, keepdims=True)
    o_ref[1:2, :] += jnp.sum(w0 * w0, axis=0, keepdims=True)


def _w0stats(pp_e3, pc3, xk_e3, q3, *params):
    return pl.pallas_call(
        _w0stats_body,
        grid=(_GRID_E,),
        in_specs=[
            pl.BlockSpec((_BN, _NS, _C), lambda i: (i, 0, 0)),
            pl.BlockSpec((_BN, 1, _C), lambda i: (i, 0, 0)),
            pl.BlockSpec((_BN, _NS, _C), lambda i: (i, 0, 0)),
            pl.BlockSpec((_BN, 1, _C), lambda i: (i, 0, 0)),
            _full_spec((_C, 16)),
            _full_spec((1, 16)),
            _full_spec((1, 16)),
            _full_spec((1, 16)),
            _full_spec((16, _C)),
            _full_spec((1, _C)),
        ],
        out_specs=_full_spec((8, _C)),
        out_shape=jax.ShapeDtypeStruct((8, _C), jnp.float32),
    )(pp_e3, pc3, xk_e3, q3, *params)



def _w1_body(pp_ref, pc_ref, xk_ref, q_ref, wp1_ref, bp1_ref, at_ref, bt_ref,
             wp2_ref, bp2_ref, aw_ref, bw_ref, ww1_ref, bw1_ref,
             w1_ref, o_ref):
    @pl.when(pl.program_id(0) == 0)
    def _():
        o_ref[...] = jnp.zeros_like(o_ref)

    _, w0 = _front(pp_ref, pc_ref, xk_ref, q_ref, wp1_ref, bp1_ref, at_ref,
                   bt_ref, wp2_ref, bp2_ref)
    h1 = jnp.maximum(w0 * aw_ref[...] + bw_ref[...], 0.0)
    w1 = jnp.dot(h1, ww1_ref[...],
                 preferred_element_type=jnp.float32) + bw1_ref[...]
    w1_ref[...] = w1.reshape(_BN, _NS, 16)
    o_ref[0:1, :] += jnp.sum(w1, axis=0, keepdims=True)
    o_ref[1:2, :] += jnp.sum(w1 * w1, axis=0, keepdims=True)


def _w1pass(pp_e3, pc3, xk_e3, q3, *params):
    return pl.pallas_call(
        _w1_body,
        grid=(_GRID_E,),
        in_specs=[
            pl.BlockSpec((_BN, _NS, _C), lambda i: (i, 0, 0)),
            pl.BlockSpec((_BN, 1, _C), lambda i: (i, 0, 0)),
            pl.BlockSpec((_BN, _NS, _C), lambda i: (i, 0, 0)),
            pl.BlockSpec((_BN, 1, _C), lambda i: (i, 0, 0)),
            _full_spec((_C, 16)),
            _full_spec((1, 16)),
            _full_spec((1, 16)),
            _full_spec((1, 16)),
            _full_spec((16, _C)),
            _full_spec((1, _C)),
            _full_spec((1, _C)),
            _full_spec((1, _C)),
            _full_spec((_C, 16)),
            _full_spec((1, 16)),
        ],
        out_specs=[pl.BlockSpec((_BN, _NS, 16), lambda i: (i, 0, 0)),
                   _full_spec((8, 16))],
        out_shape=[jax.ShapeDtypeStruct((_N, _NS, 16), jnp.float32),
                   jax.ShapeDtypeStruct((8, 16), jnp.float32)],
    )(pp_e3, pc3, xk_e3, q3, *params)



def _final_body(w1_ref, xv_ref, pp_ref, pc_ref, wp1_ref, bp1_ref, at_ref,
                bt_ref, wp2_ref, bp2_ref, a2_ref, b2_ref, ww2_ref, bw2_ref,
                tmat_ref, o_ref):
    w1 = w1_ref[...].reshape(_BN * _NS, 16)
    h2 = jnp.maximum(w1 * a2_ref[...] + b2_ref[...], 0.0)
    w2 = (jnp.dot(h2, ww2_ref[...], preferred_element_type=jnp.float32)
          + bw2_ref[...]).reshape(_BN, _NS, 16)
    mx = jnp.max(w2, axis=1, keepdims=True)
    e = jnp.exp(w2 - mx)
    sm = e / jnp.sum(e, axis=1, keepdims=True)
    wfull = jnp.dot(sm.reshape(_BN * _NS, 16), tmat_ref[...],
                    preferred_element_type=jnp.float32
                    ).reshape(_BN, _NS, _C)
    pr = (pp_ref[...] - jnp.broadcast_to(pc_ref[...], (_BN, _NS, _C))
          ).reshape(_BN * _NS, _C)
    t = jnp.dot(pr, wp1_ref[...],
                preferred_element_type=jnp.float32) + bp1_ref[...]
    h = jnp.maximum(t * at_ref[...] + bt_ref[...], 0.0)
    pe = (jnp.dot(h, wp2_ref[...], preferred_element_type=jnp.float32)
          + bp2_ref[...]).reshape(_BN, _NS, _C)
    o_ref[...] = jnp.sum((xv_ref[...] + pe) * wfull, axis=1)


def _final(w1_e3, xv_e3, pp_e3, pc3, *params):
    return pl.pallas_call(
        _final_body,
        grid=(_GRID_E,),
        in_specs=[
            pl.BlockSpec((_BN, _NS, 16), lambda i: (i, 0, 0)),
            pl.BlockSpec((_BN, _NS, _C), lambda i: (i, 0, 0)),
            pl.BlockSpec((_BN, _NS, _C), lambda i: (i, 0, 0)),
            pl.BlockSpec((_BN, 1, _C), lambda i: (i, 0, 0)),
            _full_spec((_C, 16)),
            _full_spec((1, 16)),
            _full_spec((1, 16)),
            _full_spec((1, 16)),
            _full_spec((16, _C)),
            _full_spec((1, _C)),
            _full_spec((1, 16)),
            _full_spec((1, 16)),
            _full_spec((16, 16)),
            _full_spec((1, 16)),
            _full_spec((16, _C)),
        ],
        out_specs=pl.BlockSpec((_BN, _C), lambda i: (i, 0)),
        out_shape=jax.ShapeDtypeStruct((_N, _C), jnp.float32),
    )(w1_e3, xv_e3, pp_e3, pc3, *params)



def kernel(p, x, o, Wq, bq, Wk, bk, Wv, bv, Wp1, bp1, g_p, be_p, Wp2, bp2,
           g_w1, be_w1, Ww1, bw1, g_w2, be_w2, Ww2, bw2):
    f32 = jnp.float32
    W = jnp.concatenate([Wq, Wk, Wv], axis=1)
    b = jnp.concatenate([bq, bk, bv])[None, :]
    q, xk, xv = _qkv(x, W, b)

    p8 = jnp.pad(p, ((0, 0), (0, 5)))
    p_pad = jnp.pad(p8, ((0, _NPAD - _N), (0, 0)), constant_values=1e9)
    pt3 = p_pad.T.reshape(8, _NCHUNK, _CB).transpose(1, 0, 2)
    idx = _knn(p_pad, pt3)
    idx_flat = idx[:_N].reshape(-1)

    pp128 = jnp.pad(p, ((0, 0), (0, _C - 3)))
    xk_e, xv_e, pp_e = _gather3(idx_flat, xk, xv, pp128)

    Wp1p = jnp.zeros((_C, 16), f32).at[:3, :3].set(Wp1)
    bp1p = jnp.zeros((1, 16), f32).at[0, :3].set(bp1)
    M = float(_E)
    pp_e3 = pp_e.reshape(_N, _NS, _C)
    pc3 = pp128.reshape(_N, 1, _C)
    ts = _tstats(pp_e3, pc3, Wp1p, bp1p)
    mu_t = ts[0] / M
    var_t = ts[1] / M - mu_t * mu_t
    gp = jnp.zeros((16,), f32).at[:3].set(g_p)
    bep = jnp.zeros((16,), f32).at[:3].set(be_p)
    a_t = (gp * lax.rsqrt(var_t + _EPS))[None, :]
    b_t = bep[None, :] - mu_t[None, :] * a_t

    Wp2p = jnp.zeros((16, _C), f32).at[:3, :].set(Wp2)
    bp2r = bp2[None, :]
    xk_e3 = xk_e.reshape(_N, _NS, _C)
    xv_e3 = xv_e.reshape(_N, _NS, _C)
    q3 = q.reshape(_N, 1, _C)
    front_params = (Wp1p, bp1p, a_t, b_t, Wp2p, bp2r)

    ws = _w0stats(pp_e3, pc3, xk_e3, q3, *front_params)
    mu_w = ws[0] / M
    var_w = ws[1] / M - mu_w * mu_w
    a_w = (g_w1 * lax.rsqrt(var_w + _EPS))[None, :]
    b_w = be_w1[None, :] - mu_w[None, :] * a_w

    w1_e3, w1s = _w1pass(pp_e3, pc3, xk_e3, q3, *front_params,
                         a_w, b_w, Ww1, bw1[None, :])
    mu1 = w1s[0] / M
    var1 = w1s[1] / M - mu1 * mu1
    a_2 = (g_w2 * lax.rsqrt(var1 + _EPS))[None, :]
    b_2 = be_w2[None, :] - mu1[None, :] * a_2

    tmat = (lax.broadcasted_iota(jnp.int32, (16, _C), 1) % 16 ==
            lax.broadcasted_iota(jnp.int32, (16, _C), 0)).astype(f32)
    out = _final(w1_e3, xv_e3, pp_e3, pc3, *front_params,
                 a_2, b_2, Ww2, bw2[None, :], tmat)
    return out

# --- scband reference (transcript-rebuilt; emitter-appended) ---
"""Pipeline reference for scband-transformer-9242769621769 (READ-ONLY COPY).

The authoritative reference and input builder live on the scoring server;
editing this copy changes nothing except your own understanding.
"""

import jax, jax.numpy as jnp
import numpy as np

N = 10000
NSAMPLE = 16
C_IN = 128
C_OUT = 128
MID = 128
SHARE = 8


def knn_idx(p, nsample, chunk=1000):
    # brute-force kNN (includes self, like pointops.knnquery), chunked over queries
    def chunk_fn(pq):
        d = jnp.sum((pq[:, None, :] - p[None, :, :]) ** 2, axis=-1)
        _, idx = jax.lax.top_k(-d, nsample)
        return idx
    idx = jax.lax.map(chunk_fn, p.reshape(-1, chunk, 3))
    return idx.reshape(-1, nsample)


def bn_train(x_ncl, gamma, beta, eps=1e-5):
    # BatchNorm1d on [n, C, L] input, training-mode batch statistics (torch default)
    mean = x_ncl.mean(axis=(0, 2), keepdims=True)
    var = x_ncl.var(axis=(0, 2), keepdims=True)
    return (x_ncl - mean) / jnp.sqrt(var + eps) * gamma[None, :, None] + beta[None, :, None]


def _transformer_fwd(p, x, idx, params):
    (Wq, bq, Wk, bk, Wv, bv, Wp1, bp1, g_p, be_p, Wp2, bp2,
     g_w1, be_w1, Ww1, bw1, g_w2, be_w2, Ww2, bw2) = params
    x_q = x @ Wq + bq
    x_k = x @ Wk + bk
    x_v = x @ Wv + bv
    # pointops.queryandgroup: gather neighbors; use_xyz=True prepends relative coords
    p_r = p[idx] - p[:, None, :]        # [N, ns, 3]   (x_k[:, :, 0:3] in torch code)
    x_k = x_k[idx]                      # [N, ns, MID] (x_k[:, :, 3:])
    x_v = x_v[idx]                      # [N, ns, C_OUT] (use_xyz=False)
    # linear_p: Linear(3,3) -> BN(3) (on transposed) -> ReLU -> Linear(3, C_OUT)
    t = p_r @ Wp1 + bp1
    t = jnp.transpose(bn_train(jnp.transpose(t, (0, 2, 1)), g_p, be_p), (0, 2, 1))
    t = jax.nn.relu(t)
    pe = t @ Wp2 + bp2                  # [N, ns, C_OUT]
    # p_r.view(n, ns, C_OUT//MID, MID).sum(2) == pe since C_OUT//MID == 1
    w = x_k - x_q[:, None, :] + pe
    # linear_w: BN(MID) -> ReLU -> Linear(MID, MID//s) -> BN -> ReLU -> Linear
    w = jnp.transpose(bn_train(jnp.transpose(w, (0, 2, 1)), g_w1, be_w1), (0, 2, 1))
    w = jax.nn.relu(w)
    w = w @ Ww1 + bw1
    w = jnp.transpose(bn_train(jnp.transpose(w, (0, 2, 1)), g_w2, be_w2), (0, 2, 1))
    w = jax.nn.relu(w)
    w = w @ Ww2 + bw2
    w = jax.nn.softmax(w, axis=1)       # softmax over nsample dim
    n, ns, c = x_v.shape
    s = SHARE
    out = ((x_v + pe).reshape(n, ns, s, c // s) * w[:, :, None, :]).sum(axis=1).reshape(n, c)
    return out


def setup_inputs(seed: int = 0):
    key = jax.random.key(seed)
    ks = jax.random.split(key, 16)
    sd = 0.05
    inp = {}
    inp["p"] = jax.random.uniform(ks[0], (N, 3), jnp.float32) * 10.0
    inp["x"] = jax.random.normal(ks[1], (N, C_IN), jnp.float32)
    inp["o"] = jnp.array([N], dtype=jnp.int32)
    inp["Wq"] = jax.random.normal(ks[2], (C_IN, MID), jnp.float32) * sd
    inp["bq"] = jnp.zeros((MID,), jnp.float32)
    inp["Wk"] = jax.random.normal(ks[3], (C_IN, MID), jnp.float32) * sd
    inp["bk"] = jnp.zeros((MID,), jnp.float32)
    inp["Wv"] = jax.random.normal(ks[4], (C_IN, C_OUT), jnp.float32) * sd
    inp["bv"] = jnp.zeros((C_OUT,), jnp.float32)
    inp["Wp1"] = jax.random.normal(ks[5], (3, 3), jnp.float32) * 0.3
    inp["bp1"] = jnp.zeros((3,), jnp.float32)
    inp["g_p"] = jnp.ones((3,), jnp.float32)
    inp["be_p"] = jnp.zeros((3,), jnp.float32)
    inp["Wp2"] = jax.random.normal(ks[6], (3, C_OUT), jnp.float32) * 0.3
    inp["bp2"] = jnp.zeros((C_OUT,), jnp.float32)
    inp["g_w1"] = jnp.ones((MID,), jnp.float32)
    inp["be_w1"] = jnp.zeros((MID,), jnp.float32)
    inp["Ww1"] = jax.random.normal(ks[7], (MID, MID // SHARE), jnp.float32) * sd
    inp["bw1"] = jnp.zeros((MID // SHARE,), jnp.float32)
    inp["g_w2"] = jnp.ones((MID // SHARE,), jnp.float32)
    inp["be_w2"] = jnp.zeros((MID // SHARE,), jnp.float32)
    inp["Ww2"] = jax.random.normal(ks[8], (C_OUT // SHARE, C_OUT // SHARE), jnp.float32) * sd
    inp["bw2"] = jnp.zeros((C_OUT // SHARE,), jnp.float32)
    return inp


def reference(p, x, o, Wq, bq, Wk, bk, Wv, bv, Wp1, bp1, g_p, be_p, Wp2, bp2,
              g_w1, be_w1, Ww1, bw1, g_w2, be_w2, Ww2, bw2):
    # o is the batch offset vector; single batch here (o == [N]) so kNN is global
    idx = knn_idx(p, NSAMPLE)
    params = (Wq, bq, Wk, bk, Wv, bv, Wp1, bp1, g_p, be_p, Wp2, bp2,
              g_w1, be_w1, Ww1, bw1, g_w2, be_w2, Ww2, bw2)
    return _transformer_fwd(p, x, idx, params)

if __name__ == "__main__":
    import jax
    _d = setup_inputs()
    print(jax.jit(kernel)(*tuple(_d.values())))

</pallas_src>

<mosaic_0001>
#map = affine_map<(d0, d1) -> (0)>
#map1 = affine_map<(d0, d1) -> (0, 0)>
module attributes {stable_mosaic.version = 14 : i64} {
  func.func @gath(%arg0: i32, %arg1: i32, %arg2: memref<160000xi32, #tpu.memory_space<hbm>>, %arg3: memref<10000x128xf32, #tpu.memory_space<hbm>>, %arg4: memref<10000x128xf32, #tpu.memory_space<hbm>>, %arg5: memref<10000x128xf32, #tpu.memory_space<hbm>>, %arg6: memref<160000x128xf32, #tpu.memory_space<hbm>>, %arg7: memref<160000x128xf32, #tpu.memory_space<hbm>>, %arg8: memref<160000x128xf32, #tpu.memory_space<hbm>>, %arg9: memref<40xi32, #tpu.memory_space<vmem>>, %arg10: memref<40x128xf32, #tpu.memory_space<vmem>>, %arg11: memref<40x128xf32, #tpu.memory_space<vmem>>, %arg12: memref<40x128xf32, #tpu.memory_space<vmem>>, %arg13: memref<!tpu.dma_semaphore, #tpu.memory_space<semaphore_mem>>, %arg14: memref<!tpu.dma_semaphore, #tpu.memory_space<semaphore_mem>>, %arg15: memref<!tpu.dma_semaphore, #tpu.memory_space<semaphore_mem>>) attributes {dimension_semantics = [#tpu.dimension_semantics<core_parallel>, #tpu.dimension_semantics<subcore_parallel>], iteration_bounds = array<i64: 2, 16>, scalar_prefetch = 0 : i64, scratch_operands = 7 : i64, tpu.core_type = #tpu.core_type<sc_vector_subcore>, window_params = [{transform_indices = #map}, {transform_indices = #map1}, {transform_indices = #map1}, {transform_indices = #map1}, {transform_indices = #map1}, {transform_indices = #map1}, {transform_indices = #map1}]} {
    %mul3A = arith.constant 2 : i32
    %mul3A_0 = arith.muli %arg1, %mul3A : i32
    %add3A = arith.addi %mul3A_0, %arg0 : i32
    %mul3A_1 = arith.constant 5000 : i32
    %mul3A_2 = arith.muli %add3A, %mul3A_1 : i32
    %scan3A = arith.constant 0 : i32
    %scan3A_3 = arith.constant 0 : i32
    %scan3A_4 = arith.constant 125 : i32
    %scan3A_5 = arith.addi %scan3A_3, %scan3A_4 : i32
    %scan3A_6 = arith.constant 1 : i32
    %scan3A_7 = scf.for %scan3A_9 = %scan3A_3 to %scan3A_5 step %scan3A_6 iter_args(%scan3A_10 = %scan3A) -> (i32)  : i32 {
      %mul3A_11 = arith.constant 40 : i32
      %mul3A_12 = arith.muli %scan3A_9, %mul3A_11 : i32
      %add3A_13 = arith.addi %mul3A_2, %mul3A_12 : i32
      "tpu.region"() ({
        %run_scoped3A = tpu.sem_alloc : memref<!tpu.dma_semaphore, #tpu.memory_space<semaphore_mem>>
        %dma_start3A_31 = tpu.memref_slice %arg2[%add3A_13] : memref<160000xi32, #tpu.memory_space<hbm>> -> memref<40xi32, #tpu.memory_space<hbm>>
        %dma_start3A_32 = tpu.memref_slice %arg2[%add3A_13] : memref<160000xi32, #tpu.memory_space<hbm>> -> memref<40xi32, #tpu.memory_space<hbm>>
        tpu.enqueue_dma source(%dma_start3A_32 : memref<40xi32, #tpu.memory_space<hbm>>) target(%arg9 : memref<40xi32, #tpu.memory_space<vmem>>) target_semaphore(%run_scoped3A : memref<!tpu.dma_semaphore, #tpu.memory_space<semaphore_mem>>)
        %dma_wait3A_33 = tpu.memref_slice %arg2[%add3A_13] : memref<160000xi32, #tpu.memory_space<hbm>> -> memref<40xi32, #tpu.memory_space<hbm>>
        %dma_wait3A_34 = tpu.memref_slice %arg2[%add3A_13] : memref<160000xi32, #tpu.memory_space<hbm>> -> memref<40xi32, #tpu.memory_space<hbm>>
        tpu.wait_dma2 semaphore(%run_scoped3A : memref<!tpu.dma_semaphore, #tpu.memory_space<semaphore_mem>>) src(%dma_wait3A_34 : memref<40xi32, #tpu.memory_space<hbm>>) dst(%arg9 : memref<40xi32, #tpu.memory_space<vmem>>)
        tpu.yield
      }) : () -> ()
      %dma_start3A = arith.constant 0 : i32
      %dma_start3A_14 = arith.constant 0 : i32
      %dma_start3A_15 = tpu.memref_slice %arg3[%dma_start3A, %dma_start3A_14] : memref<10000x128xf32, #tpu.memory_space<hbm>> -> memref<10000x128xf32, #tpu.memory_space<hbm>>
      tpu.enqueue_indirect_dma source(%dma_start3A_15 : memref<10000x128xf32, #tpu.memory_space<hbm>>) target(%arg10 : memref<40x128xf32, #tpu.memory_space<vmem>>) offsets(%arg9 : memref<40xi32, #tpu.memory_space<vmem>>) semaphore(%arg13 : memref<!tpu.dma_semaphore, #tpu.memory_space<semaphore_mem>>)
      %dma_start3A_16 = arith.constant 0 : i32
      %dma_start3A_17 = arith.constant 0 : i32
      %dma_start3A_18 = tpu.memref_slice %arg4[%dma_start3A_16, %dma_start3A_17] : memref<10000x128xf32, #tpu.memory_space<hbm>> -> memref<10000x128xf32, #tpu.memory_space<hbm>>
      tpu.enqueue_indirect_dma source(%dma_start3A_18 : memref<10000x128xf32, #tpu.memory_space<hbm>>) target(%arg11 : memref<40x128xf32, #tpu.memory_space<vmem>>) offsets(%arg9 : memref<40xi32, #tpu.memory_space<vmem>>) semaphore(%arg14 : memref<!tpu.dma_semaphore, #tpu.memory_space<semaphore_mem>>)
      %dma_start3A_19 = arith.constant 0 : i32
      %dma_start3A_20 = arith.constant 0 : i32
      %dma_start3A_21 = tpu.memref_slice %arg5[%dma_start3A_19, %dma_start3A_20] : memref<10000x128xf32, #tpu.memory_space<hbm>> -> memref<10000x128xf32, #tpu.memory_space<hbm>>
      tpu.enqueue_indirect_dma source(%dma_start3A_21 : memref<10000x128xf32, #tpu.memory_space<hbm>>) target(%arg12 : memref<40x128xf32, #tpu.memory_space<vmem>>) offsets(%arg9 : memref<40xi32, #tpu.memory_space<vmem>>) semaphore(%arg15 : memref<!tpu.dma_semaphore, #tpu.memory_space<semaphore_mem>>)
      %dma_wait3A = arith.constant 0 : i32
      %dma_wait3A_22 = arith.constant 0 : i32
      %dma_wait3A_23 = tpu.memref_slice %arg3[%dma_wait3A, %dma_wait3A_22] : memref<10000x128xf32, #tpu.memory_space<hbm>> -> memref<10000x128xf32, #tpu.memory_space<hbm>>
      tpu.wait_indirect_dma semaphore(%arg13 : memref<!tpu.dma_semaphore, #tpu.memory_space<semaphore_mem>>) src(%dma_wait3A_23 : memref<10000x128xf32, #tpu.memory_space<hbm>>) dst(%arg10 : memref<40x128xf32, #tpu.memory_space<vmem>>)
      %dma_wait3A_24 = arith.constant 0 : i32
      %dma_wait3A_25 = arith.constant 0 : i32
      %dma_wait3A_26 = tpu.memref_slice %arg4[%dma_wait3A_24, %dma_wait3A_25] : memref<10000x128xf32, #tpu.memory_space<hbm>> -> memref<10000x128xf32, #tpu.memory_space<hbm>>
      tpu.wait_indirect_dma semaphore(%arg14 : memref<!tpu.dma_semaphore, #tpu.memory_space<semaphore_mem>>) src(%dma_wait3A_26 : memref<10000x128xf32, #tpu.memory_space<hbm>>) dst(%arg11 : memref<40x128xf32, #tpu.memory_space<vmem>>)
      %dma_wait3A_27 = arith.constant 0 : i32
      %dma_wait3A_28 = arith.constant 0 : i32
      %dma_wait3A_29 = tpu.memref_slice %arg5[%dma_wait3A_27, %dma_wait3A_28] : memref<10000x128xf32, #tpu.memory_space<hbm>> -> memref<10000x128xf32, #tpu.memory_space<hbm>>
      tpu.wait_indirect_dma semaphore(%arg15 : memref<!tpu.dma_semaphore, #tpu.memory_space<semaphore_mem>>) src(%dma_wait3A_29 : memref<10000x128xf32, #tpu.memory_space<hbm>>) dst(%arg12 : memref<40x128xf32, #tpu.memory_space<vmem>>)
      "tpu.region"() ({
        %run_scoped3A = tpu.sem_alloc : memref<!tpu.dma_semaphore, #tpu.memory_space<semaphore_mem>>
        %dma_start3A_31 = arith.constant 0 : i32
        %dma_start3A_32 = tpu.memref_slice %arg6[%add3A_13, %dma_start3A_31] : memref<160000x128xf32, #tpu.memory_space<hbm>> -> memref<40x128xf32, #tpu.memory_space<hbm>>
        %dma_start3A_33 = arith.constant 0 : i32
        %dma_start3A_34 = tpu.memref_slice %arg6[%add3A_13, %dma_start3A_33] : memref<160000x128xf32, #tpu.memory_space<hbm>> -> memref<40x128xf32, #tpu.memory_space<hbm>>
        tpu.enqueue_dma source(%arg10 : memref<40x128xf32, #tpu.memory_space<vmem>>) target(%dma_start3A_34 : memref<40x128xf32, #tpu.memory_space<hbm>>) target_semaphore(%run_scoped3A : memref<!tpu.dma_semaphore, #tpu.memory_space<semaphore_mem>>)
        %dma_wait3A_35 = arith.constant 0 : i32
        %dma_wait3A_36 = tpu.memref_slice %arg6[%add3A_13, %dma_wait3A_35] : memref<160000x128xf32, #tpu.memory_space<hbm>> -> memref<40x128xf32, #tpu.memory_space<hbm>>
        %dma_wait3A_37 = arith.constant 0 : i32
        %dma_wait3A_38 = tpu.memref_slice %arg6[%add3A_13, %dma_wait3A_37] : memref<160000x128xf32, #tpu.memory_space<hbm>> -> memref<40x128xf32, #tpu.memory_space<hbm>>
        tpu.wait_dma2 semaphore(%run_scoped3A : memref<!tpu.dma_semaphore, #tpu.memory_space<semaphore_mem>>) src(%arg10 : memref<40x128xf32, #tpu.memory_space<vmem>>) dst(%dma_wait3A_38 : memref<40x128xf32, #tpu.memory_space<hbm>>)
        tpu.yield
      }) : () -> ()
      "tpu.region"() ({
        %run_scoped3A = tpu.sem_alloc : memref<!tpu.dma_semaphore, #tpu.memory_space<semaphore_mem>>
        %dma_start3A_31 = arith.constant 0 : i32
        %dma_start3A_32 = tpu.memref_slice %arg7[%add3A_13, %dma_start3A_31] : memref<160000x128xf32, #tpu.memory_space<hbm>> -> memref<40x128xf32, #tpu.memory_space<hbm>>
        %dma_start3A_33 = arith.constant 0 : i32
        %dma_start3A_34 = tpu.memref_slice %arg7[%add3A_13, %dma_start3A_33] : memref<160000x128xf32, #tpu.memory_space<hbm>> -> memref<40x128xf32, #tpu.memory_space<hbm>>
        tpu.enqueue_dma source(%arg11 : memref<40x128xf32, #tpu.memory_space<vmem>>) target(%dma_start3A_34 : memref<40x128xf32, #tpu.memory_space<hbm>>) target_semaphore(%run_scoped3A : memref<!tpu.dma_semaphore, #tpu.memory_space<semaphore_mem>>)
        %dma_wait3A_35 = arith.constant 0 : i32
        %dma_wait3A_36 = tpu.memref_slice %arg7[%add3A_13, %dma_wait3A_35] : memref<160000x128xf32, #tpu.memory_space<hbm>> -> memref<40x128xf32, #tpu.memory_space<hbm>>
        %dma_wait3A_37 = arith.constant 0 : i32
        %dma_wait3A_38 = tpu.memref_slice %arg7[%add3A_13, %dma_wait3A_37] : memref<160000x128xf32, #tpu.memory_space<hbm>> -> memref<40x128xf32, #tpu.memory_space<hbm>>
        tpu.wait_dma2 semaphore(%run_scoped3A : memref<!tpu.dma_semaphore, #tpu.memory_space<semaphore_mem>>) src(%arg11 : memref<40x128xf32, #tpu.memory_space<vmem>>) dst(%dma_wait3A_38 : memref<40x128xf32, #tpu.memory_space<hbm>>)
        tpu.yield
      }) : () -> ()
      "tpu.region"() ({
        %run_scoped3A = tpu.sem_alloc : memref<!tpu.dma_semaphore, #tpu.memory_space<semaphore_mem>>
        %dma_start3A_31 = arith.constant 0 : i32
        %dma_start3A_32 = tpu.memref_slice %arg8[%add3A_13, %dma_start3A_31] : memref<160000x128xf32, #tpu.memory_space<hbm>> -> memref<40x128xf32, #tpu.memory_space<hbm>>
        %dma_start3A_33 = arith.constant 0 : i32
        %dma_start3A_34 = tpu.memref_slice %arg8[%add3A_13, %dma_start3A_33] : memref<160000x128xf32, #tpu.memory_space<hbm>> -> memref<40x128xf32, #tpu.memory_space<hbm>>
        tpu.enqueue_dma source(%arg12 : memref<40x128xf32, #tpu.memory_space<vmem>>) target(%dma_start3A_34 : memref<40x128xf32, #tpu.memory_space<hbm>>) target_semaphore(%run_scoped3A : memref<!tpu.dma_semaphore, #tpu.memory_space<semaphore_mem>>)
        %dma_wait3A_35 = arith.constant 0 : i32
        %dma_wait3A_36 = tpu.memref_slice %arg8[%add3A_13, %dma_wait3A_35] : memref<160000x128xf32, #tpu.memory_space<hbm>> -> memref<40x128xf32, #tpu.memory_space<hbm>>
        %dma_wait3A_37 = arith.constant 0 : i32
        %dma_wait3A_38 = tpu.memref_slice %arg8[%add3A_13, %dma_wait3A_37] : memref<160000x128xf32, #tpu.memory_space<hbm>> -> memref<40x128xf32, #tpu.memory_space<hbm>>
        tpu.wait_dma2 semaphore(%run_scoped3A : memref<!tpu.dma_semaphore, #tpu.memory_space<semaphore_mem>>) src(%arg12 : memref<40x128xf32, #tpu.memory_space<vmem>>) dst(%dma_wait3A_38 : memref<40x128xf32, #tpu.memory_space<hbm>>)
        tpu.yield
      }) : () -> ()
      %scan3A_30 = arith.constant 0 : i32
      scf.yield %scan3A_30 : i32
    }
    %scan3A_8 = arith.constant 125 : i32
    return
  }
}

module attributes {stable_mosaic.version = 14 : i64} {
  func.func @_knn_body(%arg0: i32, %arg1: memref<128x8xf32, #tpu.memory_space<vmem>>, %arg2: memref<10x8x1024xf32, #tpu.memory_space<vmem>>, %arg3: memref<128x16xi32, #tpu.memory_space<vmem>>, %arg4: memref<10x128x1024xf32, #tpu.memory_space<vmem>>, %arg5: memref<10x128x8xf32, #tpu.memory_space<vmem>>, %arg6: memref<10x128x8xi32, #tpu.memory_space<vmem>>) attributes {dimension_semantics = [#tpu.dimension_semantics<arbitrary>], iteration_bounds = array<i64: 80>, scalar_prefetch = 0 : i64, scratch_operands = 3 : i64, tpu.core_type = #tpu.core_type<tc>, window_params = [{transform_indices = @transform_0, window_bounds = array<i64: 128, 8>}, {pipeline_mode = #tpu.pipeline_mode<synchronous>, transform_indices = @transform_1, window_bounds = array<i64: 10, 8, 1024>}, {transform_indices = @transform_2, window_bounds = array<i64: 128, 16>}]} {
    %scan3A = arith.constant 0 : i32
    %scan3A_0 = arith.constant 10 : i32
    %scan3A_1 = arith.addi %scan3A, %scan3A_0 : i32
    %scan3A_2 = arith.constant 1 : i32
    scf.for %scan3A_584 = %scan3A to %scan3A_1 step %scan3A_2  : i32 {
      %get3A_585 = arith.index_cast %scan3A_584 : i32 to index
      %get3A_586 = arith.constant 0 : index
      %get3A_587 = arith.constant 0 : index
      %get3A_588 = vector.load %arg2[%get3A_585, %get3A_586, %get3A_587] : memref<10x8x1024xf32, #tpu.memory_space<vmem>>, vector<1x8x1024xf32>
      %get3A_589 = vector.shape_cast %get3A_588 : vector<1x8x1024xf32> to vector<8x1024xf32>
      %get3A_590 = arith.constant 0 : index
      %get3A_591 = arith.constant 0 : index
      %get3A_592 = vector.load %arg1[%get3A_590, %get3A_591] : memref<128x8xf32, #tpu.memory_space<vmem>>, vector<128x1xf32>
      %slice3A = vector.extract_strided_slice %get3A_589 {offsets = [0, 0], sizes = [1, 1024], strides = [1, 1]} : vector<8x1024xf32> to vector<1x1024xf32>
      %sub3A = vector.broadcast %get3A_592 : vector<128x1xf32> to vector<128x1024xf32>
      %sub3A_593 = vector.broadcast %slice3A : vector<1x1024xf32> to vector<128x1024xf32>
      %sub3A_594 = arith.subf %sub3A, %sub3A_593 : vector<128x1024xf32>
      %get3A_595 = arith.constant 0 : index
      %get3A_596 = arith.constant 1 : index
      %get3A_597 = vector.load %arg1[%get3A_595, %get3A_596] : memref<128x8xf32, #tpu.memory_space<vmem>>, vector<128x1xf32>
      %slice3A_598 = vector.extract_strided_slice %get3A_589 {offsets = [1, 0], sizes = [1, 1024], strides = [1, 1]} : vector<8x1024xf32> to vector<1x1024xf32>
      %sub3A_599 = vector.broadcast %get3A_597 : vector<128x1xf32> to vector<128x1024xf32>
      %sub3A_600 = vector.broadcast %slice3A_598 : vector<1x1024xf32> to vector<128x1024xf32>
      %sub3A_601 = arith.subf %sub3A_599, %sub3A_600 : vector<128x1024xf32>
      %get3A_602 = arith.constant 0 : index
      %get3A_603 = arith.constant 2 : index
      %get3A_604 = vector.load %arg1[%get3A_602, %get3A_603] : memref<128x8xf32, #tpu.memory_space<vmem>>, vector<128x1xf32>
      %slice3A_605 = vector.extract_strided_slice %get3A_589 {offsets = [2, 0], sizes = [1, 1024], strides = [1, 1]} : vector<8x1024xf32> to vector<1x1024xf32>
      %sub3A_606 = vector.broadcast %get3A_604 : vector<128x1xf32> to vector<128x1024xf32>
      %sub3A_607 = vector.broadcast %slice3A_605 : vector<1x1024xf32> to vector<128x1024xf32>
      %sub3A_608 = arith.subf %sub3A_606, %sub3A_607 : vector<128x1024xf32>
      %mul3A = arith.mulf %sub3A_594, %sub3A_594 : vector<128x1024xf32>
      %mul3A_609 = arith.mulf %sub3A_601, %sub3A_601 : vector<128x1024xf32>
      %add3A = arith.addf %mul3A, %mul3A_609 : vector<128x1024xf32>
      %mul3A_610 = arith.mulf %sub3A_608, %sub3A_608 : vector<128x1024xf32>
      %add3A_611 = arith.addf %add3A, %mul3A_610 : vector<128x1024xf32>
      %swap3A_612 = arith.index_cast %scan3A_584 : i32 to index
      %swap3A_613 = arith.constant 0 : index
      %swap3A_614 = arith.constant 0 : index
      %swap3A_615 = vector.load %arg4[%swap3A_612, %swap3A_613, %swap3A_614] : memref<10x128x1024xf32, #tpu.memory_space<vmem>>, vector<1x128x1024xf32>
      %swap3A_616 = vector.shape_cast %swap3A_615 : vector<1x128x1024xf32> to vector<128x1024xf32>
      %swap3A_617 = vector.shape_cast %add3A_611 : vector<128x1024xf32> to vector<1x128x1024xf32>
      tpu.vector_store %arg4[%swap3A_612, %swap3A_613, %swap3A_614], %swap3A_617 {strides = array<i32>} : memref<10x128x1024xf32, #tpu.memory_space<vmem>>, vector<1x128x1024xf32>,
    }
    %scan3A_3 = arith.constant 10 : i32
    %scan3A_4 = arith.constant 0x7F800000 : f32
    %scan3A_5 = arith.constant 1073741824 : i32
    %scan3A_6 = arith.constant 0 : i32
    %scan3A_7 = arith.constant 10 : i32
    %scan3A_8 = arith.addi %scan3A_6, %scan3A_7 : i32
    %scan3A_9 = arith.constant 1 : i32
    scf.for %scan3A_584 = %scan3A_6 to %scan3A_8 step %scan3A_9  : i32 {
      %iota3A_585 = tpu.iota {dimensions = array<i32: 1>} : vector<128x1024xi32>
      %mul3A = arith.constant 1024 : i32
      %mul3A_586 = arith.muli %scan3A_584, %mul3A : i32
      %add3A = vector.broadcast %mul3A_586 : i32 to vector<128x1024xi32>
      %add3A_587 = arith.addi %iota3A_585, %add3A : vector<128x1024xi32>
      %broadcast_in_dim3A_588 = arith.constant -1 : i32
      %broadcast_in_dim3A_589 = vector.broadcast %broadcast_in_dim3A_588 : i32 to vector<128x1xi32>
      %eq3A_590 = vector.broadcast %broadcast_in_dim3A_589 : vector<128x1xi32> to vector<128x1024xi32>
      %eq3A_591 = arith.cmpi eq, %add3A_587, %eq3A_590 : vector<128x1024xi32>
      %get3A_592 = arith.index_cast %scan3A_584 : i32 to index
      %get3A_593 = arith.constant 0 : index
      %get3A_594 = arith.constant 0 : index
      %get3A_595 = vector.load %arg4[%get3A_592, %get3A_593, %get3A_594] : memref<10x128x1024xf32, #tpu.memory_space<vmem>>, vector<1x128x1024xf32>
      %get3A_596 = vector.shape_cast %get3A_595 : vector<1x128x1024xf32> to vector<128x1024xf32>
      %broadcast_in_dim3A_597 = vector.broadcast %scan3A_4 : f32 to vector<128x1024xf32>
      %select_n3A_598 = arith.select %eq3A_591, %broadcast_in_dim3A_597, %get3A_596 : vector<128x1024xi1>, vector<128x1024xf32>
      %swap3A_599 = arith.index_cast %scan3A_584 : i32 to index
      %swap3A_600 = arith.constant 0 : index
      %swap3A_601 = arith.constant 0 : index
      %swap3A_602 = vector.load %arg4[%swap3A_599, %swap3A_600, %swap3A_601] : memref<10x128x1024xf32, #tpu.memory_space<vmem>>, vector<1x128x1024xf32>
      %swap3A_603 = vector.shape_cast %swap3A_602 : vector<1x128x1024xf32> to vector<128x1024xf32>
      %swap3A_604 = vector.shape_cast %select_n3A_598 : vector<128x1024xf32> to vector<1x128x1024xf32>
      tpu.vector_store %arg4[%swap3A_599, %swap3A_600, %swap3A_601], %swap3A_604 {strides = array<i32>} : memref<10x128x1024xf32, #tpu.memory_space<vmem>>, vector<1x128x1024xf32>,
      %reduce_min3A_605 = arith.constant dense<0x7F800000> : vector<128xf32>
      %reduce_min3A_606 = vector.multi_reduction <minimumf>, %select_n3A_598, %reduce_min3A_605 [1] : vector<128x1024xf32> to vector<128xf32>
      %broadcast_in_dim3A_607 = vector.shape_cast %reduce_min3A_606 : vector<128xf32> to vector<128x1xf32>
      %eq3A_608 = vector.broadcast %broadcast_in_dim3A_607 : vector<128x1xf32> to vector<128x1024xf32>
      %eq3A_609 = arith.cmpf oeq, %select_n3A_598, %eq3A_608 : vector<128x1024xf32>
      %broadcast_in_dim3A_610 = vector.broadcast %scan3A_5 : i32 to vector<128x1024xi32>
      %select_n3A_611 = arith.select %eq3A_609, %add3A_587, %broadcast_in_dim3A_610 : vector<128x1024xi1>, vector<128x1024xi32>
      %reduce_min3A_612 = arith.constant dense<2147483647> : vector<128xi32>
      %reduce_min3A_613 = vector.multi_reduction <minsi>, %select_n3A_611, %reduce_min3A_612 [1] : vector<128x1024xi32> to vector<128xi32>
      %broadcast_in_dim3A_614 = vector.shape_cast %reduce_min3A_613 : vector<128xi32> to vector<128x1xi32>
      %eq3A_615 = vector.broadcast %broadcast_in_dim3A_614 : vector<128x1xi32> to vector<128x1024xi32>
      %eq3A_616 = arith.cmpi eq, %add3A_587, %eq3A_615 : vector<128x1024xi32>
      %get3A_617 = arith.index_cast %scan3A_584 : i32 to index
      %get3A_618 = arith.constant 0 : index
      %get3A_619 = arith.constant 0 : index
      %get3A_620 = vector.load %arg4[%get3A_617, %get3A_618, %get3A_619] : memref<10x128x1024xf32, #tpu.memory_space<vmem>>, vector<1x128x1024xf32>
      %get3A_621 = vector.shape_cast %get3A_620 : vector<1x128x1024xf32> to vector<128x1024xf32>
      %broadcast_in_dim3A_622 = vector.broadcast %scan3A_4 : f32 to vector<128x1024xf32>
      %select_n3A_623 = arith.select %eq3A_616, %broadcast_in_dim3A_622, %get3A_621 : vector<128x1024xi1>, vector<128x1024xf32>
      %swap3A_624 = arith.index_cast %scan3A_584 : i32 to index
      %swap3A_625 = arith.constant 0 : index
      %swap3A_626 = arith.constant 0 : index
      %swap3A_627 = vector.load %arg4[%swap3A_624, %swap3A_625, %swap3A_626] : memref<10x128x1024xf32, #tpu.memory_space<vmem>>, vector<1x128x1024xf32>
      %swap3A_628 = vector.shape_cast %swap3A_627 : vector<1x128x1024xf32> to vector<128x1024xf32>
      %swap3A_629 = vector.shape_cast %select_n3A_623 : vector<128x1024xf32> to vector<1x128x1024xf32>
      tpu.vector_store %arg4[%swap3A_624, %swap3A_625, %swap3A_626], %swap3A_629 {strides = array<i32>} : memref<10x128x1024xf32, #tpu.memory_space<vmem>>, vector<1x128x1024xf32>,
      %reduce_min3A_630 = arith.constant dense<0x7F800000> : vector<128xf32>
      %reduce_min3A_631 = vector.multi_reduction <minimumf>, %select_n3A_623, %reduce_min3A_630 [1] : vector<128x1024xf32> to vector<128xf32>
      %broadcast_in_dim3A_632 = vector.shape_cast %reduce_min3A_631 : vector<128xf32> to vector<128x1xf32>
      %eq3A_633 = vector.broadcast %broadcast_in_dim3A_632 : vector<128x1xf32> to vector<128x1024xf32>
      %eq3A_634 = arith.cmpf oeq, %select_n3A_623, %eq3A_633 : vector<128x1024xf32>
      %broadcast_in_dim3A_635 = vector.broadcast %scan3A_5 : i32 to vector<128x1024xi32>
      %select_n3A_636 = arith.select %eq3A_634, %add3A_587, %broadcast_in_dim3A_635 : vector<128x1024xi1>, vector<128x1024xi32>
      %reduce_min3A_637 = arith.constant dense<2147483647> : vector<128xi32>
      %reduce_min3A_638 = vector.multi_reduction <minsi>, %select_n3A_636, %reduce_min3A_637 [1] : vector<128x1024xi32> to vector<128xi32>
      %broadcast_in_dim3A_639 = vector.shape_cast %reduce_min3A_638 : vector<128xi32> to vector<128x1xi32>
      %eq3A_640 = vector.broadcast %broadcast_in_dim3A_639 : vector<128x1xi32> to vector<128x1024xi32>
      %eq3A_641 = arith.cmpi eq, %add3A_587, %eq3A_640 : vector<128x1024xi32>
      %get3A_642 = arith.index_cast %scan3A_584 : i32 to index
      %get3A_643 = arith.constant 0 : index
      %get3A_644 = arith.constant 0 : index
      %get3A_645 = vector.load %arg4[%get3A_642, %get3A_643, %get3A_644] : memref<10x128x1024xf32, #tpu.memory_space<vmem>>, vector<1x128x1024xf32>
      %get3A_646 = vector.shape_cast %get3A_645 : vector<1x128x1024xf32> to vector<128x1024xf32>
      %broadcast_in_dim3A_647 = vector.broadcast %scan3A_4 : f32 to vector<128x1024xf32>
      %select_n3A_648 = arith.select %eq3A_641, %broadcast_in_dim3A_647, %get3A_646 : vector<128x1024xi1>, vector<128x1024xf32>
      %swap3A_649 = arith.index_cast %scan3A_584 : i32 to index
      %swap3A_650 = arith.constant 0 : index
      %swap3A_651 = arith.constant 0 : index
      %swap3A_652 = vector.load %arg4[%swap3A_649, %swap3A_650, %swap3A_651] : memref<10x128x1024xf32, #tpu.memory_space<vmem>>, vector<1x128x1024xf32>
      %swap3A_653 = vector.shape_cast %swap3A_652 : vector<1x128x1024xf32> to vector<128x1024xf32>
      %swap3A_654 = vector.shape_cast %select_n3A_648 : vector<128x1024xf32> to vector<1x128x1024xf32>
      tpu.vector_store %arg4[%swap3A_649, %swap3A_650, %swap3A_651], %swap3A_654 {strides = array<i32>} : memref<10x128x1024xf32, #tpu.memory_space<vmem>>, vector<1x128x1024xf32>,
      %reduce_min3A_655 = arith.constant dense<0x7F800000> : vector<128xf32>
      %reduce_min3A_656 = vector.multi_reduction <minimumf>, %select_n3A_648, %reduce_min3A_655 [1] : vector<128x1024xf32> to vector<128xf32>
      %broadcast_in_dim3A_657 = vector.shape_cast %reduce_min3A_656 : vector<128xf32> to vector<128x1xf32>
      %eq3A_658 = vector.broadcast %broadcast_in_dim3A_657 : vector<128x1xf32> to vector<128x1024xf32>
      %eq3A_659 = arith.cmpf oeq, %select_n3A_648, %eq3A_658 : vector<128x1024xf32>
      %broadcast_in_dim3A_660 = vector.broadcast %scan3A_5 : i32 to vector<128x1024xi32>
      %select_n3A_661 = arith.select %eq3A_659, %add3A_587, %broadcast_in_dim3A_660 : vector<128x1024xi1>, vector<128x1024xi32>
      %reduce_min3A_662 = arith.constant dense<2147483647> : vector<128xi32>
      %reduce_min3A_663 = vector.multi_reduction <minsi>, %select_n3A_661, %reduce_min3A_662 [1] : vector<128x1024xi32> to vector<128xi32>
      %broadcast_in_dim3A_664 = vector.shape_cast %reduce_min3A_663 : vector<128xi32> to vector<128x1xi32>
      %eq3A_665 = vector.broadcast %broadcast_in_dim3A_664 : vector<128x1xi32> to vector<128x1024xi32>
      %eq3A_666 = arith.cmpi eq, %add3A_587, %eq3A_665 : vector<128x1024xi32>
      %get3A_667 = arith.index_cast %scan3A_584 : i32 to index
      %get3A_668 = arith.constant 0 : index
      %get3A_669 = arith.constant 0 : index
      %get3A_670 = vector.load %arg4[%get3A_667, %get3A_668, %get3A_669] : memref<10x128x1024xf32, #tpu.memory_space<vmem>>, vector<1x128x1024xf32>
      %get3A_671 = vector.shape_cast %get3A_670 : vector<1x128x1024xf32> to vector<128x1024xf32>
      %broadcast_in_dim3A_672 = vector.broadcast %scan3A_4 : f32 to vector<128x1024xf32>
      %select_n3A_673 = arith.select %eq3A_666, %broadcast_in_dim3A_672, %get3A_671 : vector<128x1024xi1>, vector<128x1024xf32>
      %swap3A_674 = arith.index_cast %scan3A_584 : i32 to index
      %swap3A_675 = arith.constant 0 : index
      %swap3A_676 = arith.constant 0 : index
      %swap3A_677 = vector.load %arg4[%swap3A_674, %swap3A_675, %swap3A_676] : memref<10x128x1024xf32, #tpu.memory_space<vmem>>, vector<1x128x1024xf32>
      %swap3A_678 = vector.shape_cast %swap3A_677 : vector<1x128x1024xf32> to vector<128x1024xf32>
      %swap3A_679 = vector.shape_cast %select_n3A_673 : vector<128x1024xf32> to vector<1x128x1024xf32>
      tpu.vector_store %arg4[%swap3A_674, %swap3A_675, %swap3A_676], %swap3A_679 {strides = array<i32>} : memref<10x128x1024xf32, #tpu.memory_space<vmem>>, vector<1x128x1024xf32>,
      %reduce_min3A_680 = arith.constant dense<0x7F800000> : vector<128xf32>
      %reduce_min3A_681 = vector.multi_reduction <minimumf>, %select_n3A_673, %reduce_min3A_680 [1] : vector<128x1024xf32> to vector<128xf32>
      %broadcast_in_dim3A_682 = vector.shape_cast %reduce_min3A_681 : vector<128xf32> to vector<128x1xf32>
      %eq3A_683 = vector.broadcast %broadcast_in_dim3A_682 : vector<128x1xf32> to vector<128x1024xf32>
      %eq3A_684 = arith.cmpf oeq, %select_n3A_673, %eq3A_683 : vector<128x1024xf32>
      %broadcast_in_dim3A_685 = vector.broadcast %scan3A_5 : i32 to vector<128x1024xi32>
      %select_n3A_686 = arith.select %eq3A_684, %add3A_587, %broadcast_in_dim3A_685 : vector<128x1024xi1>, vector<128x1024xi32>
      %reduce_min3A_687 = arith.constant dense<2147483647> : vector<128xi32>
      %reduce_min3A_688 = vector.multi_reduction <minsi>, %select_n3A_686, %reduce_min3A_687 [1] : vector<128x1024xi32> to vector<128xi32>
      %broadcast_in_dim3A_689 = vector.shape_cast %reduce_min3A_688 : vector<128xi32> to vector<128x1xi32>
      %eq3A_690 = vector.broadcast %broadcast_in_dim3A_689 : vector<128x1xi32> to vector<128x1024xi32>
      %eq3A_691 = arith.cmpi eq, %add3A_587, %eq3A_690 : vector<128x1024xi32>
      %get3A_692 = arith.index_cast %scan3A_584 : i32 to index
      %get3A_693 = arith.constant 0 : index
      %get3A_694 = arith.constant 0 : index
      %get3A_695 = vector.load %arg4[%get3A_692, %get3A_693, %get3A_694] : memref<10x128x1024xf32, #tpu.memory_space<vmem>>, vector<1x128x1024xf32>
      %get3A_696 = vector.shape_cast %get3A_695 : vector<1x128x1024xf32> to vector<128x1024xf32>
      %broadcast_in_dim3A_697 = vector.broadcast %scan3A_4 : f32 to vector<128x1024xf32>
      %select_n3A_698 = arith.select %eq3A_691, %broadcast_in_dim3A_697, %get3A_696 : vector<128x1024xi1>, vector<128x1024xf32>
      %swap3A_699 = arith.index_cast %scan3A_584 : i32 to index
      %swap3A_700 = arith.constant 0 : index
      %swap3A_701 = arith.constant 0 : index
      %swap3A_702 = vector.load %arg4[%swap3A_699, %swap3A_700, %swap3A_701] : memref<10x128x1024xf32, #tpu.memory_space<vmem>>, vector<1x128x1024xf32>
      %swap3A_703 = vector.shape_cast %swap3A_702 : vector<1x128x1024xf32> to vector<128x1024xf32>
      %swap3A_704 = vector.shape_cast %select_n3A_698 : vector<128x1024xf32> to vector<1x128x1024xf32>
      tpu.vector_store %arg4[%swap3A_699, %swap3A_700, %swap3A_701], %swap3A_704 {strides = array<i32>} : memref<10x128x1024xf32, #tpu.memory_space<vmem>>, vector<1x128x1024xf32>,
      %reduce_min3A_705 = arith.constant dense<0x7F800000> : vector<128xf32>
      %reduce_min3A_706 = vector.multi_reduction <minimumf>, %select_n3A_698, %reduce_min3A_705 [1] : vector<128x1024xf32> to vector<128xf32>
      %broadcast_in_dim3A_707 = vector.shape_cast %reduce_min3A_706 : vector<128xf32> to vector<128x1xf32>
      %eq3A_708 = vector.broadcast %broadcast_in_dim3A_707 : vector<128x1xf32> to vector<128x1024xf32>
      %eq3A_709 = arith.cmpf oeq, %select_n3A_698, %eq3A_708 : vector<128x1024xf32>
      %broadcast_in_dim3A_710 = vector.broadcast %scan3A_5 : i32 to vector<128x1024xi32>
      %select_n3A_711 = arith.select %eq3A_709, %add3A_587, %broadcast_in_dim3A_710 : vector<128x1024xi1>, vector<128x1024xi32>
      %reduce_min3A_712 = arith.constant dense<2147483647> : vector<128xi32>
      %reduce_min3A_713 = vector.multi_reduction <minsi>, %select_n3A_711, %reduce_min3A_712 [1] : vector<128x1024xi32> to vector<128xi32>
      %broadcast_in_dim3A_714 = vector.shape_cast %reduce_min3A_713 : vector<128xi32> to vector<128x1xi32>
      %eq3A_715 = vector.broadcast %broadcast_in_dim3A_714 : vector<128x1xi32> to vector<128x1024xi32>
      %eq3A_716 = arith.cmpi eq, %add3A_587, %eq3A_715 : vector<128x1024xi32>
      %get3A_717 = arith.index_cast %scan3A_584 : i32 to index
      %get3A_718 = arith.constant 0 : index
      %get3A_719 = arith.constant 0 : index
      %get3A_720 = vector.load %arg4[%get3A_717, %get3A_718, %get3A_719] : memref<10x128x1024xf32, #tpu.memory_space<vmem>>, vector<1x128x1024xf32>
      %get3A_721 = vector.shape_cast %get3A_720 : vector<1x128x1024xf32> to vector<128x1024xf32>
      %broadcast_in_dim3A_722 = vector.broadcast %scan3A_4 : f32 to vector<128x1024xf32>
      %select_n3A_723 = arith.select %eq3A_716, %broadcast_in_dim3A_722, %get3A_721 : vector<128x1024xi1>, vector<128x1024xf32>
      %swap3A_724 = arith.index_cast %scan3A_584 : i32 to index
      %swap3A_725 = arith.constant 0 : index
      %swap3A_726 = arith.constant 0 : index
      %swap3A_727 = vector.load %arg4[%swap3A_724, %swap3A_725, %swap3A_726] : memref<10x128x1024xf32, #tpu.memory_space<vmem>>, vector<1x128x1024xf32>
      %swap3A_728 = vector.shape_cast %swap3A_727 : vector<1x128x1024xf32> to vector<128x1024xf32>
      %swap3A_729 = vector.shape_cast %select_n3A_723 : vector<128x1024xf32> to vector<1x128x1024xf32>
      tpu.vector_store %arg4[%swap3A_724, %swap3A_725, %swap3A_726], %swap3A_729 {strides = array<i32>} : memref<10x128x1024xf32, #tpu.memory_space<vmem>>, vector<1x128x1024xf32>,
      %reduce_min3A_730 = arith.constant dense<0x7F800000> : vector<128xf32>
      %reduce_min3A_731 = vector.multi_reduction <minimumf>, %select_n3A_723, %reduce_min3A_730 [1] : vector<128x1024xf32> to vector<128xf32>
      %broadcast_in_dim3A_732 = vector.shape_cast %reduce_min3A_731 : vector<128xf32> to vector<128x1xf32>
      %eq3A_733 = vector.broadcast %broadcast_in_dim3A_732 : vector<128x1xf32> to vector<128x1024xf32>
      %eq3A_734 = arith.cmpf oeq, %select_n3A_723, %eq3A_733 : vector<128x1024xf32>
      %broadcast_in_dim3A_735 = vector.broadcast %scan3A_5 : i32 to vector<128x1024xi32>
      %select_n3A_736 = arith.select %eq3A_734, %add3A_587, %broadcast_in_dim3A_735 : vector<128x1024xi1>, vector<128x1024xi32>
      %reduce_min3A_737 = arith.constant dense<2147483647> : vector<128xi32>
      %reduce_min3A_738 = vector.multi_reduction <minsi>, %select_n3A_736, %reduce_min3A_737 [1] : vector<128x1024xi32> to vector<128xi32>
      %broadcast_in_dim3A_739 = vector.shape_cast %reduce_min3A_738 : vector<128xi32> to vector<128x1xi32>
      %eq3A_740 = vector.broadcast %broadcast_in_dim3A_739 : vector<128x1xi32> to vector<128x1024xi32>
      %eq3A_741 = arith.cmpi eq, %add3A_587, %eq3A_740 : vector<128x1024xi32>
      %get3A_742 = arith.index_cast %scan3A_584 : i32 to index
      %get3A_743 = arith.constant 0 : index
      %get3A_744 = arith.constant 0 : index
      %get3A_745 = vector.load %arg4[%get3A_742, %get3A_743, %get3A_744] : memref<10x128x1024xf32, #tpu.memory_space<vmem>>, vector<1x128x1024xf32>
      %get3A_746 = vector.shape_cast %get3A_745 : vector<1x128x1024xf32> to vector<128x1024xf32>
      %broadcast_in_dim3A_747 = vector.broadcast %scan3A_4 : f32 to vector<128x1024xf32>
      %select_n3A_748 = arith.select %eq3A_741, %broadcast_in_dim3A_747, %get3A_746 : vector<128x1024xi1>, vector<128x1024xf32>
      %swap3A_749 = arith.index_cast %scan3A_584 : i32 to index
      %swap3A_750 = arith.constant 0 : index
      %swap3A_751 = arith.constant 0 : index
      %swap3A_752 = vector.load %arg4[%swap3A_749, %swap3A_750, %swap3A_751] : memref<10x128x1024xf32, #tpu.memory_space<vmem>>, vector<1x128x1024xf32>
      %swap3A_753 = vector.shape_cast %swap3A_752 : vector<1x128x1024xf32> to vector<128x1024xf32>
      %swap3A_754 = vector.shape_cast %select_n3A_748 : vector<128x1024xf32> to vector<1x128x1024xf32>
      tpu.vector_store %arg4[%swap3A_749, %swap3A_750, %swap3A_751], %swap3A_754 {strides = array<i32>} : memref<10x128x1024xf32, #tpu.memory_space<vmem>>, vector<1x128x1024xf32>,
      %reduce_min3A_755 = arith.constant dense<0x7F800000> : vector<128xf32>
      %reduce_min3A_756 = vector.multi_reduction <minimumf>, %select_n3A_748, %reduce_min3A_755 [1] : vector<128x1024xf32> to vector<128xf32>
      %broadcast_in_dim3A_757 = vector.shape_cast %reduce_min3A_756 : vector<128xf32> to vector<128x1xf32>
      %eq3A_758 = vector.broadcast %broadcast_in_dim3A_757 : vector<128x1xf32> to vector<128x1024xf32>
      %eq3A_759 = arith.cmpf oeq, %select_n3A_748, %eq3A_758 : vector<128x1024xf32>
      %broadcast_in_dim3A_760 = vector.broadcast %scan3A_5 : i32 to vector<128x1024xi32>
      %select_n3A_761 = arith.select %eq3A_759, %add3A_587, %broadcast_in_dim3A_760 : vector<128x1024xi1>, vector<128x1024xi32>
      %reduce_min3A_762 = arith.constant dense<2147483647> : vector<128xi32>
      %reduce_min3A_763 = vector.multi_reduction <minsi>, %select_n3A_761, %reduce_min3A_762 [1] : vector<128x1024xi32> to vector<128xi32>
      %broadcast_in_dim3A_764 = vector.shape_cast %reduce_min3A_763 : vector<128xi32> to vector<128x1xi32>
      %eq3A_765 = vector.broadcast %broadcast_in_dim3A_764 : vector<128x1xi32> to vector<128x1024xi32>
      %eq3A_766 = arith.cmpi eq, %add3A_587, %eq3A_765 : vector<128x1024xi32>
      %get3A_767 = arith.index_cast %scan3A_584 : i32 to index
      %get3A_768 = arith.constant 0 : index
      %get3A_769 = arith.constant 0 : index
      %get3A_770 = vector.load %arg4[%get3A_767, %get3A_768, %get3A_769] : memref<10x128x1024xf32, #tpu.memory_space<vmem>>, vector<1x128x1024xf32>
      %get3A_771 = vector.shape_cast %get3A_770 : vector<1x128x1024xf32> to vector<128x1024xf32>
      %broadcast_in_dim3A_772 = vector.broadcast %scan3A_4 : f32 to vector<128x1024xf32>
      %select_n3A_773 = arith.select %eq3A_766, %broadcast_in_dim3A_772, %get3A_771 : vector<128x1024xi1>, vector<128x1024xf32>
      %swap3A_774 = arith.index_cast %scan3A_584 : i32 to index
      %swap3A_775 = arith.constant 0 : index
      %swap3A_776 = arith.constant 0 : index
      %swap3A_777 = vector.load %arg4[%swap3A_774, %swap3A_775, %swap3A_776] : memref<10x128x1024xf32, #tpu.memory_space<vmem>>, vector<1x128x1024xf32>
      %swap3A_778 = vector.shape_cast %swap3A_777 : vector<1x128x1024xf32> to vector<128x1024xf32>
      %swap3A_779 = vector.shape_cast %select_n3A_773 : vector<128x1024xf32> to vector<1x128x1024xf32>
      tpu.vector_store %arg4[%swap3A_774, %swap3A_775, %swap3A_776], %swap3A_779 {strides = array<i32>} : memref<10x128x1024xf32, #tpu.memory_space<vmem>>, vector<1x128x1024xf32>,
      %reduce_min3A_780 = arith.constant dense<0x7F800000> : vector<128xf32>
      %reduce_min3A_781 = vector.multi_reduction <minimumf>, %select_n3A_773, %reduce_min3A_780 [1] : vector<128x1024xf32> to vector<128xf32>
      %broadcast_in_dim3A_782 = vector.shape_cast %reduce_min3A_781 : vector<128xf32> to vector<128x1xf32>
      %eq3A_783 = vector.broadcast %broadcast_in_dim3A_782 : vector<128x1xf32> to vector<128x1024xf32>
      %eq3A_784 = arith.cmpf oeq, %select_n3A_773, %eq3A_783 : vector<128x1024xf32>
      %broadcast_in_dim3A_785 = vector.broadcast %scan3A_5 : i32 to vector<128x1024xi32>
      %select_n3A_786 = arith.select %eq3A_784, %add3A_587, %broadcast_in_dim3A_785 : vector<128x1024xi1>, vector<128x1024xi32>
      %reduce_min3A_787 = arith.constant dense<2147483647> : vector<128xi32>
      %reduce_min3A_788 = vector.multi_reduction <minsi>, %select_n3A_786, %reduce_min3A_787 [1] : vector<128x1024xi32> to vector<128xi32>
      %broadcast_in_dim3A_789 = vector.shape_cast %reduce_min3A_788 : vector<128xi32> to vector<128x1xi32>
      %eq3A_790 = vector.broadcast %broadcast_in_dim3A_789 : vector<128x1xi32> to vector<128x1024xi32>
      %eq3A_791 = arith.cmpi eq, %add3A_587, %eq3A_790 : vector<128x1024xi32>
      %get3A_792 = arith.index_cast %scan3A_584 : i32 to index
      %get3A_793 = arith.constant 0 : index
      %get3A_794 = arith.constant 0 : index
      %get3A_795 = vector.load %arg4[%get3A_792, %get3A_793, %get3A_794] : memref<10x128x1024xf32, #tpu.memory_space<vmem>>, vector<1x128x1024xf32>
      %get3A_796 = vector.shape_cast %get3A_795 : vector<1x128x1024xf32> to vector<128x1024xf32>
      %broadcast_in_dim3A_797 = vector.broadcast %scan3A_4 : f32 to vector<128x1024xf32>
      %select_n3A_798 = arith.select %eq3A_791, %broadcast_in_dim3A_797, %get3A_796 : vector<128x1024xi1>, vector<128x1024xf32>
      %swap3A_799 = arith.index_cast %scan3A_584 : i32 to index
      %swap3A_800 = arith.constant 0 : index
      %swap3A_801 = arith.constant 0 : index
      %swap3A_802 = vector.load %arg4[%swap3A_799, %swap3A_800, %swap3A_801] : memref<10x128x1024xf32, #tpu.memory_space<vmem>>, vector<1x128x1024xf32>
      %swap3A_803 = vector.shape_cast %swap3A_802 : vector<1x128x1024xf32> to vector<128x1024xf32>
      %swap3A_804 = vector.shape_cast %select_n3A_798 : vector<128x1024xf32> to vector<1x128x1024xf32>
      tpu.vector_store %arg4[%swap3A_799, %swap3A_800, %swap3A_801], %swap3A_804 {strides = array<i32>} : memref<10x128x1024xf32, #tpu.memory_space<vmem>>, vector<1x128x1024xf32>,
      %concatenate3A_805 = tpu.concatenate %broadcast_in_dim3A_607, %broadcast_in_dim3A_632, %broadcast_in_dim3A_657, %broadcast_in_dim3A_682, %broadcast_in_dim3A_707, %broadcast_in_dim3A_732, %broadcast_in_dim3A_757, %broadcast_in_dim3A_782 in 1 : vector<128x1xf32>, vector<128x1xf32>, vector<128x1xf32>, vector<128x1xf32>, vector<128x1xf32>, vector<128x1xf32>, vector<128x1xf32>, vector<128x1xf32> -> vector<128x8xf32>
      %swap3A_806 = arith.index_cast %scan3A_584 : i32 to index
      %swap3A_807 = arith.constant 0 : index
      %swap3A_808 = arith.constant 0 : index
      %swap3A_809 = vector.load %arg5[%swap3A_806, %swap3A_807, %swap3A_808] : memref<10x128x8xf32, #tpu.memory_space<vmem>>, vector<1x128x8xf32>
      %swap3A_810 = vector.shape_cast %swap3A_809 : vector<1x128x8xf32> to vector<128x8xf32>
      %swap3A_811 = vector.shape_cast %concatenate3A_805 : vector<128x8xf32> to vector<1x128x8xf32>
      tpu.vector_store %arg5[%swap3A_806, %swap3A_807, %swap3A_808], %swap3A_811 {strides = array<i32>} : memref<10x128x8xf32, #tpu.memory_space<vmem>>, vector<1x128x8xf32>,
      %concatenate3A_812 = tpu.concatenate %broadcast_in_dim3A_614, %broadcast_in_dim3A_639, %broadcast_in_dim3A_664, %broadcast_in_dim3A_689, %broadcast_in_dim3A_714, %broadcast_in_dim3A_739, %broadcast_in_dim3A_764, %broadcast_in_dim3A_789 in 1 : vector<128x1xi32>, vector<128x1xi32>, vector<128x1xi32>, vector<128x1xi32>, vector<128x1xi32>, vector<128x1xi32>, vector<128x1xi32>, vector<128x1xi32> -> vector<128x8xi32>
      %swap3A_813 = arith.index_cast %scan3A_584 : i32 to index
      %swap3A_814 = arith.constant 0 : index
      %swap3A_815 = arith.constant 0 : index
      %swap3A_816 = vector.load %arg6[%swap3A_813, %swap3A_814, %swap3A_815] : memref<10x128x8xi32, #tpu.memory_space<vmem>>, vector<1x128x8xi32>
      %swap3A_817 = vector.shape_cast %swap3A_816 : vector<1x128x8xi32> to vector<128x8xi32>
      %swap3A_818 = vector.shape_cast %concatenate3A_812 : vector<128x8xi32> to vector<1x128x8xi32>
      tpu.vector_store %arg6[%swap3A_813, %swap3A_814, %swap3A_815], %swap3A_818 {strides = array<i32>} : memref<10x128x8xi32, #tpu.memory_space<vmem>>, vector<1x128x8xi32>,
    }
    %scan3A_10 = arith.constant 10 : i32
    %get3A = arith.constant 0 : index
    %get3A_11 = arith.constant 0 : index
    %get3A_12 = arith.constant 0 : index
    %get3A_13 = vector.load %arg5[%get3A, %get3A_11, %get3A_12] : memref<10x128x8xf32, #tpu.memory_space<vmem>>, vector<1x128x8xf32>
    %get3A_14 = vector.shape_cast %get3A_13 : vector<1x128x8xf32> to vector<128x8xf32>
    %get3A_15 = arith.constant 1 : index
    %get3A_16 = arith.constant 0 : index
    %get3A_17 = arith.constant 0 : index
    %get3A_18 = vector.load %arg5[%get3A_15, %get3A_16, %get3A_17] : memref<10x128x8xf32, #tpu.memory_space<vmem>>, vector<1x128x8xf32>
    %get3A_19 = vector.shape_cast %get3A_18 : vector<1x128x8xf32> to vector<128x8xf32>
    %get3A_20 = arith.constant 2 : index
    %get3A_21 = arith.constant 0 : index
    %get3A_22 = arith.constant 0 : index
    %get3A_23 = vector.load %arg5[%get3A_20, %get3A_21, %get3A_22] : memref<10x128x8xf32, #tpu.memory_space<vmem>>, vector<1x128x8xf32>
    %get3A_24 = vector.shape_cast %get3A_23 : vector<1x128x8xf32> to vector<128x8xf32>
    %get3A_25 = arith.constant 3 : index
    %get3A_26 = arith.constant 0 : index
    %get3A_27 = arith.constant 0 : index
    %get3A_28 = vector.load %arg5[%get3A_25, %get3A_26, %get3A_27] : memref<10x128x8xf32, #tpu.memory_space<vmem>>, vector<1x128x8xf32>
    %get3A_29 = vector.shape_cast %get3A_28 : vector<1x128x8xf32> to vector<128x8xf32>
    %get3A_30 = arith.constant 4 : index
    %get3A_31 = arith.constant 0 : index
    %get3A_32 = arith.constant 0 : index
    %get3A_33 = vector.load %arg5[%get3A_30, %get3A_31, %get3A_32] : memref<10x128x8xf32, #tpu.memory_space<vmem>>, vector<1x128x8xf32>
    %get3A_34 = vector.shape_cast %get3A_33 : vector<1x128x8xf32> to vector<128x8xf32>
    %get3A_35 = arith.constant 5 : index
    %get3A_36 = arith.constant 0 : index
    %get3A_37 = arith.constant 0 : index
    %get3A_38 = vector.load %arg5[%get3A_35, %get3A_36, %get3A_37] : memref<10x128x8xf32, #tpu.memory_space<vmem>>, vector<1x128x8xf32>
    %get3A_39 = vector.shape_cast %get3A_38 : vector<1x128x8xf32> to vector<128x8xf32>
    %get3A_40 = arith.constant 6 : index
    %get3A_41 = arith.constant 0 : index
    %get3A_42 = arith.constant 0 : index
    %get3A_43 = vector.load %arg5[%get3A_40, %get3A_41, %get3A_42] : memref<10x128x8xf32, #tpu.memory_space<vmem>>, vector<1x128x8xf32>
    %get3A_44 = vector.shape_cast %get3A_43 : vector<1x128x8xf32> to vector<128x8xf32>
    %get3A_45 = arith.constant 7 : index
    %get3A_46 = arith.constant 0 : index
    %get3A_47 = arith.constant 0 : index
    %get3A_48 = vector.load %arg5[%get3A_45, %get3A_46, %get3A_47] : memref<10x128x8xf32, #tpu.memory_space<vmem>>, vector<1x128x8xf32>
    %get3A_49 = vector.shape_cast %get3A_48 : vector<1x128x8xf32> to vector<128x8xf32>
    %get3A_50 = arith.constant 8 : index
    %get3A_51 = arith.constant 0 : index
    %get3A_52 = arith.constant 0 : index
    %get3A_53 = vector.load %arg5[%get3A_50, %get3A_51, %get3A_52] : memref<10x128x8xf32, #tpu.memory_space<vmem>>, vector<1x128x8xf32>
    %get3A_54 = vector.shape_cast %get3A_53 : vector<1x128x8xf32> to vector<128x8xf32>
    %get3A_55 = arith.constant 9 : index
    %get3A_56 = arith.constant 0 : index
    %get3A_57 = arith.constant 0 : index
    %get3A_58 = vector.load %arg5[%get3A_55, %get3A_56, %get3A_57] : memref<10x128x8xf32, #tpu.memory_space<vmem>>, vector<1x128x8xf32>
    %get3A_59 = vector.shape_cast %get3A_58 : vector<1x128x8xf32> to vector<128x8xf32>
    %concatenate3A = tpu.concatenate %get3A_14, %get3A_19, %get3A_24, %get3A_29, %get3A_34, %get3A_39, %get3A_44, %get3A_49, %get3A_54, %get3A_59 in 1 : vector<128x8xf32>, vector<128x8xf32>, vector<128x8xf32>, vector<128x8xf32>, vector<128x8xf32>, vector<128x8xf32>, vector<128x8xf32>, vector<128x8xf32>, vector<128x8xf32>, vector<128x8xf32> -> vector<128x80xf32>
    %get3A_60 = arith.constant 0 : index
    %get3A_61 = arith.constant 0 : index
    %get3A_62 = arith.constant 0 : index
    %get3A_63 = vector.load %arg6[%get3A_60, %get3A_61, %get3A_62] : memref<10x128x8xi32, #tpu.memory_space<vmem>>, vector<1x128x8xi32>
    %get3A_64 = vector.shape_cast %get3A_63 : vector<1x128x8xi32> to vector<128x8xi32>
    %get3A_65 = arith.constant 1 : index
    %get3A_66 = arith.constant 0 : index
    %get3A_67 = arith.constant 0 : index
    %get3A_68 = vector.load %arg6[%get3A_65, %get3A_66, %get3A_67] : memref<10x128x8xi32, #tpu.memory_space<vmem>>, vector<1x128x8xi32>
    %get3A_69 = vector.shape_cast %get3A_68 : vector<1x128x8xi32> to vector<128x8xi32>
    %get3A_70 = arith.constant 2 : index
    %get3A_71 = arith.constant 0 : index
    %get3A_72 = arith.constant 0 : index
    %get3A_73 = vector.load %arg6[%get3A_70, %get3A_71, %get3A_72] : memref<10x128x8xi32, #tpu.memory_space<vmem>>, vector<1x128x8xi32>
    %get3A_74 = vector.shape_cast %get3A_73 : vector<1x128x8xi32> to vector<128x8xi32>
    %get3A_75 = arith.constant 3 : index
    %get3A_76 = arith.constant 0 : index
    %get3A_77 = arith.constant 0 : index
    %get3A_78 = vector.load %arg6[%get3A_75, %get3A_76, %get3A_77] : memref<10x128x8xi32, #tpu.memory_space<vmem>>, vector<1x128x8xi32>
    %get3A_79 = vector.shape_cast %get3A_78 : vector<1x128x8xi32> to vector<128x8xi32>
    %get3A_80 = arith.constant 4 : index
    %get3A_81 = arith.constant 0 : index
    %get3A_82 = arith.constant 0 : index
    %get3A_83 = vector.load %arg6[%get3A_80, %get3A_81, %get3A_82] : memref<10x128x8xi32, #tpu.memory_space<vmem>>, vector<1x128x8xi32>
    %get3A_84 = vector.shape_cast %get3A_83 : vector<1x128x8xi32> to vector<128x8xi32>
    %get3A_85 = arith.constant 5 : index
    %get3A_86 = arith.constant 0 : index
    %get3A_87 = arith.constant 0 : index
    %get3A_88 = vector.load %arg6[%get3A_85, %get3A_86, %get3A_87] : memref<10x128x8xi32, #tpu.memory_space<vmem>>, vector<1x128x8xi32>
    %get3A_89 = vector.shape_cast %get3A_88 : vector<1x128x8xi32> to vector<128x8xi32>
    %get3A_90 = arith.constant 6 : index
    %get3A_91 = arith.constant 0 : index
    %get3A_92 = arith.constant 0 : index
    %get3A_93 = vector.load %arg6[%get3A_90, %get3A_91, %get3A_92] : memref<10x128x8xi32, #tpu.memory_space<vmem>>, vector<1x128x8xi32>
    %get3A_94 = vector.shape_cast %get3A_93 : vector<1x128x8xi32> to vector<128x8xi32>
    %get3A_95 = arith.constant 7 : index
    %get3A_96 = arith.constant 0 : index
    %get3A_97 = arith.constant 0 : index
    %get3A_98 = vector.load %arg6[%get3A_95, %get3A_96, %get3A_97] : memref<10x128x8xi32, #tpu.memory_space<vmem>>, vector<1x128x8xi32>
    %get3A_99 = vector.shape_cast %get3A_98 : vector<1x128x8xi32> to vector<128x8xi32>
    %get3A_100 = arith.constant 8 : index
    %get3A_101 = arith.constant 0 : index
    %get3A_102 = arith.constant 0 : index
    %get3A_103 = vector.load %arg6[%get3A_100, %get3A_101, %get3A_102] : memref<10x128x8xi32, #tpu.memory_space<vmem>>, vector<1x128x8xi32>
    %get3A_104 = vector.shape_cast %get3A_103 : vector<1x128x8xi32> to vector<128x8xi32>
    %get3A_105 = arith.constant 9 : index
    %get3A_106 = arith.constant 0 : index
    %get3A_107 = arith.constant 0 : index
    %get3A_108 = vector.load %arg6[%get3A_105, %get3A_106, %get3A_107] : memref<10x128x8xi32, #tpu.memory_space<vmem>>, vector<1x128x8xi32>
    %get3A_109 = vector.shape_cast %get3A_108 : vector<1x128x8xi32> to vector<128x8xi32>
    %concatenate3A_110 = tpu.concatenate %get3A_64, %get3A_69, %get3A_74, %get3A_79, %get3A_84, %get3A_89, %get3A_94, %get3A_99, %get3A_104, %get3A_109 in 1 : vector<128x8xi32>, vector<128x8xi32>, vector<128x8xi32>, vector<128x8xi32>, vector<128x8xi32>, vector<128x8xi32>, vector<128x8xi32>, vector<128x8xi32>, vector<128x8xi32>, vector<128x8xi32> -> vector<128x80xi32>
    %iota3A = tpu.iota {dimensions = array<i32: 1>} : vector<128x80xi32>
    %reduce_min3A = arith.constant dense<0x7F800000> : vector<128xf32>
    %reduce_min3A_111 = vector.multi_reduction <minimumf>, %concatenate3A, %reduce_min3A [1] : vector<128x80xf32> to vector<128xf32>
    %broadcast_in_dim3A = vector.shape_cast %reduce_min3A_111 : vector<128xf32> to vector<128x1xf32>
    %eq3A = vector.broadcast %broadcast_in_dim3A : vector<128x1xf32> to vector<128x80xf32>
    %eq3A_112 = arith.cmpf oeq, %concatenate3A, %eq3A : vector<128x80xf32>
    %jit3A = arith.constant 1073741824 : i32
    %broadcast_in_dim3A_113 = vector.broadcast %jit3A : i32 to vector<128x80xi32>
    %select_n3A = arith.select %eq3A_112, %concatenate3A_110, %broadcast_in_dim3A_113 : vector<128x80xi1>, vector<128x80xi32>
    %reduce_min3A_114 = arith.constant dense<2147483647> : vector<128xi32>
    %reduce_min3A_115 = vector.multi_reduction <minsi>, %select_n3A, %reduce_min3A_114 [1] : vector<128x80xi32> to vector<128xi32>
    %broadcast_in_dim3A_116 = vector.shape_cast %reduce_min3A_115 : vector<128xi32> to vector<128x1xi32>
    %eq3A_117 = vector.broadcast %broadcast_in_dim3A : vector<128x1xf32> to vector<128x80xf32>
    %eq3A_118 = arith.cmpf oeq, %concatenate3A, %eq3A_117 : vector<128x80xf32>
    %eq3A_119 = vector.broadcast %broadcast_in_dim3A_116 : vector<128x1xi32> to vector<128x80xi32>
    %eq3A_120 = arith.cmpi eq, %concatenate3A_110, %eq3A_119 : vector<128x80xi32>
    %and3A = arith.andi %eq3A_118, %eq3A_120 : vector<128x80xi1>
    %jit3A_121 = arith.constant 1073741824 : i32
    %broadcast_in_dim3A_122 = vector.broadcast %jit3A_121 : i32 to vector<128x80xi32>
    %select_n3A_123 = arith.select %and3A, %iota3A, %broadcast_in_dim3A_122 : vector<128x80xi1>, vector<128x80xi32>
    %reduce_min3A_124 = arith.constant dense<2147483647> : vector<128xi32>
    %reduce_min3A_125 = vector.multi_reduction <minsi>, %select_n3A_123, %reduce_min3A_124 [1] : vector<128x80xi32> to vector<128xi32>
    %broadcast_in_dim3A_126 = vector.shape_cast %reduce_min3A_125 : vector<128xi32> to vector<128x1xi32>
    %eq3A_127 = vector.broadcast %broadcast_in_dim3A_126 : vector<128x1xi32> to vector<128x80xi32>
    %eq3A_128 = arith.cmpi eq, %iota3A, %eq3A_127 : vector<128x80xi32>
    %jit3A_129 = arith.constant 0x7F800000 : f32
    %broadcast_in_dim3A_130 = vector.broadcast %jit3A_129 : f32 to vector<128x80xf32>
    %select_n3A_131 = arith.select %eq3A_128, %broadcast_in_dim3A_130, %concatenate3A : vector<128x80xi1>, vector<128x80xf32>
    %swap3A = arith.constant 0 : index
    %swap3A_132 = arith.constant 0 : index
    %swap3A_133 = vector.load %arg3[%swap3A, %swap3A_132] : memref<128x16xi32, #tpu.memory_space<vmem>>, vector<128x1xi32>
    tpu.vector_store %arg3[%swap3A, %swap3A_132], %broadcast_in_dim3A_116 {strides = array<i32>} : memref<128x16xi32, #tpu.memory_space<vmem>>, vector<128x1xi32>,
    %reduce_min3A_134 = arith.constant dense<0x7F800000> : vector<128xf32>
    %reduce_min3A_135 = vector.multi_reduction <minimumf>, %select_n3A_131, %reduce_min3A_134 [1] : vector<128x80xf32> to vector<128xf32>
    %broadcast_in_dim3A_136 = vector.shape_cast %reduce_min3A_135 : vector<128xf32> to vector<128x1xf32>
    %eq3A_137 = vector.broadcast %broadcast_in_dim3A_136 : vector<128x1xf32> to vector<128x80xf32>
    %eq3A_138 = arith.cmpf oeq, %select_n3A_131, %eq3A_137 : vector<128x80xf32>
    %jit3A_139 = arith.constant 1073741824 : i32
    %broadcast_in_dim3A_140 = vector.broadcast %jit3A_139 : i32 to vector<128x80xi32>
    %select_n3A_141 = arith.select %eq3A_138, %concatenate3A_110, %broadcast_in_dim3A_140 : vector<128x80xi1>, vector<128x80xi32>
    %reduce_min3A_142 = arith.constant dense<2147483647> : vector<128xi32>
    %reduce_min3A_143 = vector.multi_reduction <minsi>, %select_n3A_141, %reduce_min3A_142 [1] : vector<128x80xi32> to vector<128xi32>
    %broadcast_in_dim3A_144 = vector.shape_cast %reduce_min3A_143 : vector<128xi32> to vector<128x1xi32>
    %eq3A_145 = vector.broadcast %broadcast_in_dim3A_136 : vector<128x1xf32> to vector<128x80xf32>
    %eq3A_146 = arith.cmpf oeq, %select_n3A_131, %eq3A_145 : vector<128x80xf32>
    %eq3A_147 = vector.broadcast %broadcast_in_dim3A_144 : vector<128x1xi32> to vector<128x80xi32>
    %eq3A_148 = arith.cmpi eq, %concatenate3A_110, %eq3A_147 : vector<128x80xi32>
    %and3A_149 = arith.andi %eq3A_146, %eq3A_148 : vector<128x80xi1>
    %jit3A_150 = arith.constant 1073741824 : i32
    %broadcast_in_dim3A_151 = vector.broadcast %jit3A_150 : i32 to vector<128x80xi32>
    %select_n3A_152 = arith.select %and3A_149, %iota3A, %broadcast_in_dim3A_151 : vector<128x80xi1>, vector<128x80xi32>
    %reduce_min3A_153 = arith.constant dense<2147483647> : vector<128xi32>
    %reduce_min3A_154 = vector.multi_reduction <minsi>, %select_n3A_152, %reduce_min3A_153 [1] : vector<128x80xi32> to vector<128xi32>
    %broadcast_in_dim3A_155 = vector.shape_cast %reduce_min3A_154 : vector<128xi32> to vector<128x1xi32>
    %eq3A_156 = vector.broadcast %broadcast_in_dim3A_155 : vector<128x1xi32> to vector<128x80xi32>
    %eq3A_157 = arith.cmpi eq, %iota3A, %eq3A_156 : vector<128x80xi32>
    %jit3A_158 = arith.constant 0x7F800000 : f32
    %broadcast_in_dim3A_159 = vector.broadcast %jit3A_158 : f32 to vector<128x80xf32>
    %select_n3A_160 = arith.select %eq3A_157, %broadcast_in_dim3A_159, %select_n3A_131 : vector<128x80xi1>, vector<128x80xf32>
    %swap3A_161 = arith.constant 0 : index
    %swap3A_162 = arith.constant 1 : index
    %swap3A_163 = vector.load %arg3[%swap3A_161, %swap3A_162] : memref<128x16xi32, #tpu.memory_space<vmem>>, vector<128x1xi32>
    tpu.vector_store %arg3[%swap3A_161, %swap3A_162], %broadcast_in_dim3A_144 {strides = array<i32>} : memref<128x16xi32, #tpu.memory_space<vmem>>, vector<128x1xi32>,
    %reduce_min3A_164 = arith.constant dense<0x7F800000> : vector<128xf32>
    %reduce_min3A_165 = vector.multi_reduction <minimumf>, %select_n3A_160, %reduce_min3A_164 [1] : vector<128x80xf32> to vector<128xf32>
    %broadcast_in_dim3A_166 = vector.shape_cast %reduce_min3A_165 : vector<128xf32> to vector<128x1xf32>
    %eq3A_167 = vector.broadcast %broadcast_in_dim3A_166 : vector<128x1xf32> to vector<128x80xf32>
    %eq3A_168 = arith.cmpf oeq, %select_n3A_160, %eq3A_167 : vector<128x80xf32>
    %jit3A_169 = arith.constant 1073741824 : i32
    %broadcast_in_dim3A_170 = vector.broadcast %jit3A_169 : i32 to vector<128x80xi32>
    %select_n3A_171 = arith.select %eq3A_168, %concatenate3A_110, %broadcast_in_dim3A_170 : vector<128x80xi1>, vector<128x80xi32>
    %reduce_min3A_172 = arith.constant dense<2147483647> : vector<128xi32>
    %reduce_min3A_173 = vector.multi_reduction <minsi>, %select_n3A_171, %reduce_min3A_172 [1] : vector<128x80xi32> to vector<128xi32>
    %broadcast_in_dim3A_174 = vector.shape_cast %reduce_min3A_173 : vector<128xi32> to vector<128x1xi32>
    %eq3A_175 = vector.broadcast %broadcast_in_dim3A_166 : vector<128x1xf32> to vector<128x80xf32>
    %eq3A_176 = arith.cmpf oeq, %select_n3A_160, %eq3A_175 : vector<128x80xf32>
    %eq3A_177 = vector.broadcast %broadcast_in_dim3A_174 : vector<128x1xi32> to vector<128x80xi32>
    %eq3A_178 = arith.cmpi eq, %concatenate3A_110, %eq3A_177 : vector<128x80xi32>
    %and3A_179 = arith.andi %eq3A_176, %eq3A_178 : vector<128x80xi1>
    %jit3A_180 = arith.constant 1073741824 : i32
    %broadcast_in_dim3A_181 = vector.broadcast %jit3A_180 : i32 to vector<128x80xi32>
    %select_n3A_182 = arith.select %and3A_179, %iota3A, %broadcast_in_dim3A_181 : vector<128x80xi1>, vector<128x80xi32>
    %reduce_min3A_183 = arith.constant dense<2147483647> : vector<128xi32>
    %reduce_min3A_184 = vector.multi_reduction <minsi>, %select_n3A_182, %reduce_min3A_183 [1] : vector<128x80xi32> to vector<128xi32>
    %broadcast_in_dim3A_185 = vector.shape_cast %reduce_min3A_184 : vector<128xi32> to vector<128x1xi32>
    %eq3A_186 = vector.broadcast %broadcast_in_dim3A_185 : vector<128x1xi32> to vector<128x80xi32>
    %eq3A_187 = arith.cmpi eq, %iota3A, %eq3A_186 : vector<128x80xi32>
    %jit3A_188 = arith.constant 0x7F800000 : f32
    %broadcast_in_dim3A_189 = vector.broadcast %jit3A_188 : f32 to vector<128x80xf32>
    %select_n3A_190 = arith.select %eq3A_187, %broadcast_in_dim3A_189, %select_n3A_160 : vector<128x80xi1>, vector<128x80xf32>
    %swap3A_191 = arith.constant 0 : index
    %swap3A_192 = arith.constant 2 : index
    %swap3A_193 = vector.load %arg3[%swap3A_191, %swap3A_192] : memref<128x16xi32, #tpu.memory_space<vmem>>, vector<128x1xi32>
    tpu.vector_store %arg3[%swap3A_191, %swap3A_192], %broadcast_in_dim3A_174 {strides = array<i32>} : memref<128x16xi32, #tpu.memory_space<vmem>>, vector<128x1xi32>,
    %reduce_min3A_194 = arith.constant dense<0x7F800000> : vector<128xf32>
    %reduce_min3A_195 = vector.multi_reduction <minimumf>, %select_n3A_190, %reduce_min3A_194 [1] : vector<128x80xf32> to vector<128xf32>
    %broadcast_in_dim3A_196 = vector.shape_cast %reduce_min3A_195 : vector<128xf32> to vector<128x1xf32>
    %eq3A_197 = vector.broadcast %broadcast_in_dim3A_196 : vector<128x1xf32> to vector<128x80xf32>
    %eq3A_198 = arith.cmpf oeq, %select_n3A_190, %eq3A_197 : vector<128x80xf32>
    %jit3A_199 = arith.constant 1073741824 : i32
    %broadcast_in_dim3A_200 = vector.broadcast %jit3A_199 : i32 to vector<128x80xi32>
    %select_n3A_201 = arith.select %eq3A_198, %concatenate3A_110, %broadcast_in_dim3A_200 : vector<128x80xi1>, vector<128x80xi32>
    %reduce_min3A_202 = arith.constant dense<2147483647> : vector<128xi32>
    %reduce_min3A_203 = vector.multi_reduction <minsi>, %select_n3A_201, %reduce_min3A_202 [1] : vector<128x80xi32> to vector<128xi32>
    %broadcast_in_dim3A_204 = vector.shape_cast %reduce_min3A_203 : vector<128xi32> to vector<128x1xi32>
    %eq3A_205 = vector.broadcast %broadcast_in_dim3A_196 : vector<128x1xf32> to vector<128x80xf32>
    %eq3A_206 = arith.cmpf oeq, %select_n3A_190, %eq3A_205 : vector<128x80xf32>
    %eq3A_207 = vector.broadcast %broadcast_in_dim3A_204 : vector<128x1xi32> to vector<128x80xi32>
    %eq3A_208 = arith.cmpi eq, %concatenate3A_110, %eq3A_207 : vector<128x80xi32>
    %and3A_209 = arith.andi %eq3A_206, %eq3A_208 : vector<128x80xi1>
    %jit3A_210 = arith.constant 1073741824 : i32
    %broadcast_in_dim3A_211 = vector.broadcast %jit3A_210 : i32 to vector<128x80xi32>
    %select_n3A_212 = arith.select %and3A_209, %iota3A, %broadcast_in_dim3A_211 : vector<128x80xi1>, vector<128x80xi32>
    %reduce_min3A_213 = arith.constant dense<2147483647> : vector<128xi32>
    %reduce_min3A_214 = vector.multi_reduction <minsi>, %select_n3A_212, %reduce_min3A_213 [1] : vector<128x80xi32> to vector<128xi32>
    %broadcast_in_dim3A_215 = vector.shape_cast %reduce_min3A_214 : vector<128xi32> to vector<128x1xi32>
    %eq3A_216 = vector.broadcast %broadcast_in_dim3A_215 : vector<128x1xi32> to vector<128x80xi32>
    %eq3A_217 = arith.cmpi eq, %iota3A, %eq3A_216 : vector<128x80xi32>
    %jit3A_218 = arith.constant 0x7F800000 : f32
    %broadcast_in_dim3A_219 = vector.broadcast %jit3A_218 : f32 to vector<128x80xf32>
    %select_n3A_220 = arith.select %eq3A_217, %broadcast_in_dim3A_219, %select_n3A_190 : vector<128x80xi1>, vector<128x80xf32>
    %swap3A_221 = arith.constant 0 : index
    %swap3A_222 = arith.constant 3 : index
    %swap3A_223 = vector.load %arg3[%swap3A_221, %swap3A_222] : memref<128x16xi32, #tpu.memory_space<vmem>>, vector<128x1xi32>
    tpu.vector_store %arg3[%swap3A_221, %swap3A_222], %broadcast_in_dim3A_204 {strides = array<i32>} : memref<128x16xi32, #tpu.memory_space<vmem>>, vector<128x1xi32>,
    %reduce_min3A_224 = arith.constant dense<0x7F800000> : vector<128xf32>
    %reduce_min3A_225 = vector.multi_reduction <minimumf>, %select_n3A_220, %reduce_min3A_224 [1] : vector<128x80xf32> to vector<128xf32>
    %broadcast_in_dim3A_226 = vector.shape_cast %reduce_min3A_225 : vector<128xf32> to vector<128x1xf32>
    %eq3A_227 = vector.broadcast %broadcast_in_dim3A_226 : vector<128x1xf32> to vector<128x80xf32>
    %eq3A_228 = arith.cmpf oeq, %select_n3A_220, %eq3A_227 : vector<128x80xf32>
    %jit3A_229 = arith.constant 1073741824 : i32
    %broadcast_in_dim3A_230 = vector.broadcast %jit3A_229 : i32 to vector<128x80xi32>
    %select_n3A_231 = arith.select %eq3A_228, %concatenate3A_110, %broadcast_in_dim3A_230 : vector<128x80xi1>, vector<128x80xi32>
    %reduce_min3A_232 = arith.constant dense<2147483647> : vector<128xi32>
    %reduce_min3A_233 = vector.multi_reduction <minsi>, %select_n3A_231, %reduce_min3A_232 [1] : vector<128x80xi32> to vector<128xi32>
    %broadcast_in_dim3A_234 = vector.shape_cast %reduce_min3A_233 : vector<128xi32> to vector<128x1xi32>
    %eq3A_235 = vector.broadcast %broadcast_in_dim3A_226 : vector<128x1xf32> to vector<128x80xf32>
    %eq3A_236 = arith.cmpf oeq, %select_n3A_220, %eq3A_235 : vector<128x80xf32>
    %eq3A_237 = vector.broadcast %broadcast_in_dim3A_234 : vector<128x1xi32> to vector<128x80xi32>
    %eq3A_238 = arith.cmpi eq, %concatenate3A_110, %eq3A_237 : vector<128x80xi32>
    %and3A_239 = arith.andi %eq3A_236, %eq3A_238 : vector<128x80xi1>
    %jit3A_240 = arith.constant 1073741824 : i32
    %broadcast_in_dim3A_241 = vector.broadcast %jit3A_240 : i32 to vector<128x80xi32>
    %select_n3A_242 = arith.select %and3A_239, %iota3A, %broadcast_in_dim3A_241 : vector<128x80xi1>, vector<128x80xi32>
    %reduce_min3A_243 = arith.constant dense<2147483647> : vector<128xi32>
    %reduce_min3A_244 = vector.multi_reduction <minsi>, %select_n3A_242, %reduce_min3A_243 [1] : vector<128x80xi32> to vector<128xi32>
    %broadcast_in_dim3A_245 = vector.shape_cast %reduce_min3A_244 : vector<128xi32> to vector<128x1xi32>
    %eq3A_246 = vector.broadcast %broadcast_in_dim3A_245 : vector<128x1xi32> to vector<128x80xi32>
    %eq3A_247 = arith.cmpi eq, %iota3A, %eq3A_246 : vector<128x80xi32>
    %jit3A_248 = arith.constant 0x7F800000 : f32
    %broadcast_in_dim3A_249 = vector.broadcast %jit3A_248 : f32 to vector<128x80xf32>
    %select_n3A_250 = arith.select %eq3A_247, %broadcast_in_dim3A_249, %select_n3A_220 : vector<128x80xi1>, vector<128x80xf32>
    %swap3A_251 = arith.constant 0 : index
    %swap3A_252 = arith.constant 4 : index
    %swap3A_253 = vector.load %arg3[%swap3A_251, %swap3A_252] : memref<128x16xi32, #tpu.memory_space<vmem>>, vector<128x1xi32>
    tpu.vector_store %arg3[%swap3A_251, %swap3A_252], %broadcast_in_dim3A_234 {strides = array<i32>} : memref<128x16xi32, #tpu.memory_space<vmem>>, vector<128x1xi32>,
    %reduce_min3A_254 = arith.constant dense<0x7F800000> : vector<128xf32>
    %reduce_min3A_255 = vector.multi_reduction <minimumf>, %select_n3A_250, %reduce_min3A_254 [1] : vector<128x80xf32> to vector<128xf32>
    %broadcast_in_dim3A_256 = vector.shape_cast %reduce_min3A_255 : vector<128xf32> to vector<128x1xf32>
    %eq3A_257 = vector.broadcast %broadcast_in_dim3A_256 : vector<128x1xf32> to vector<128x80xf32>
    %eq3A_258 = arith.cmpf oeq, %select_n3A_250, %eq3A_257 : vector<128x80xf32>
    %jit3A_259 = arith.constant 1073741824 : i32
    %broadcast_in_dim3A_260 = vector.broadcast %jit3A_259 : i32 to vector<128x80xi32>
    %select_n3A_261 = arith.select %eq3A_258, %concatenate3A_110, %broadcast_in_dim3A_260 : vector<128x80xi1>, vector<128x80xi32>
    %reduce_min3A_262 = arith.constant dense<2147483647> : vector<128xi32>
    %reduce_min3A_263 = vector.multi_reduction <minsi>, %select_n3A_261, %reduce_min3A_262 [1] : vector<128x80xi32> to vector<128xi32>
    %broadcast_in_dim3A_264 = vector.shape_cast %reduce_min3A_263 : vector<128xi32> to vector<128x1xi32>
    %eq3A_265 = vector.broadcast %broadcast_in_dim3A_256 : vector<128x1xf32> to vector<128x80xf32>
    %eq3A_266 = arith.cmpf oeq, %select_n3A_250, %eq3A_265 : vector<128x80xf32>
    %eq3A_267 = vector.broadcast %broadcast_in_dim3A_264 : vector<128x1xi32> to vector<128x80xi32>
    %eq3A_268 = arith.cmpi eq, %concatenate3A_110, %eq3A_267 : vector<128x80xi32>
    %and3A_269 = arith.andi %eq3A_266, %eq3A_268 : vector<128x80xi1>
    %jit3A_270 = arith.constant 1073741824 : i32
    %broadcast_in_dim3A_271 = vector.broadcast %jit3A_270 : i32 to vector<128x80xi32>
    %select_n3A_272 = arith.select %and3A_269, %iota3A, %broadcast_in_dim3A_271 : vector<128x80xi1>, vector<128x80xi32>
    %reduce_min3A_273 = arith.constant dense<2147483647> : vector<128xi32>
    %reduce_min3A_274 = vector.multi_reduction <minsi>, %select_n3A_272, %reduce_min3A_273 [1] : vector<128x80xi32> to vector<128xi32>
    %broadcast_in_dim3A_275 = vector.shape_cast %reduce_min3A_274 : vector<128xi32> to vector<128x1xi32>
    %eq3A_276 = vector.broadcast %broadcast_in_dim3A_275 : vector<128x1xi32> to vector<128x80xi32>
    %eq3A_277 = arith.cmpi eq, %iota3A, %eq3A_276 : vector<128x80xi32>
    %jit3A_278 = arith.constant 0x7F800000 : f32
    %broadcast_in_dim3A_279 = vector.broadcast %jit3A_278 : f32 to vector<128x80xf32>
    %select_n3A_280 = arith.select %eq3A_277, %broadcast_in_dim3A_279, %select_n3A_250 : vector<128x80xi1>, vector<128x80xf32>
    %swap3A_281 = arith.constant 0 : index
    %swap3A_282 = arith.constant 5 : index
    %swap3A_283 = vector.load %arg3[%swap3A_281, %swap3A_282] : memref<128x16xi32, #tpu.memory_space<vmem>>, vector<128x1xi32>
    tpu.vector_store %arg3[%swap3A_281, %swap3A_282], %broadcast_in_dim3A_264 {strides = array<i32>} : memref<128x16xi32, #tpu.memory_space<vmem>>, vector<128x1xi32>,
    %reduce_min3A_284 = arith.constant dense<0x7F800000> : vector<128xf32>
    %reduce_min3A_285 = vector.multi_reduction <minimumf>, %select_n3A_280, %reduce_min3A_284 [1] : vector<128x80xf32> to vector<128xf32>
    %broadcast_in_dim3A_286 = vector.shape_cast %reduce_min3A_285 : vector<128xf32> to vector<128x1xf32>
    %eq3A_287 = vector.broadcast %broadcast_in_dim3A_286 : vector<128x1xf32> to vector<128x80xf32>
    %eq3A_288 = arith.cmpf oeq, %select_n3A_280, %eq3A_287 : vector<128x80xf32>
    %jit3A_289 = arith.constant 1073741824 : i32
    %broadcast_in_dim3A_290 = vector.broadcast %jit3A_289 : i32 to vector<128x80xi32>
    %select_n3A_291 = arith.select %eq3A_288, %concatenate3A_110, %broadcast_in_dim3A_290 : vector<128x80xi1>, vector<128x80xi32>
    %reduce_min3A_292 = arith.constant dense<2147483647> : vector<128xi32>
    %reduce_min3A_293 = vector.multi_reduction <minsi>, %select_n3A_291, %reduce_min3A_292 [1] : vector<128x80xi32> to vector<128xi32>
    %broadcast_in_dim3A_294 = vector.shape_cast %reduce_min3A_293 : vector<128xi32> to vector<128x1xi32>
    %eq3A_295 = vector.broadcast %broadcast_in_dim3A_286 : vector<128x1xf32> to vector<128x80xf32>
    %eq3A_296 = arith.cmpf oeq, %select_n3A_280, %eq3A_295 : vector<128x80xf32>
    %eq3A_297 = vector.broadcast %broadcast_in_dim3A_294 : vector<128x1xi32> to vector<128x80xi32>
    %eq3A_298 = arith.cmpi eq, %concatenate3A_110, %eq3A_297 : vector<128x80xi32>
    %and3A_299 = arith.andi %eq3A_296, %eq3A_298 : vector<128x80xi1>
    %jit3A_300 = arith.constant 1073741824 : i32
    %broadcast_in_dim3A_301 = vector.broadcast %jit3A_300 : i32 to vector<128x80xi32>
    %select_n3A_302 = arith.select %and3A_299, %iota3A, %broadcast_in_dim3A_301 : vector<128x80xi1>, vector<128x80xi32>
    %reduce_min3A_303 = arith.constant dense<2147483647> : vector<128xi32>
    %reduce_min3A_304 = vector.multi_reduction <minsi>, %select_n3A_302, %reduce_min3A_303 [1] : vector<128x80xi32> to vector<128xi32>
    %broadcast_in_dim3A_305 = vector.shape_cast %reduce_min3A_304 : vector<128xi32> to vector<128x1xi32>
    %eq3A_306 = vector.broadcast %broadcast_in_dim3A_305 : vector<128x1xi32> to vector<128x80xi32>
    %eq3A_307 = arith.cmpi eq, %iota3A, %eq3A_306 : vector<128x80xi32>
    %jit3A_308 = arith.constant 0x7F800000 : f32
    %broadcast_in_dim3A_309 = vector.broadcast %jit3A_308 : f32 to vector<128x80xf32>
    %select_n3A_310 = arith.select %eq3A_307, %broadcast_in_dim3A_309, %select_n3A_280 : vector<128x80xi1>, vector<128x80xf32>
    %swap3A_311 = arith.constant 0 : index
    %swap3A_312 = arith.constant 6 : index
    %swap3A_313 = vector.load %arg3[%swap3A_311, %swap3A_312] : memref<128x16xi32, #tpu.memory_space<vmem>>, vector<128x1xi32>
    tpu.vector_store %arg3[%swap3A_311, %swap3A_312], %broadcast_in_dim3A_294 {strides = array<i32>} : memref<128x16xi32, #tpu.memory_space<vmem>>, vector<128x1xi32>,
    %reduce_min3A_314 = arith.constant dense<0x7F800000> : vector<128xf32>
    %reduce_min3A_315 = vector.multi_reduction <minimumf>, %select_n3A_310, %reduce_min3A_314 [1] : vector<128x80xf32> to vector<128xf32>
    %broadcast_in_dim3A_316 = vector.shape_cast %reduce_min3A_315 : vector<128xf32> to vector<128x1xf32>
    %eq3A_317 = vector.broadcast %broadcast_in_dim3A_316 : vector<128x1xf32> to vector<128x80xf32>
    %eq3A_318 = arith.cmpf oeq, %select_n3A_310, %eq3A_317 : vector<128x80xf32>
    %jit3A_319 = arith.constant 1073741824 : i32
    %broadcast_in_dim3A_320 = vector.broadcast %jit3A_319 : i32 to vector<128x80xi32>
    %select_n3A_321 = arith.select %eq3A_318, %concatenate3A_110, %broadcast_in_dim3A_320 : vector<128x80xi1>, vector<128x80xi32>
    %reduce_min3A_322 = arith.constant dense<2147483647> : vector<128xi32>
    %reduce_min3A_323 = vector.multi_reduction <minsi>, %select_n3A_321, %reduce_min3A_322 [1] : vector<128x80xi32> to vector<128xi32>
    %broadcast_in_dim3A_324 = vector.shape_cast %reduce_min3A_323 : vector<128xi32> to vector<128x1xi32>
    %eq3A_325 = vector.broadcast %broadcast_in_dim3A_316 : vector<128x1xf32> to vector<128x80xf32>
    %eq3A_326 = arith.cmpf oeq, %select_n3A_310, %eq3A_325 : vector<128x80xf32>
    %eq3A_327 = vector.broadcast %broadcast_in_dim3A_324 : vector<128x1xi32> to vector<128x80xi32>
    %eq3A_328 = arith.cmpi eq, %concatenate3A_110, %eq3A_327 : vector<128x80xi32>
    %and3A_329 = arith.andi %eq3A_326, %eq3A_328 : vector<128x80xi1>
    %jit3A_330 = arith.constant 1073741824 : i32
    %broadcast_in_dim3A_331 = vector.broadcast %jit3A_330 : i32 to vector<128x80xi32>
    %select_n3A_332 = arith.select %and3A_329, %iota3A, %broadcast_in_dim3A_331 : vector<128x80xi1>, vector<128x80xi32>
    %reduce_min3A_333 = arith.constant dense<2147483647> : vector<128xi32>
    %reduce_min3A_334 = vector.multi_reduction <minsi>, %select_n3A_332, %reduce_min3A_333 [1] : vector<128x80xi32> to vector<128xi32>
    %broadcast_in_dim3A_335 = vector.shape_cast %reduce_min3A_334 : vector<128xi32> to vector<128x1xi32>
    %eq3A_336 = vector.broadcast %broadcast_in_dim3A_335 : vector<128x1xi32> to vector<128x80xi32>
    %eq3A_337 = arith.cmpi eq, %iota3A, %eq3A_336 : vector<128x80xi32>
    %jit3A_338 = arith.constant 0x7F800000 : f32
    %broadcast_in_dim3A_339 = vector.broadcast %jit3A_338 : f32 to vector<128x80xf32>
    %select_n3A_340 = arith.select %eq3A_337, %broadcast_in_dim3A_339, %select_n3A_310 : vector<128x80xi1>, vector<128x80xf32>
    %swap3A_341 = arith.constant 0 : index
    %swap3A_342 = arith.constant 7 : index
    %swap3A_343 = vector.load %arg3[%swap3A_341, %swap3A_342] : memref<128x16xi32, #tpu.memory_space<vmem>>, vector<128x1xi32>
    tpu.vector_store %arg3[%swap3A_341, %swap3A_342], %broadcast_in_dim3A_324 {strides = array<i32>} : memref<128x16xi32, #tpu.memory_space<vmem>>, vector<128x1xi32>,
    %reduce_min3A_344 = arith.constant dense<0x7F800000> : vector<128xf32>
    %reduce_min3A_345 = vector.multi_reduction <minimumf>, %select_n3A_340, %reduce_min3A_344 [1] : vector<128x80xf32> to vector<128xf32>
    %broadcast_in_dim3A_346 = vector.shape_cast %reduce_min3A_345 : vector<128xf32> to vector<128x1xf32>
    %eq3A_347 = vector.broadcast %broadcast_in_dim3A_346 : vector<128x1xf32> to vector<128x80xf32>
    %eq3A_348 = arith.cmpf oeq, %select_n3A_340, %eq3A_347 : vector<128x80xf32>
    %jit3A_349 = arith.constant 1073741824 : i32
    %broadcast_in_dim3A_350 = vector.broadcast %jit3A_349 : i32 to vector<128x80xi32>
    %select_n3A_351 = arith.select %eq3A_348, %concatenate3A_110, %broadcast_in_dim3A_350 : vector<128x80xi1>, vector<128x80xi32>
    %reduce_min3A_352 = arith.constant dense<2147483647> : vector<128xi32>
    %reduce_min3A_353 = vector.multi_reduction <minsi>, %select_n3A_351, %reduce_min3A_352 [1] : vector<128x80xi32> to vector<128xi32>
    %broadcast_in_dim3A_354 = vector.shape_cast %reduce_min3A_353 : vector<128xi32> to vector<128x1xi32>
    %eq3A_355 = vector.broadcast %broadcast_in_dim3A_346 : vector<128x1xf32> to vector<128x80xf32>
    %eq3A_356 = arith.cmpf oeq, %select_n3A_340, %eq3A_355 : vector<128x80xf32>
    %eq3A_357 = vector.broadcast %broadcast_in_dim3A_354 : vector<128x1xi32> to vector<128x80xi32>
    %eq3A_358 = arith.cmpi eq, %concatenate3A_110, %eq3A_357 : vector<128x80xi32>
    %and3A_359 = arith.andi %eq3A_356, %eq3A_358 : vector<128x80xi1>
    %jit3A_360 = arith.constant 1073741824 : i32
    %broadcast_in_dim3A_361 = vector.broadcast %jit3A_360 : i32 to vector<128x80xi32>
    %select_n3A_362 = arith.select %and3A_359, %iota3A, %broadcast_in_dim3A_361 : vector<128x80xi1>, vector<128x80xi32>
    %reduce_min3A_363 = arith.constant dense<2147483647> : vector<128xi32>
    %reduce_min3A_364 = vector.multi_reduction <minsi>, %select_n3A_362, %reduce_min3A_363 [1] : vector<128x80xi32> to vector<128xi32>
    %broadcast_in_dim3A_365 = vector.shape_cast %reduce_min3A_364 : vector<128xi32> to vector<128x1xi32>
    %eq3A_366 = vector.broadcast %broadcast_in_dim3A_365 : vector<128x1xi32> to vector<128x80xi32>
    %eq3A_367 = arith.cmpi eq, %iota3A, %eq3A_366 : vector<128x80xi32>
    %jit3A_368 = arith.constant 0x7F800000 : f32
    %broadcast_in_dim3A_369 = vector.broadcast %jit3A_368 : f32 to vector<128x80xf32>
    %select_n3A_370 = arith.select %eq3A_367, %broadcast_in_dim3A_369, %select_n3A_340 : vector<128x80xi1>, vector<128x80xf32>
    %swap3A_371 = arith.constant 0 : index
    %swap3A_372 = arith.constant 8 : index
    %swap3A_373 = vector.load %arg3[%swap3A_371, %swap3A_372] : memref<128x16xi32, #tpu.memory_space<vmem>>, vector<128x1xi32>
    tpu.vector_store %arg3[%swap3A_371, %swap3A_372], %broadcast_in_dim3A_354 {strides = array<i32>} : memref<128x16xi32, #tpu.memory_space<vmem>>, vector<128x1xi32>,
    %reduce_min3A_374 = arith.constant dense<0x7F800000> : vector<128xf32>
    %reduce_min3A_375 = vector.multi_reduction <minimumf>, %select_n3A_370, %reduce_min3A_374 [1] : vector<128x80xf32> to vector<128xf32>
    %broadcast_in_dim3A_376 = vector.shape_cast %reduce_min3A_375 : vector<128xf32> to vector<128x1xf32>
    %eq3A_377 = vector.broadcast %broadcast_in_dim3A_376 : vector<128x1xf32> to vector<128x80xf32>
    %eq3A_378 = arith.cmpf oeq, %select_n3A_370, %eq3A_377 : vector<128x80xf32>
    %jit3A_379 = arith.constant 1073741824 : i32
    %broadcast_in_dim3A_380 = vector.broadcast %jit3A_379 : i32 to vector<128x80xi32>
    %select_n3A_381 = arith.select %eq3A_378, %concatenate3A_110, %broadcast_in_dim3A_380 : vector<128x80xi1>, vector<128x80xi32>
    %reduce_min3A_382 = arith.constant dense<2147483647> : vector<128xi32>
    %reduce_min3A_383 = vector.multi_reduction <minsi>, %select_n3A_381, %reduce_min3A_382 [1] : vector<128x80xi32> to vector<128xi32>
    %broadcast_in_dim3A_384 = vector.shape_cast %reduce_min3A_383 : vector<128xi32> to vector<128x1xi32>
    %eq3A_385 = vector.broadcast %broadcast_in_dim3A_376 : vector<128x1xf32> to vector<128x80xf32>
    %eq3A_386 = arith.cmpf oeq, %select_n3A_370, %eq3A_385 : vector<128x80xf32>
    %eq3A_387 = vector.broadcast %broadcast_in_dim3A_384 : vector<128x1xi32> to vector<128x80xi32>
    %eq3A_388 = arith.cmpi eq, %concatenate3A_110, %eq3A_387 : vector<128x80xi32>
    %and3A_389 = arith.andi %eq3A_386, %eq3A_388 : vector<128x80xi1>
    %jit3A_390 = arith.constant 1073741824 : i32
    %broadcast_in_dim3A_391 = vector.broadcast %jit3A_390 : i32 to vector<128x80xi32>
    %select_n3A_392 = arith.select %and3A_389, %iota3A, %broadcast_in_dim3A_391 : vector<128x80xi1>, vector<128x80xi32>
    %reduce_min3A_393 = arith.constant dense<2147483647> : vector<128xi32>
    %reduce_min3A_394 = vector.multi_reduction <minsi>, %select_n3A_392, %reduce_min3A_393 [1] : vector<128x80xi32> to vector<128xi32>
    %broadcast_in_dim3A_395 = vector.shape_cast %reduce_min3A_394 : vector<128xi32> to vector<128x1xi32>
    %eq3A_396 = vector.broadcast %broadcast_in_dim3A_395 : vector<128x1xi32> to vector<128x80xi32>
    %eq3A_397 = arith.cmpi eq, %iota3A, %eq3A_396 : vector<128x80xi32>
    %jit3A_398 = arith.constant 0x7F800000 : f32
    %broadcast_in_dim3A_399 = vector.broadcast %jit3A_398 : f32 to vector<128x80xf32>
    %select_n3A_400 = arith.select %eq3A_397, %broadcast_in_dim3A_399, %select_n3A_370 : vector<128x80xi1>, vector<128x80xf32>
    %swap3A_401 = arith.constant 0 : index
    %swap3A_402 = arith.constant 9 : index
    %swap3A_403 = vector.load %arg3[%swap3A_401, %swap3A_402] : memref<128x16xi32, #tpu.memory_space<vmem>>, vector<128x1xi32>
    tpu.vector_store %arg3[%swap3A_401, %swap3A_402], %broadcast_in_dim3A_384 {strides = array<i32>} : memref<128x16xi32, #tpu.memory_space<vmem>>, vector<128x1xi32>,
    %reduce_min3A_404 = arith.constant dense<0x7F800000> : vector<128xf32>
    %reduce_min3A_405 = vector.multi_reduction <minimumf>, %select_n3A_400, %reduce_min3A_404 [1] : vector<128x80xf32> to vector<128xf32>
    %broadcast_in_dim3A_406 = vector.shape_cast %reduce_min3A_405 : vector<128xf32> to vector<128x1xf32>
    %eq3A_407 = vector.broadcast %broadcast_in_dim3A_406 : vector<128x1xf32> to vector<128x80xf32>
    %eq3A_408 = arith.cmpf oeq, %select_n3A_400, %eq3A_407 : vector<128x80xf32>
    %jit3A_409 = arith.constant 1073741824 : i32
    %broadcast_in_dim3A_410 = vector.broadcast %jit3A_409 : i32 to vector<128x80xi32>
    %select_n3A_411 = arith.select %eq3A_408, %concatenate3A_110, %broadcast_in_dim3A_410 : vector<128x80xi1>, vector<128x80xi32>
    %reduce_min3A_412 = arith.constant dense<2147483647> : vector<128xi32>
    %reduce_min3A_413 = vector.multi_reduction <minsi>, %select_n3A_411, %reduce_min3A_412 [1] : vector<128x80xi32> to vector<128xi32>
    %broadcast_in_dim3A_414 = vector.shape_cast %reduce_min3A_413 : vector<128xi32> to vector<128x1xi32>
    %eq3A_415 = vector.broadcast %broadcast_in_dim3A_406 : vector<128x1xf32> to vector<128x80xf32>
    %eq3A_416 = arith.cmpf oeq, %select_n3A_400, %eq3A_415 : vector<128x80xf32>
    %eq3A_417 = vector.broadcast %broadcast_in_dim3A_414 : vector<128x1xi32> to vector<128x80xi32>
    %eq3A_418 = arith.cmpi eq, %concatenate3A_110, %eq3A_417 : vector<128x80xi32>
    %and3A_419 = arith.andi %eq3A_416, %eq3A_418 : vector<128x80xi1>
    %jit3A_420 = arith.constant 1073741824 : i32
    %broadcast_in_dim3A_421 = vector.broadcast %jit3A_420 : i32 to vector<128x80xi32>
    %select_n3A_422 = arith.select %and3A_419, %iota3A, %broadcast_in_dim3A_421 : vector<128x80xi1>, vector<128x80xi32>
    %reduce_min3A_423 = arith.constant dense<2147483647> : vector<128xi32>
    %reduce_min3A_424 = vector.multi_reduction <minsi>, %select_n3A_422, %reduce_min3A_423 [1] : vector<128x80xi32> to vector<128xi32>
    %broadcast_in_dim3A_425 = vector.shape_cast %reduce_min3A_424 : vector<128xi32> to vector<128x1xi32>
    %eq3A_426 = vector.broadcast %broadcast_in_dim3A_425 : vector<128x1xi32> to vector<128x80xi32>
    %eq3A_427 = arith.cmpi eq, %iota3A, %eq3A_426 : vector<128x80xi32>
    %jit3A_428 = arith.constant 0x7F800000 : f32
    %broadcast_in_dim3A_429 = vector.broadcast %jit3A_428 : f32 to vector<128x80xf32>
    %select_n3A_430 = arith.select %eq3A_427, %broadcast_in_dim3A_429, %select_n3A_400 : vector<128x80xi1>, vector<128x80xf32>
    %swap3A_431 = arith.constant 0 : index
    %swap3A_432 = arith.constant 10 : index
    %swap3A_433 = vector.load %arg3[%swap3A_431, %swap3A_432] : memref<128x16xi32, #tpu.memory_space<vmem>>, vector<128x1xi32>
    tpu.vector_store %arg3[%swap3A_431, %swap3A_432], %broadcast_in_dim3A_414 {strides = array<i32>} : memref<128x16xi32, #tpu.memory_space<vmem>>, vector<128x1xi32>,
    %reduce_min3A_434 = arith.constant dense<0x7F800000> : vector<128xf32>
    %reduce_min3A_435 = vector.multi_reduction <minimumf>, %select_n3A_430, %reduce_min3A_434 [1] : vector<128x80xf32> to vector<128xf32>
    %broadcast_in_dim3A_436 = vector.shape_cast %reduce_min3A_435 : vector<128xf32> to vector<128x1xf32>
    %eq3A_437 = vector.broadcast %broadcast_in_dim3A_436 : vector<128x1xf32> to vector<128x80xf32>
    %eq3A_438 = arith.cmpf oeq, %select_n3A_430, %eq3A_437 : vector<128x80xf32>
    %jit3A_439 = arith.constant 1073741824 : i32
    %broadcast_in_dim3A_440 = vector.broadcast %jit3A_439 : i32 to vector<128x80xi32>
    %select_n3A_441 = arith.select %eq3A_438, %concatenate3A_110, %broadcast_in_dim3A_440 : vector<128x80xi1>, vector<128x80xi32>
    %reduce_min3A_442 = arith.constant dense<2147483647> : vector<128xi32>
    %reduce_min3A_443 = vector.multi_reduction <minsi>, %select_n3A_441, %reduce_min3A_442 [1] : vector<128x80xi32> to vector<128xi32>
    %broadcast_in_dim3A_444 = vector.shape_cast %reduce_min3A_443 : vector<128xi32> to vector<128x1xi32>
    %eq3A_445 = vector.broadcast %broadcast_in_dim3A_436 : vector<128x1xf32> to vector<128x80xf32>
    %eq3A_446 = arith.cmpf oeq, %select_n3A_430, %eq3A_445 : vector<128x80xf32>
    %eq3A_447 = vector.broadcast %broadcast_in_dim3A_444 : vector<128x1xi32> to vector<128x80xi32>
    %eq3A_448 = arith.cmpi eq, %concatenate3A_110, %eq3A_447 : vector<128x80xi32>
    %and3A_449 = arith.andi %eq3A_446, %eq3A_448 : vector<128x80xi1>
    %jit3A_450 = arith.constant 1073741824 : i32
    %broadcast_in_dim3A_451 = vector.broadcast %jit3A_450 : i32 to vector<128x80xi32>
    %select_n3A_452 = arith.select %and3A_449, %iota3A, %broadcast_in_dim3A_451 : vector<128x80xi1>, vector<128x80xi32>
    %reduce_min3A_453 = arith.constant dense<2147483647> : vector<128xi32>
    %reduce_min3A_454 = vector.multi_reduction <minsi>, %select_n3A_452, %reduce_min3A_453 [1] : vector<128x80xi32> to vector<128xi32>
    %broadcast_in_dim3A_455 = vector.shape_cast %reduce_min3A_454 : vector<128xi32> to vector<128x1xi32>
    %eq3A_456 = vector.broadcast %broadcast_in_dim3A_455 : vector<128x1xi32> to vector<128x80xi32>
    %eq3A_457 = arith.cmpi eq, %iota3A, %eq3A_456 : vector<128x80xi32>
    %jit3A_458 = arith.constant 0x7F800000 : f32
    %broadcast_in_dim3A_459 = vector.broadcast %jit3A_458 : f32 to vector<128x80xf32>
    %select_n3A_460 = arith.select %eq3A_457, %broadcast_in_dim3A_459, %select_n3A_430 : vector<128x80xi1>, vector<128x80xf32>
    %swap3A_461 = arith.constant 0 : index
    %swap3A_462 = arith.constant 11 : index
    %swap3A_463 = vector.load %arg3[%swap3A_461, %swap3A_462] : memref<128x16xi32, #tpu.memory_space<vmem>>, vector<128x1xi32>
    tpu.vector_store %arg3[%swap3A_461, %swap3A_462], %broadcast_in_dim3A_444 {strides = array<i32>} : memref<128x16xi32, #tpu.memory_space<vmem>>, vector<128x1xi32>,
    %reduce_min3A_464 = arith.constant dense<0x7F800000> : vector<128xf32>
    %reduce_min3A_465 = vector.multi_reduction <minimumf>, %select_n3A_460, %reduce_min3A_464 [1] : vector<128x80xf32> to vector<128xf32>
    %broadcast_in_dim3A_466 = vector.shape_cast %reduce_min3A_465 : vector<128xf32> to vector<128x1xf32>
    %eq3A_467 = vector.broadcast %broadcast_in_dim3A_466 : vector<128x1xf32> to vector<128x80xf32>
    %eq3A_468 = arith.cmpf oeq, %select_n3A_460, %eq3A_467 : vector<128x80xf32>
    %jit3A_469 = arith.constant 1073741824 : i32
    %broadcast_in_dim3A_470 = vector.broadcast %jit3A_469 : i32 to vector<128x80xi32>
    %select_n3A_471 = arith.select %eq3A_468, %concatenate3A_110, %broadcast_in_dim3A_470 : vector<128x80xi1>, vector<128x80xi32>
    %reduce_min3A_472 = arith.constant dense<2147483647> : vector<128xi32>
    %reduce_min3A_473 = vector.multi_reduction <minsi>, %select_n3A_471, %reduce_min3A_472 [1] : vector<128x80xi32> to vector<128xi32>
    %broadcast_in_dim3A_474 = vector.shape_cast %reduce_min3A_473 : vector<128xi32> to vector<128x1xi32>
    %eq3A_475 = vector.broadcast %broadcast_in_dim3A_466 : vector<128x1xf32> to vector<128x80xf32>
    %eq3A_476 = arith.cmpf oeq, %select_n3A_460, %eq3A_475 : vector<128x80xf32>
    %eq3A_477 = vector.broadcast %broadcast_in_dim3A_474 : vector<128x1xi32> to vector<128x80xi32>
    %eq3A_478 = arith.cmpi eq, %concatenate3A_110, %eq3A_477 : vector<128x80xi32>
    %and3A_479 = arith.andi %eq3A_476, %eq3A_478 : vector<128x80xi1>
    %jit3A_480 = arith.constant 1073741824 : i32
    %broadcast_in_dim3A_481 = vector.broadcast %jit3A_480 : i32 to vector<128x80xi32>
    %select_n3A_482 = arith.select %and3A_479, %iota3A, %broadcast_in_dim3A_481 : vector<128x80xi1>, vector<128x80xi32>
    %reduce_min3A_483 = arith.constant dense<2147483647> : vector<128xi32>
    %reduce_min3A_484 = vector.multi_reduction <minsi>, %select_n3A_482, %reduce_min3A_483 [1] : vector<128x80xi32> to vector<128xi32>
    %broadcast_in_dim3A_485 = vector.shape_cast %reduce_min3A_484 : vector<128xi32> to vector<128x1xi32>
    %eq3A_486 = vector.broadcast %broadcast_in_dim3A_485 : vector<128x1xi32> to vector<128x80xi32>
    %eq3A_487 = arith.cmpi eq, %iota3A, %eq3A_486 : vector<128x80xi32>
    %jit3A_488 = arith.constant 0x7F800000 : f32
    %broadcast_in_dim3A_489 = vector.broadcast %jit3A_488 : f32 to vector<128x80xf32>
    %select_n3A_490 = arith.select %eq3A_487, %broadcast_in_dim3A_489, %select_n3A_460 : vector<128x80xi1>, vector<128x80xf32>
    %swap3A_491 = arith.constant 0 : index
    %swap3A_492 = arith.constant 12 : index
    %swap3A_493 = vector.load %arg3[%swap3A_491, %swap3A_492] : memref<128x16xi32, #tpu.memory_space<vmem>>, vector<128x1xi32>
    tpu.vector_store %arg3[%swap3A_491, %swap3A_492], %broadcast_in_dim3A_474 {strides = array<i32>} : memref<128x16xi32, #tpu.memory_space<vmem>>, vector<128x1xi32>,
    %reduce_min3A_494 = arith.constant dense<0x7F800000> : vector<128xf32>
    %reduce_min3A_495 = vector.multi_reduction <minimumf>, %select_n3A_490, %reduce_min3A_494 [1] : vector<128x80xf32> to vector<128xf32>
    %broadcast_in_dim3A_496 = vector.shape_cast %reduce_min3A_495 : vector<128xf32> to vector<128x1xf32>
    %eq3A_497 = vector.broadcast %broadcast_in_dim3A_496 : vector<128x1xf32> to vector<128x80xf32>
    %eq3A_498 = arith.cmpf oeq, %select_n3A_490, %eq3A_497 : vector<128x80xf32>
    %jit3A_499 = arith.constant 1073741824 : i32
    %broadcast_in_dim3A_500 = vector.broadcast %jit3A_499 : i32 to vector<128x80xi32>
    %select_n3A_501 = arith.select %eq3A_498, %concatenate3A_110, %broadcast_in_dim3A_500 : vector<128x80xi1>, vector<128x80xi32>
    %reduce_min3A_502 = arith.constant dense<2147483647> : vector<128xi32>
    %reduce_min3A_503 = vector.multi_reduction <minsi>, %select_n3A_501, %reduce_min3A_502 [1] : vector<128x80xi32> to vector<128xi32>
    %broadcast_in_dim3A_504 = vector.shape_cast %reduce_min3A_503 : vector<128xi32> to vector<128x1xi32>
    %eq3A_505 = vector.broadcast %broadcast_in_dim3A_496 : vector<128x1xf32> to vector<128x80xf32>
    %eq3A_506 = arith.cmpf oeq, %select_n3A_490, %eq3A_505 : vector<128x80xf32>
    %eq3A_507 = vector.broadcast %broadcast_in_dim3A_504 : vector<128x1xi32> to vector<128x80xi32>
    %eq3A_508 = arith.cmpi eq, %concatenate3A_110, %eq3A_507 : vector<128x80xi32>
    %and3A_509 = arith.andi %eq3A_506, %eq3A_508 : vector<128x80xi1>
    %jit3A_510 = arith.constant 1073741824 : i32
    %broadcast_in_dim3A_511 = vector.broadcast %jit3A_510 : i32 to vector<128x80xi32>
    %select_n3A_512 = arith.select %and3A_509, %iota3A, %broadcast_in_dim3A_511 : vector<128x80xi1>, vector<128x80xi32>
    %reduce_min3A_513 = arith.constant dense<2147483647> : vector<128xi32>
    %reduce_min3A_514 = vector.multi_reduction <minsi>, %select_n3A_512, %reduce_min3A_513 [1] : vector<128x80xi32> to vector<128xi32>
    %broadcast_in_dim3A_515 = vector.shape_cast %reduce_min3A_514 : vector<128xi32> to vector<128x1xi32>
    %eq3A_516 = vector.broadcast %broadcast_in_dim3A_515 : vector<128x1xi32> to vector<128x80xi32>
    %eq3A_517 = arith.cmpi eq, %iota3A, %eq3A_516 : vector<128x80xi32>
    %jit3A_518 = arith.constant 0x7F800000 : f32
    %broadcast_in_dim3A_519 = vector.broadcast %jit3A_518 : f32 to vector<128x80xf32>
    %select_n3A_520 = arith.select %eq3A_517, %broadcast_in_dim3A_519, %select_n3A_490 : vector<128x80xi1>, vector<128x80xf32>
    %swap3A_521 = arith.constant 0 : index
    %swap3A_522 = arith.constant 13 : index
    %swap3A_523 = vector.load %arg3[%swap3A_521, %swap3A_522] : memref<128x16xi32, #tpu.memory_space<vmem>>, vector<128x1xi32>
    tpu.vector_store %arg3[%swap3A_521, %swap3A_522], %broadcast_in_dim3A_504 {strides = array<i32>} : memref<128x16xi32, #tpu.memory_space<vmem>>, vector<128x1xi32>,
    %reduce_min3A_524 = arith.constant dense<0x7F800000> : vector<128xf32>
    %reduce_min3A_525 = vector.multi_reduction <minimumf>, %select_n3A_520, %reduce_min3A_524 [1] : vector<128x80xf32> to vector<128xf32>
    %broadcast_in_dim3A_526 = vector.shape_cast %reduce_min3A_525 : vector<128xf32> to vector<128x1xf32>
    %eq3A_527 = vector.broadcast %broadcast_in_dim3A_526 : vector<128x1xf32> to vector<128x80xf32>
    %eq3A_528 = arith.cmpf oeq, %select_n3A_520, %eq3A_527 : vector<128x80xf32>
    %jit3A_529 = arith.constant 1073741824 : i32
    %broadcast_in_dim3A_530 = vector.broadcast %jit3A_529 : i32 to vector<128x80xi32>
    %select_n3A_531 = arith.select %eq3A_528, %concatenate3A_110, %broadcast_in_dim3A_530 : vector<128x80xi1>, vector<128x80xi32>
    %reduce_min3A_532 = arith.constant dense<2147483647> : vector<128xi32>
    %reduce_min3A_533 = vector.multi_reduction <minsi>, %select_n3A_531, %reduce_min3A_532 [1] : vector<128x80xi32> to vector<128xi32>
    %broadcast_in_dim3A_534 = vector.shape_cast %reduce_min3A_533 : vector<128xi32> to vector<128x1xi32>
    %eq3A_535 = vector.broadcast %broadcast_in_dim3A_526 : vector<128x1xf32> to vector<128x80xf32>
    %eq3A_536 = arith.cmpf oeq, %select_n3A_520, %eq3A_535 : vector<128x80xf32>
    %eq3A_537 = vector.broadcast %broadcast_in_dim3A_534 : vector<128x1xi32> to vector<128x80xi32>
    %eq3A_538 = arith.cmpi eq, %concatenate3A_110, %eq3A_537 : vector<128x80xi32>
    %and3A_539 = arith.andi %eq3A_536, %eq3A_538 : vector<128x80xi1>
    %jit3A_540 = arith.constant 1073741824 : i32
    %broadcast_in_dim3A_541 = vector.broadcast %jit3A_540 : i32 to vector<128x80xi32>
    %select_n3A_542 = arith.select %and3A_539, %iota3A, %broadcast_in_dim3A_541 : vector<128x80xi1>, vector<128x80xi32>
    %reduce_min3A_543 = arith.constant dense<2147483647> : vector<128xi32>
    %reduce_min3A_544 = vector.multi_reduction <minsi>, %select_n3A_542, %reduce_min3A_543 [1] : vector<128x80xi32> to vector<128xi32>
    %broadcast_in_dim3A_545 = vector.shape_cast %reduce_min3A_544 : vector<128xi32> to vector<128x1xi32>
    %eq3A_546 = vector.broadcast %broadcast_in_dim3A_545 : vector<128x1xi32> to vector<128x80xi32>
    %eq3A_547 = arith.cmpi eq, %iota3A, %eq3A_546 : vector<128x80xi32>
    %jit3A_548 = arith.constant 0x7F800000 : f32
    %broadcast_in_dim3A_549 = vector.broadcast %jit3A_548 : f32 to vector<128x80xf32>
    %select_n3A_550 = arith.select %eq3A_547, %broadcast_in_dim3A_549, %select_n3A_520 : vector<128x80xi1>, vector<128x80xf32>
    %swap3A_551 = arith.constant 0 : index
    %swap3A_552 = arith.constant 14 : index
    %swap3A_553 = vector.load %arg3[%swap3A_551, %swap3A_552] : memref<128x16xi32, #tpu.memory_space<vmem>>, vector<128x1xi32>
    tpu.vector_store %arg3[%swap3A_551, %swap3A_552], %broadcast_in_dim3A_534 {strides = array<i32>} : memref<128x16xi32, #tpu.memory_space<vmem>>, vector<128x1xi32>,
    %reduce_min3A_554 = arith.constant dense<0x7F800000> : vector<128xf32>
    %reduce_min3A_555 = vector.multi_reduction <minimumf>, %select_n3A_550, %reduce_min3A_554 [1] : vector<128x80xf32> to vector<128xf32>
    %broadcast_in_dim3A_556 = vector.shape_cast %reduce_min3A_555 : vector<128xf32> to vector<128x1xf32>
    %eq3A_557 = vector.broadcast %broadcast_in_dim3A_556 : vector<128x1xf32> to vector<128x80xf32>
    %eq3A_558 = arith.cmpf oeq, %select_n3A_550, %eq3A_557 : vector<128x80xf32>
    %jit3A_559 = arith.constant 1073741824 : i32
    %broadcast_in_dim3A_560 = vector.broadcast %jit3A_559 : i32 to vector<128x80xi32>
    %select_n3A_561 = arith.select %eq3A_558, %concatenate3A_110, %broadcast_in_dim3A_560 : vector<128x80xi1>, vector<128x80xi32>
    %reduce_min3A_562 = arith.constant dense<2147483647> : vector<128xi32>
    %reduce_min3A_563 = vector.multi_reduction <minsi>, %select_n3A_561, %reduce_min3A_562 [1] : vector<128x80xi32> to vector<128xi32>
    %broadcast_in_dim3A_564 = vector.shape_cast %reduce_min3A_563 : vector<128xi32> to vector<128x1xi32>
    %swap3A_565 = arith.constant 0 : index
    %swap3A_566 = arith.constant 15 : index
    %swap3A_567 = vector.load %arg3[%swap3A_565, %swap3A_566] : memref<128x16xi32, #tpu.memory_space<vmem>>, vector<128x1xi32>
    tpu.vector_store %arg3[%swap3A_565, %swap3A_566], %broadcast_in_dim3A_564 {strides = array<i32>} : memref<128x16xi32, #tpu.memory_space<vmem>>, vector<128x1xi32>,
    %broadcast_in_dim3A_568 = arith.constant 0 : i32
    %broadcast_in_dim3A_569 = vector.broadcast %broadcast_in_dim3A_568 : i32 to vector<128x1xi32>
    %scan3A_570 = arith.constant 0 : i32
    %scan3A_571 = arith.constant 10 : i32
    %scan3A_572 = arith.addi %scan3A_570, %scan3A_571 : i32
    %scan3A_573 = arith.constant 1 : i32
    %scan3A_574 = scf.for %scan3A_584 = %scan3A_570 to %scan3A_572 step %scan3A_573 iter_args(%scan3A_585 = %broadcast_in_dim3A_569) -> (vector<128x1xi32>)  : i32 {
      %get3A_586 = arith.index_cast %scan3A_584 : i32 to index
      %get3A_587 = arith.constant 0 : index
      %get3A_588 = arith.constant 0 : index
      %get3A_589 = vector.load %arg4[%get3A_586, %get3A_587, %get3A_588] : memref<10x128x1024xf32, #tpu.memory_space<vmem>>, vector<1x128x1024xf32>
      %get3A_590 = vector.shape_cast %get3A_589 : vector<1x128x1024xf32> to vector<128x1024xf32>
      %reduce_min3A_591 = arith.constant dense<0x7F800000> : vector<128xf32>
      %reduce_min3A_592 = vector.multi_reduction <minimumf>, %get3A_590, %reduce_min3A_591 [1] : vector<128x1024xf32> to vector<128xf32>
      %broadcast_in_dim3A_593 = vector.shape_cast %reduce_min3A_592 : vector<128xf32> to vector<128x1xf32>
      %le3A = arith.cmpf ole, %broadcast_in_dim3A_593, %broadcast_in_dim3A_556 : vector<128x1xf32>
      %convert_element_type3A_594 = arith.extui %le3A : vector<128x1xi1> to vector<128x1xi32>
      %add3A = arith.addi %scan3A_585, %convert_element_type3A_594 : vector<128x1xi32>
      scf.yield %add3A : vector<128x1xi32>
    }
    %scan3A_575 = arith.constant 10 : i32
    %reduce_sum3A = vector.shape_cast %scan3A_574 : vector<128x1xi32> to vector<1x128x1xi32>
    %reduce_sum3A_576 = arith.constant dense<0> : vector<1xi32>
    %reduce_sum3A_577 = vector.multi_reduction <add>, %reduce_sum3A, %reduce_sum3A_576 [1, 2] : vector<1x128x1xi32> to vector<1xi32>
    %reduce_sum3A_578 = vector.shape_cast %reduce_sum3A_577 : vector<1xi32> to vector<1x1x1xi32>
    %reduce_sum3A_579 = vector.extract %reduce_sum3A_578[0, 0, 0] : i32 from vector<1x1x1xi32>
    %gt3A = arith.constant 0 : i32
    %gt3A_580 = arith.cmpi sgt, %reduce_sum3A_579, %gt3A : i32
    %convert_element_type3A = arith.extui %gt3A_580 : i1 to i32
    %cond3A = arith.constant 0x7F800000 : f32
    %cond3A_581 = arith.constant 1073741824 : i32
    %cond3A_582 = arith.constant 0 : i32
    %cond3A_583 = arith.cmpi ne, %convert_element_type3A, %cond3A_582 : i32
    scf.if %cond3A_583 {
      %scan3A_584 = arith.constant 0 : i32
      %scan3A_585 = arith.constant 10 : i32
      %scan3A_586 = arith.addi %scan3A_584, %scan3A_585 : i32
      %scan3A_587 = arith.constant 1 : i32
      scf.for %scan3A_767 = %scan3A_584 to %scan3A_586 step %scan3A_587  : i32 {
        %get3A_768 = arith.index_cast %scan3A_767 : i32 to index
        %get3A_769 = arith.constant 0 : index
        %get3A_770 = arith.constant 0 : index
        %get3A_771 = vector.load %arg2[%get3A_768, %get3A_769, %get3A_770] : memref<10x8x1024xf32, #tpu.memory_space<vmem>>, vector<1x8x1024xf32>
        %get3A_772 = vector.shape_cast %get3A_771 : vector<1x8x1024xf32> to vector<8x1024xf32>
        %get3A_773 = arith.constant 0 : index
        %get3A_774 = arith.constant 0 : index
        %get3A_775 = vector.load %arg1[%get3A_773, %get3A_774] : memref<128x8xf32, #tpu.memory_space<vmem>>, vector<128x1xf32>
        %slice3A = vector.extract_strided_slice %get3A_772 {offsets = [0, 0], sizes = [1, 1024], strides = [1, 1]} : vector<8x1024xf32> to vector<1x1024xf32>
        %sub3A = vector.broadcast %get3A_775 : vector<128x1xf32> to vector<128x1024xf32>
        %sub3A_776 = vector.broadcast %slice3A : vector<1x1024xf32> to vector<128x1024xf32>
        %sub3A_777 = arith.subf %sub3A, %sub3A_776 : vector<128x1024xf32>
        %get3A_778 = arith.constant 0 : index
        %get3A_779 = arith.constant 1 : index
        %get3A_780 = vector.load %arg1[%get3A_778, %get3A_779] : memref<128x8xf32, #tpu.memory_space<vmem>>, vector<128x1xf32>
        %slice3A_781 = vector.extract_strided_slice %get3A_772 {offsets = [1, 0], sizes = [1, 1024], strides = [1, 1]} : vector<8x1024xf32> to vector<1x1024xf32>
        %sub3A_782 = vector.broadcast %get3A_780 : vector<128x1xf32> to vector<128x1024xf32>
        %sub3A_783 = vector.broadcast %slice3A_781 : vector<1x1024xf32> to vector<128x1024xf32>
        %sub3A_784 = arith.subf %sub3A_782, %sub3A_783 : vector<128x1024xf32>
        %get3A_785 = arith.constant 0 : index
        %get3A_786 = arith.constant 2 : index
        %get3A_787 = vector.load %arg1[%get3A_785, %get3A_786] : memref<128x8xf32, #tpu.memory_space<vmem>>, vector<128x1xf32>
        %slice3A_788 = vector.extract_strided_slice %get3A_772 {offsets = [2, 0], sizes = [1, 1024], strides = [1, 1]} : vector<8x1024xf32> to vector<1x1024xf32>
        %sub3A_789 = vector.broadcast %get3A_787 : vector<128x1xf32> to vector<128x1024xf32>
        %sub3A_790 = vector.broadcast %slice3A_788 : vector<1x1024xf32> to vector<128x1024xf32>
        %sub3A_791 = arith.subf %sub3A_789, %sub3A_790 : vector<128x1024xf32>
        %mul3A = arith.mulf %sub3A_777, %sub3A_777 : vector<128x1024xf32>
        %mul3A_792 = arith.mulf %sub3A_784, %sub3A_784 : vector<128x1024xf32>
        %add3A = arith.addf %mul3A, %mul3A_792 : vector<128x1024xf32>
        %mul3A_793 = arith.mulf %sub3A_791, %sub3A_791 : vector<128x1024xf32>
        %add3A_794 = arith.addf %add3A, %mul3A_793 : vector<128x1024xf32>
        %swap3A_795 = arith.index_cast %scan3A_767 : i32 to index
        %swap3A_796 = arith.constant 0 : index
        %swap3A_797 = arith.constant 0 : index
        %swap3A_798 = vector.load %arg4[%swap3A_795, %swap3A_796, %swap3A_797] : memref<10x128x1024xf32, #tpu.memory_space<vmem>>, vector<1x128x1024xf32>
        %swap3A_799 = vector.shape_cast %swap3A_798 : vector<1x128x1024xf32> to vector<128x1024xf32>
        %swap3A_800 = vector.shape_cast %add3A_794 : vector<128x1024xf32> to vector<1x128x1024xf32>
        tpu.vector_store %arg4[%swap3A_795, %swap3A_796, %swap3A_797], %swap3A_800 {strides = array<i32>} : memref<10x128x1024xf32, #tpu.memory_space<vmem>>, vector<1x128x1024xf32>,
      }
      %scan3A_588 = arith.constant 10 : i32
      %broadcast_in_dim3A_589 = arith.constant -1 : i32
      %broadcast_in_dim3A_590 = vector.broadcast %broadcast_in_dim3A_589 : i32 to vector<128x1xi32>
      %broadcast_in_dim3A_591 = vector.broadcast %cond3A : f32 to vector<128x1xf32>
      %broadcast_in_dim3A_592 = vector.broadcast %cond3A_581 : i32 to vector<128x1xi32>
      %scan3A_593 = arith.constant 0 : i32
      %scan3A_594 = arith.constant 10 : i32
      %scan3A_595 = arith.addi %scan3A_593, %scan3A_594 : i32
      %scan3A_596 = arith.constant 1 : i32
      %scan3A_597:2 = scf.for %scan3A_767 = %scan3A_593 to %scan3A_595 step %scan3A_596 iter_args(%scan3A_768 = %broadcast_in_dim3A_591, %scan3A_769 = %broadcast_in_dim3A_592) -> (vector<128x1xf32>, vector<128x1xi32>)  : i32 {
        %iota3A_770 = tpu.iota {dimensions = array<i32: 1>} : vector<128x1024xi32>
        %mul3A = arith.constant 1024 : i32
        %mul3A_771 = arith.muli %scan3A_767, %mul3A : i32
        %add3A = vector.broadcast %mul3A_771 : i32 to vector<128x1024xi32>
        %add3A_772 = arith.addi %iota3A_770, %add3A : vector<128x1024xi32>
        %eq3A_773 = vector.broadcast %broadcast_in_dim3A_590 : vector<128x1xi32> to vector<128x1024xi32>
        %eq3A_774 = arith.cmpi eq, %add3A_772, %eq3A_773 : vector<128x1024xi32>
        %get3A_775 = arith.index_cast %scan3A_767 : i32 to index
        %get3A_776 = arith.constant 0 : index
        %get3A_777 = arith.constant 0 : index
        %get3A_778 = vector.load %arg4[%get3A_775, %get3A_776, %get3A_777] : memref<10x128x1024xf32, #tpu.memory_space<vmem>>, vector<1x128x1024xf32>
        %get3A_779 = vector.shape_cast %get3A_778 : vector<1x128x1024xf32> to vector<128x1024xf32>
        %broadcast_in_dim3A_780 = vector.broadcast %cond3A : f32 to vector<128x1024xf32>
        %select_n3A_781 = arith.select %eq3A_774, %broadcast_in_dim3A_780, %get3A_779 : vector<128x1024xi1>, vector<128x1024xf32>
        %swap3A_782 = arith.index_cast %scan3A_767 : i32 to index
        %swap3A_783 = arith.constant 0 : index
        %swap3A_784 = arith.constant 0 : index
        %swap3A_785 = vector.load %arg4[%swap3A_782, %swap3A_783, %swap3A_784] : memref<10x128x1024xf32, #tpu.memory_space<vmem>>, vector<1x128x1024xf32>
        %swap3A_786 = vector.shape_cast %swap3A_785 : vector<1x128x1024xf32> to vector<128x1024xf32>
        %swap3A_787 = vector.shape_cast %select_n3A_781 : vector<128x1024xf32> to vector<1x128x1024xf32>
        tpu.vector_store %arg4[%swap3A_782, %swap3A_783, %swap3A_784], %swap3A_787 {strides = array<i32>} : memref<10x128x1024xf32, #tpu.memory_space<vmem>>, vector<1x128x1024xf32>,
        %reduce_min3A_788 = arith.constant dense<0x7F800000> : vector<128xf32>
        %reduce_min3A_789 = vector.multi_reduction <minimumf>, %select_n3A_781, %reduce_min3A_788 [1] : vector<128x1024xf32> to vector<128xf32>
        %broadcast_in_dim3A_790 = vector.shape_cast %reduce_min3A_789 : vector<128xf32> to vector<128x1xf32>
        %eq3A_791 = vector.broadcast %broadcast_in_dim3A_790 : vector<128x1xf32> to vector<128x1024xf32>
        %eq3A_792 = arith.cmpf oeq, %select_n3A_781, %eq3A_791 : vector<128x1024xf32>
        %broadcast_in_dim3A_793 = vector.broadcast %cond3A_581 : i32 to vector<128x1024xi32>
        %select_n3A_794 = arith.select %eq3A_792, %add3A_772, %broadcast_in_dim3A_793 : vector<128x1024xi1>, vector<128x1024xi32>
        %reduce_min3A_795 = arith.constant dense<2147483647> : vector<128xi32>
        %reduce_min3A_796 = vector.multi_reduction <minsi>, %select_n3A_794, %reduce_min3A_795 [1] : vector<128x1024xi32> to vector<128xi32>
        %broadcast_in_dim3A_797 = vector.shape_cast %reduce_min3A_796 : vector<128xi32> to vector<128x1xi32>
        %lt3A = arith.cmpf olt, %broadcast_in_dim3A_790, %scan3A_768 : vector<128x1xf32>
        %select_n3A_798 = arith.select %lt3A, %broadcast_in_dim3A_790, %scan3A_768 : vector<128x1xi1>, vector<128x1xf32>
        %select_n3A_799 = arith.select %lt3A, %broadcast_in_dim3A_797, %scan3A_769 : vector<128x1xi1>, vector<128x1xi32>
        scf.yield %select_n3A_798, %select_n3A_799 : vector<128x1xf32>, vector<128x1xi32>
      }
      %scan3A_598 = arith.constant 10 : i32
      %swap3A_599 = arith.constant 0 : index
      %swap3A_600 = arith.constant 0 : index
      %swap3A_601 = vector.load %arg3[%swap3A_599, %swap3A_600] : memref<128x16xi32, #tpu.memory_space<vmem>>, vector<128x1xi32>
      tpu.vector_store %arg3[%swap3A_599, %swap3A_600], %scan3A_597#1 {strides = array<i32>} : memref<128x16xi32, #tpu.memory_space<vmem>>, vector<128x1xi32>,
      %broadcast_in_dim3A_602 = vector.broadcast %cond3A : f32 to vector<128x1xf32>
      %broadcast_in_dim3A_603 = vector.broadcast %cond3A_581 : i32 to vector<128x1xi32>
      %scan3A_604 = arith.constant 0 : i32
      %scan3A_605 = arith.constant 10 : i32
      %scan3A_606 = arith.addi %scan3A_604, %scan3A_605 : i32
      %scan3A_607 = arith.constant 1 : i32
      %scan3A_608:2 = scf.for %scan3A_767 = %scan3A_604 to %scan3A_606 step %scan3A_607 iter_args(%scan3A_768 = %broadcast_in_dim3A_602, %scan3A_769 = %broadcast_in_dim3A_603) -> (vector<128x1xf32>, vector<128x1xi32>)  : i32 {
        %iota3A_770 = tpu.iota {dimensions = array<i32: 1>} : vector<128x1024xi32>
        %mul3A = arith.constant 1024 : i32
        %mul3A_771 = arith.muli %scan3A_767, %mul3A : i32
        %add3A = vector.broadcast %mul3A_771 : i32 to vector<128x1024xi32>
        %add3A_772 = arith.addi %iota3A_770, %add3A : vector<128x1024xi32>
        %eq3A_773 = vector.broadcast %scan3A_597#1 : vector<128x1xi32> to vector<128x1024xi32>
        %eq3A_774 = arith.cmpi eq, %add3A_772, %eq3A_773 : vector<128x1024xi32>
        %get3A_775 = arith.index_cast %scan3A_767 : i32 to index
        %get3A_776 = arith.constant 0 : index
        %get3A_777 = arith.constant 0 : index
        %get3A_778 = vector.load %arg4[%get3A_775, %get3A_776, %get3A_777] : memref<10x128x1024xf32, #tpu.memory_space<vmem>>, vector<1x128x1024xf32>
        %get3A_779 = vector.shape_cast %get3A_778 : vector<1x128x1024xf32> to vector<128x1024xf32>
        %broadcast_in_dim3A_780 = vector.broadcast %cond3A : f32 to vector<128x1024xf32>
        %select_n3A_781 = arith.select %eq3A_774, %broadcast_in_dim3A_780, %get3A_779 : vector<128x1024xi1>, vector<128x1024xf32>
        %swap3A_782 = arith.index_cast %scan3A_767 : i32 to index
        %swap3A_783 = arith.constant 0 : index
        %swap3A_784 = arith.constant 0 : index
        %swap3A_785 = vector.load %arg4[%swap3A_782, %swap3A_783, %swap3A_784] : memref<10x128x1024xf32, #tpu.memory_space<vmem>>, vector<1x128x1024xf32>
        %swap3A_786 = vector.shape_cast %swap3A_785 : vector<1x128x1024xf32> to vector<128x1024xf32>
        %swap3A_787 = vector.shape_cast %select_n3A_781 : vector<128x1024xf32> to vector<1x128x1024xf32>
        tpu.vector_store %arg4[%swap3A_782, %swap3A_783, %swap3A_784], %swap3A_787 {strides = array<i32>} : memref<10x128x1024xf32, #tpu.memory_space<vmem>>, vector<1x128x1024xf32>,
        %reduce_min3A_788 = arith.constant dense<0x7F800000> : vector<128xf32>
        %reduce_min3A_789 = vector.multi_reduction <minimumf>, %select_n3A_781, %reduce_min3A_788 [1] : vector<128x1024xf32> to vector<128xf32>
        %broadcast_in_dim3A_790 = vector.shape_cast %reduce_min3A_789 : vector<128xf32> to vector<128x1xf32>
        %eq3A_791 = vector.broadcast %broadcast_in_dim3A_790 : vector<128x1xf32> to vector<128x1024xf32>
        %eq3A_792 = arith.cmpf oeq, %select_n3A_781, %eq3A_791 : vector<128x1024xf32>
        %broadcast_in_dim3A_793 = vector.broadcast %cond3A_581 : i32 to vector<128x1024xi32>
        %select_n3A_794 = arith.select %eq3A_792, %add3A_772, %broadcast_in_dim3A_793 : vector<128x1024xi1>, vector<128x1024xi32>
        %reduce_min3A_795 = arith.constant dense<2147483647> : vector<128xi32>
        %reduce_min3A_796 = vector.multi_reduction <minsi>, %select_n3A_794, %reduce_min3A_795 [1] : vector<128x1024xi32> to vector<128xi32>
        %broadcast_in_dim3A_797 = vector.shape_cast %reduce_min3A_796 : vector<128xi32> to vector<128x1xi32>
        %lt3A = arith.cmpf olt, %broadcast_in_dim3A_790, %scan3A_768 : vector<128x1xf32>
        %select_n3A_798 = arith.select %lt3A, %broadcast_in_dim3A_790, %scan3A_768 : vector<128x1xi1>, vector<128x1xf32>
        %select_n3A_799 = arith.select %lt3A, %broadcast_in_dim3A_797, %scan3A_769 : vector<128x1xi1>, vector<128x1xi32>
        scf.yield %select_n3A_798, %select_n3A_799 : vector<128x1xf32>, vector<128x1xi32>
      }
      %scan3A_609 = arith.constant 10 : i32
      %swap3A_610 = arith.constant 0 : index
      %swap3A_611 = arith.constant 1 : index
      %swap3A_612 = vector.load %arg3[%swap3A_610, %swap3A_611] : memref<128x16xi32, #tpu.memory_space<vmem>>, vector<128x1xi32>
      tpu.vector_store %arg3[%swap3A_610, %swap3A_611], %scan3A_608#1 {strides = array<i32>} : memref<128x16xi32, #tpu.memory_space<vmem>>, vector<128x1xi32>,
      %broadcast_in_dim3A_613 = vector.broadcast %cond3A : f32 to vector<128x1xf32>
      %broadcast_in_dim3A_614 = vector.broadcast %cond3A_581 : i32 to vector<128x1xi32>
      %scan3A_615 = arith.constant 0 : i32
      %scan3A_616 = arith.constant 10 : i32
      %scan3A_617 = arith.addi %scan3A_615, %scan3A_616 : i32
      %scan3A_618 = arith.constant 1 : i32
      %scan3A_619:2 = scf.for %scan3A_767 = %scan3A_615 to %scan3A_617 step %scan3A_618 iter_args(%scan3A_768 = %broadcast_in_dim3A_613, %scan3A_769 = %broadcast_in_dim3A_614) -> (vector<128x1xf32>, vector<128x1xi32>)  : i32 {
        %iota3A_770 = tpu.iota {dimensions = array<i32: 1>} : vector<128x1024xi32>
        %mul3A = arith.constant 1024 : i32
        %mul3A_771 = arith.muli %scan3A_767, %mul3A : i32
        %add3A = vector.broadcast %mul3A_771 : i32 to vector<128x1024xi32>
        %add3A_772 = arith.addi %iota3A_770, %add3A : vector<128x1024xi32>
        %eq3A_773 = vector.broadcast %scan3A_608#1 : vector<128x1xi32> to vector<128x1024xi32>
        %eq3A_774 = arith.cmpi eq, %add3A_772, %eq3A_773 : vector<128x1024xi32>
        %get3A_775 = arith.index_cast %scan3A_767 : i32 to index
        %get3A_776 = arith.constant 0 : index
        %get3A_777 = arith.constant 0 : index
        %get3A_778 = vector.load %arg4[%get3A_775, %get3A_776, %get3A_777] : memref<10x128x1024xf32, #tpu.memory_space<vmem>>, vector<1x128x1024xf32>
        %get3A_779 = vector.shape_cast %get3A_778 : vector<1x128x1024xf32> to vector<128x1024xf32>
        %broadcast_in_dim3A_780 = vector.broadcast %cond3A : f32 to vector<128x1024xf32>
        %select_n3A_781 = arith.select %eq3A_774, %broadcast_in_dim3A_780, %get3A_779 : vector<128x1024xi1>, vector<128x1024xf32>
        %swap3A_782 = arith.index_cast %scan3A_767 : i32 to index
        %swap3A_783 = arith.constant 0 : index
        %swap3A_784 = arith.constant 0 : index
        %swap3A_785 = vector.load %arg4[%swap3A_782, %swap3A_783, %swap3A_784] : memref<10x128x1024xf32, #tpu.memory_space<vmem>>, vector<1x128x1024xf32>
        %swap3A_786 = vector.shape_cast %swap3A_785 : vector<1x128x1024xf32> to vector<128x1024xf32>
        %swap3A_787 = vector.shape_cast %select_n3A_781 : vector<128x1024xf32> to vector<1x128x1024xf32>
        tpu.vector_store %arg4[%swap3A_782, %swap3A_783, %swap3A_784], %swap3A_787 {strides = array<i32>} : memref<10x128x1024xf32, #tpu.memory_space<vmem>>, vector<1x128x1024xf32>,
        %reduce_min3A_788 = arith.constant dense<0x7F800000> : vector<128xf32>
        %reduce_min3A_789 = vector.multi_reduction <minimumf>, %select_n3A_781, %reduce_min3A_788 [1] : vector<128x1024xf32> to vector<128xf32>
        %broadcast_in_dim3A_790 = vector.shape_cast %reduce_min3A_789 : vector<128xf32> to vector<128x1xf32>
        %eq3A_791 = vector.broadcast %broadcast_in_dim3A_790 : vector<128x1xf32> to vector<128x1024xf32>
        %eq3A_792 = arith.cmpf oeq, %select_n3A_781, %eq3A_791 : vector<128x1024xf32>
        %broadcast_in_dim3A_793 = vector.broadcast %cond3A_581 : i32 to vector<128x1024xi32>
        %select_n3A_794 = arith.select %eq3A_792, %add3A_772, %broadcast_in_dim3A_793 : vector<128x1024xi1>, vector<128x1024xi32>
        %reduce_min3A_795 = arith.constant dense<2147483647> : vector<128xi32>
        %reduce_min3A_796 = vector.multi_reduction <minsi>, %select_n3A_794, %reduce_min3A_795 [1] : vector<128x1024xi32> to vector<128xi32>
        %broadcast_in_dim3A_797 = vector.shape_cast %reduce_min3A_796 : vector<128xi32> to vector<128x1xi32>
        %lt3A = arith.cmpf olt, %broadcast_in_dim3A_790, %scan3A_768 : vector<128x1xf32>
        %select_n3A_798 = arith.select %lt3A, %broadcast_in_dim3A_790, %scan3A_768 : vector<128x1xi1>, vector<128x1xf32>
        %select_n3A_799 = arith.select %lt3A, %broadcast_in_dim3A_797, %scan3A_769 : vector<128x1xi1>, vector<128x1xi32>
        scf.yield %select_n3A_798, %select_n3A_799 : vector<128x1xf32>, vector<128x1xi32>
      }
      %scan3A_620 = arith.constant 10 : i32
      %swap3A_621 = arith.constant 0 : index
      %swap3A_622 = arith.constant 2 : index
      %swap3A_623 = vector.load %arg3[%swap3A_621, %swap3A_622] : memref<128x16xi32, #tpu.memory_space<vmem>>, vector<128x1xi32>
      tpu.vector_store %arg3[%swap3A_621, %swap3A_622], %scan3A_619#1 {strides = array<i32>} : memref<128x16xi32, #tpu.memory_space<vmem>>, vector<128x1xi32>,
      %broadcast_in_dim3A_624 = vector.broadcast %cond3A : f32 to vector<128x1xf32>
      %broadcast_in_dim3A_625 = vector.broadcast %cond3A_581 : i32 to vector<128x1xi32>
      %scan3A_626 = arith.constant 0 : i32
      %scan3A_627 = arith.constant 10 : i32
      %scan3A_628 = arith.addi %scan3A_626, %scan3A_627 : i32
      %scan3A_629 = arith.constant 1 : i32
      %scan3A_630:2 = scf.for %scan3A_767 = %scan3A_626 to %scan3A_628 step %scan3A_629 iter_args(%scan3A_768 = %broadcast_in_dim3A_624, %scan3A_769 = %broadcast_in_dim3A_625) -> (vector<128x1xf32>, vector<128x1xi32>)  : i32 {
        %iota3A_770 = tpu.iota {dimensions = array<i32: 1>} : vector<128x1024xi32>
        %mul3A = arith.constant 1024 : i32
        %mul3A_771 = arith.muli %scan3A_767, %mul3A : i32
        %add3A = vector.broadcast %mul3A_771 : i32 to vector<128x1024xi32>
        %add3A_772 = arith.addi %iota3A_770, %add3A : vector<128x1024xi32>
        %eq3A_773 = vector.broadcast %scan3A_619#1 : vector<128x1xi32> to vector<128x1024xi32>
        %eq3A_774 = arith.cmpi eq, %add3A_772, %eq3A_773 : vector<128x1024xi32>
        %get3A_775 = arith.index_cast %scan3A_767 : i32 to index
        %get3A_776 = arith.constant 0 : index
        %get3A_777 = arith.constant 0 : index
        %get3A_778 = vector.load %arg4[%get3A_775, %get3A_776, %get3A_777] : memref<10x128x1024xf32, #tpu.memory_space<vmem>>, vector<1x128x1024xf32>
        %get3A_779 = vector.shape_cast %get3A_778 : vector<1x128x1024xf32> to vector<128x1024xf32>
        %broadcast_in_dim3A_780 = vector.broadcast %cond3A : f32 to vector<128x1024xf32>
        %select_n3A_781 = arith.select %eq3A_774, %broadcast_in_dim3A_780, %get3A_779 : vector<128x1024xi1>, vector<128x1024xf32>
        %swap3A_782 = arith.index_cast %scan3A_767 : i32 to index
        %swap3A_783 = arith.constant 0 : index
        %swap3A_784 = arith.constant 0 : index
        %swap3A_785 = vector.load %arg4[%swap3A_782, %swap3A_783, %swap3A_784] : memref<10x128x1024xf32, #tpu.memory_space<vmem>>, vector<1x128x1024xf32>
        %swap3A_786 = vector.shape_cast %swap3A_785 : vector<1x128x1024xf32> to vector<128x1024xf32>
        %swap3A_787 = vector.shape_cast %select_n3A_781 : vector<128x1024xf32> to vector<1x128x1024xf32>
        tpu.vector_store %arg4[%swap3A_782, %swap3A_783, %swap3A_784], %swap3A_787 {strides = array<i32>} : memref<10x128x1024xf32, #tpu.memory_space<vmem>>, vector<1x128x1024xf32>,
        %reduce_min3A_788 = arith.constant dense<0x7F800000> : vector<128xf32>
        %reduce_min3A_789 = vector.multi_reduction <minimumf>, %select_n3A_781, %reduce_min3A_788 [1] : vector<128x1024xf32> to vector<128xf32>
        %broadcast_in_dim3A_790 = vector.shape_cast %reduce_min3A_789 : vector<128xf32> to vector<128x1xf32>
        %eq3A_791 = vector.broadcast %broadcast_in_dim3A_790 : vector<128x1xf32> to vector<128x1024xf32>
        %eq3A_792 = arith.cmpf oeq, %select_n3A_781, %eq3A_791 : vector<128x1024xf32>
        %broadcast_in_dim3A_793 = vector.broadcast %cond3A_581 : i32 to vector<128x1024xi32>
        %select_n3A_794 = arith.select %eq3A_792, %add3A_772, %broadcast_in_dim3A_793 : vector<128x1024xi1>, vector<128x1024xi32>
        %reduce_min3A_795 = arith.constant dense<2147483647> : vector<128xi32>
        %reduce_min3A_796 = vector.multi_reduction <minsi>, %select_n3A_794, %reduce_min3A_795 [1] : vector<128x1024xi32> to vector<128xi32>
        %broadcast_in_dim3A_797 = vector.shape_cast %reduce_min3A_796 : vector<128xi32> to vector<128x1xi32>
        %lt3A = arith.cmpf olt, %broadcast_in_dim3A_790, %scan3A_768 : vector<128x1xf32>
        %select_n3A_798 = arith.select %lt3A, %broadcast_in_dim3A_790, %scan3A_768 : vector<128x1xi1>, vector<128x1xf32>
        %select_n3A_799 = arith.select %lt3A, %broadcast_in_dim3A_797, %scan3A_769 : vector<128x1xi1>, vector<128x1xi32>
        scf.yield %select_n3A_798, %select_n3A_799 : vector<128x1xf32>, vector<128x1xi32>
      }
      %scan3A_631 = arith.constant 10 : i32
      %swap3A_632 = arith.constant 0 : index
      %swap3A_633 = arith.constant 3 : index
      %swap3A_634 = vector.load %arg3[%swap3A_632, %swap3A_633] : memref<128x16xi32, #tpu.memory_space<vmem>>, vector<128x1xi32>
      tpu.vector_store %arg3[%swap3A_632, %swap3A_633], %scan3A_630#1 {strides = array<i32>} : memref<128x16xi32, #tpu.memory_space<vmem>>, vector<128x1xi32>,
      %broadcast_in_dim3A_635 = vector.broadcast %cond3A : f32 to vector<128x1xf32>
      %broadcast_in_dim3A_636 = vector.broadcast %cond3A_581 : i32 to vector<128x1xi32>
      %scan3A_637 = arith.constant 0 : i32
      %scan3A_638 = arith.constant 10 : i32
      %scan3A_639 = arith.addi %scan3A_637, %scan3A_638 : i32
      %scan3A_640 = arith.constant 1 : i32
      %scan3A_641:2 = scf.for %scan3A_767 = %scan3A_637 to %scan3A_639 step %scan3A_640 iter_args(%scan3A_768 = %broadcast_in_dim3A_635, %scan3A_769 = %broadcast_in_dim3A_636) -> (vector<128x1xf32>, vector<128x1xi32>)  : i32 {
        %iota3A_770 = tpu.iota {dimensions = array<i32: 1>} : vector<128x1024xi32>
        %mul3A = arith.constant 1024 : i32
        %mul3A_771 = arith.muli %scan3A_767, %mul3A : i32
        %add3A = vector.broadcast %mul3A_771 : i32 to vector<128x1024xi32>
        %add3A_772 = arith.addi %iota3A_770, %add3A : vector<128x1024xi32>
        %eq3A_773 = vector.broadcast %scan3A_630#1 : vector<128x1xi32> to vector<128x1024xi32>
        %eq3A_774 = arith.cmpi eq, %add3A_772, %eq3A_773 : vector<128x1024xi32>
        %get3A_775 = arith.index_cast %scan3A_767 : i32 to index
        %get3A_776 = arith.constant 0 : index
        %get3A_777 = arith.constant 0 : index
        %get3A_778 = vector.load %arg4[%get3A_775, %get3A_776, %get3A_777] : memref<10x128x1024xf32, #tpu.memory_space<vmem>>, vector<1x128x1024xf32>
        %get3A_779 = vector.shape_cast %get3A_778 : vector<1x128x1024xf32> to vector<128x1024xf32>
        %broadcast_in_dim3A_780 = vector.broadcast %cond3A : f32 to vector<128x1024xf32>
        %select_n3A_781 = arith.select %eq3A_774, %broadcast_in_dim3A_780, %get3A_779 : vector<128x1024xi1>, vector<128x1024xf32>
        %swap3A_782 = arith.index_cast %scan3A_767 : i32 to index
        %swap3A_783 = arith.constant 0 : index
        %swap3A_784 = arith.constant 0 : index
        %swap3A_785 = vector.load %arg4[%swap3A_782, %swap3A_783, %swap3A_784] : memref<10x128x1024xf32, #tpu.memory_space<vmem>>, vector<1x128x1024xf32>
        %swap3A_786 = vector.shape_cast %swap3A_785 : vector<1x128x1024xf32> to vector<128x1024xf32>
        %swap3A_787 = vector.shape_cast %select_n3A_781 : vector<128x1024xf32> to vector<1x128x1024xf32>
        tpu.vector_store %arg4[%swap3A_782, %swap3A_783, %swap3A_784], %swap3A_787 {strides = array<i32>} : memref<10x128x1024xf32, #tpu.memory_space<vmem>>, vector<1x128x1024xf32>,
        %reduce_min3A_788 = arith.constant dense<0x7F800000> : vector<128xf32>
        %reduce_min3A_789 = vector.multi_reduction <minimumf>, %select_n3A_781, %reduce_min3A_788 [1] : vector<128x1024xf32> to vector<128xf32>
        %broadcast_in_dim3A_790 = vector.shape_cast %reduce_min3A_789 : vector<128xf32> to vector<128x1xf32>
        %eq3A_791 = vector.broadcast %broadcast_in_dim3A_790 : vector<128x1xf32> to vector<128x1024xf32>
        %eq3A_792 = arith.cmpf oeq, %select_n3A_781, %eq3A_791 : vector<128x1024xf32>
        %broadcast_in_dim3A_793 = vector.broadcast %cond3A_581 : i32 to vector<128x1024xi32>
        %select_n3A_794 = arith.select %eq3A_792, %add3A_772, %broadcast_in_dim3A_793 : vector<128x1024xi1>, vector<128x1024xi32>
        %reduce_min3A_795 = arith.constant dense<2147483647> : vector<128xi32>
        %reduce_min3A_796 = vector.multi_reduction <minsi>, %select_n3A_794, %reduce_min3A_795 [1] : vector<128x1024xi32> to vector<128xi32>
        %broadcast_in_dim3A_797 = vector.shape_cast %reduce_min3A_796 : vector<128xi32> to vector<128x1xi32>
        %lt3A = arith.cmpf olt, %broadcast_in_dim3A_790, %scan3A_768 : vector<128x1xf32>
        %select_n3A_798 = arith.select %lt3A, %broadcast_in_dim3A_790, %scan3A_768 : vector<128x1xi1>, vector<128x1xf32>
        %select_n3A_799 = arith.select %lt3A, %broadcast_in_dim3A_797, %scan3A_769 : vector<128x1xi1>, vector<128x1xi32>
        scf.yield %select_n3A_798, %select_n3A_799 : vector<128x1xf32>, vector<128x1xi32>
      }
      %scan3A_642 = arith.constant 10 : i32
      %swap3A_643 = arith.constant 0 : index
      %swap3A_644 = arith.constant 4 : index
      %swap3A_645 = vector.load %arg3[%swap3A_643, %swap3A_644] : memref<128x16xi32, #tpu.memory_space<vmem>>, vector<128x1xi32>
      tpu.vector_store %arg3[%swap3A_643, %swap3A_644], %scan3A_641#1 {strides = array<i32>} : memref<128x16xi32, #tpu.memory_space<vmem>>, vector<128x1xi32>,
      %broadcast_in_dim3A_646 = vector.broadcast %cond3A : f32 to vector<128x1xf32>
      %broadcast_in_dim3A_647 = vector.broadcast %cond3A_581 : i32 to vector<128x1xi32>
      %scan3A_648 = arith.constant 0 : i32
      %scan3A_649 = arith.constant 10 : i32
      %scan3A_650 = arith.addi %scan3A_648, %scan3A_649 : i32
      %scan3A_651 = arith.constant 1 : i32
      %scan3A_652:2 = scf.for %scan3A_767 = %scan3A_648 to %scan3A_650 step %scan3A_651 iter_args(%scan3A_768 = %broadcast_in_dim3A_646, %scan3A_769 = %broadcast_in_dim3A_647) -> (vector<128x1xf32>, vector<128x1xi32>)  : i32 {
        %iota3A_770 = tpu.iota {dimensions = array<i32: 1>} : vector<128x1024xi32>
        %mul3A = arith.constant 1024 : i32
        %mul3A_771 = arith.muli %scan3A_767, %mul3A : i32
        %add3A = vector.broadcast %mul3A_771 : i32 to vector<128x1024xi32>
        %add3A_772 = arith.addi %iota3A_770, %add3A : vector<128x1024xi32>
        %eq3A_773 = vector.broadcast %scan3A_641#1 : vector<128x1xi32> to vector<128x1024xi32>
        %eq3A_774 = arith.cmpi eq, %add3A_772, %eq3A_773 : vector<128x1024xi32>
        %get3A_775 = arith.index_cast %scan3A_767 : i32 to index
        %get3A_776 = arith.constant 0 : index
        %get3A_777 = arith.constant 0 : index
        %get3A_778 = vector.load %arg4[%get3A_775, %get3A_776, %get3A_777] : memref<10x128x1024xf32, #tpu.memory_space<vmem>>, vector<1x128x1024xf32>
        %get3A_779 = vector.shape_cast %get3A_778 : vector<1x128x1024xf32> to vector<128x1024xf32>
        %broadcast_in_dim3A_780 = vector.broadcast %cond3A : f32 to vector<128x1024xf32>
        %select_n3A_781 = arith.select %eq3A_774, %broadcast_in_dim3A_780, %get3A_779 : vector<128x1024xi1>, vector<128x1024xf32>
        %swap3A_782 = arith.index_cast %scan3A_767 : i32 to index
        %swap3A_783 = arith.constant 0 : index
        %swap3A_784 = arith.constant 0 : index
        %swap3A_785 = vector.load %arg4[%swap3A_782, %swap3A_783, %swap3A_784] : memref<10x128x1024xf32, #tpu.memory_space<vmem>>, vector<1x128x1024xf32>
        %swap3A_786 = vector.shape_cast %swap3A_785 : vector<1x128x1024xf32> to vector<128x1024xf32>
        %swap3A_787 = vector.shape_cast %select_n3A_781 : vector<128x1024xf32> to vector<1x128x1024xf32>
        tpu.vector_store %arg4[%swap3A_782, %swap3A_783, %swap3A_784], %swap3A_787 {strides = array<i32>} : memref<10x128x1024xf32, #tpu.memory_space<vmem>>, vector<1x128x1024xf32>,
        %reduce_min3A_788 = arith.constant dense<0x7F800000> : vector<128xf32>
        %reduce_min3A_789 = vector.multi_reduction <minimumf>, %select_n3A_781, %reduce_min3A_788 [1] : vector<128x1024xf32> to vector<128xf32>
        %broadcast_in_dim3A_790 = vector.shape_cast %reduce_min3A_789 : vector<128xf32> to vector<128x1xf32>
        %eq3A_791 = vector.broadcast %broadcast_in_dim3A_790 : vector<128x1xf32> to vector<128x1024xf32>
        %eq3A_792 = arith.cmpf oeq, %select_n3A_781, %eq3A_791 : vector<128x1024xf32>
        %broadcast_in_dim3A_793 = vector.broadcast %cond3A_581 : i32 to vector<128x1024xi32>
        %select_n3A_794 = arith.select %eq3A_792, %add3A_772, %broadcast_in_dim3A_793 : vector<128x1024xi1>, vector<128x1024xi32>
        %reduce_min3A_795 = arith.constant dense<2147483647> : vector<128xi32>
        %reduce_min3A_796 = vector.multi_reduction <minsi>, %select_n3A_794, %reduce_min3A_795 [1] : vector<128x1024xi32> to vector<128xi32>
        %broadcast_in_dim3A_797 = vector.shape_cast %reduce_min3A_796 : vector<128xi32> to vector<128x1xi32>
        %lt3A = arith.cmpf olt, %broadcast_in_dim3A_790, %scan3A_768 : vector<128x1xf32>
        %select_n3A_798 = arith.select %lt3A, %broadcast_in_dim3A_790, %scan3A_768 : vector<128x1xi1>, vector<128x1xf32>
        %select_n3A_799 = arith.select %lt3A, %broadcast_in_dim3A_797, %scan3A_769 : vector<128x1xi1>, vector<128x1xi32>
        scf.yield %select_n3A_798, %select_n3A_799 : vector<128x1xf32>, vector<128x1xi32>
      }
      %scan3A_653 = arith.constant 10 : i32
      %swap3A_654 = arith.constant 0 : index
      %swap3A_655 = arith.constant 5 : index
      %swap3A_656 = vector.load %arg3[%swap3A_654, %swap3A_655] : memref<128x16xi32, #tpu.memory_space<vmem>>, vector<128x1xi32>
      tpu.vector_store %arg3[%swap3A_654, %swap3A_655], %scan3A_652#1 {strides = array<i32>} : memref<128x16xi32, #tpu.memory_space<vmem>>, vector<128x1xi32>,
      %broadcast_in_dim3A_657 = vector.broadcast %cond3A : f32 to vector<128x1xf32>
      %broadcast_in_dim3A_658 = vector.broadcast %cond3A_581 : i32 to vector<128x1xi32>
      %scan3A_659 = arith.constant 0 : i32
      %scan3A_660 = arith.constant 10 : i32
      %scan3A_661 = arith.addi %scan3A_659, %scan3A_660 : i32
      %scan3A_662 = arith.constant 1 : i32
      %scan3A_663:2 = scf.for %scan3A_767 = %scan3A_659 to %scan3A_661 step %scan3A_662 iter_args(%scan3A_768 = %broadcast_in_dim3A_657, %scan3A_769 = %broadcast_in_dim3A_658) -> (vector<128x1xf32>, vector<128x1xi32>)  : i32 {
        %iota3A_770 = tpu.iota {dimensions = array<i32: 1>} : vector<128x1024xi32>
        %mul3A = arith.constant 1024 : i32
        %mul3A_771 = arith.muli %scan3A_767, %mul3A : i32
        %add3A = vector.broadcast %mul3A_771 : i32 to vector<128x1024xi32>
        %add3A_772 = arith.addi %iota3A_770, %add3A : vector<128x1024xi32>
        %eq3A_773 = vector.broadcast %scan3A_652#1 : vector<128x1xi32> to vector<128x1024xi32>
        %eq3A_774 = arith.cmpi eq, %add3A_772, %eq3A_773 : vector<128x1024xi32>
        %get3A_775 = arith.index_cast %scan3A_767 : i32 to index
        %get3A_776 = arith.constant 0 : index
        %get3A_777 = arith.constant 0 : index
        %get3A_778 = vector.load %arg4[%get3A_775, %get3A_776, %get3A_777] : memref<10x128x1024xf32, #tpu.memory_space<vmem>>, vector<1x128x1024xf32>
        %get3A_779 = vector.shape_cast %get3A_778 : vector<1x128x1024xf32> to vector<128x1024xf32>
        %broadcast_in_dim3A_780 = vector.broadcast %cond3A : f32 to vector<128x1024xf32>
        %select_n3A_781 = arith.select %eq3A_774, %broadcast_in_dim3A_780, %get3A_779 : vector<128x1024xi1>, vector<128x1024xf32>
        %swap3A_782 = arith.index_cast %scan3A_767 : i32 to index
        %swap3A_783 = arith.constant 0 : index
        %swap3A_784 = arith.constant 0 : index
        %swap3A_785 = vector.load %arg4[%swap3A_782, %swap3A_783, %swap3A_784] : memref<10x128x1024xf32, #tpu.memory_space<vmem>>, vector<1x128x1024xf32>
        %swap3A_786 = vector.shape_cast %swap3A_785 : vector<1x128x1024xf32> to vector<128x1024xf32>
        %swap3A_787 = vector.shape_cast %select_n3A_781 : vector<128x1024xf32> to vector<1x128x1024xf32>
        tpu.vector_store %arg4[%swap3A_782, %swap3A_783, %swap3A_784], %swap3A_787 {strides = array<i32>} : memref<10x128x1024xf32, #tpu.memory_space<vmem>>, vector<1x128x1024xf32>,
        %reduce_min3A_788 = arith.constant dense<0x7F800000> : vector<128xf32>
        %reduce_min3A_789 = vector.multi_reduction <minimumf>, %select_n3A_781, %reduce_min3A_788 [1] : vector<128x1024xf32> to vector<128xf32>
        %broadcast_in_dim3A_790 = vector.shape_cast %reduce_min3A_789 : vector<128xf32> to vector<128x1xf32>
        %eq3A_791 = vector.broadcast %broadcast_in_dim3A_790 : vector<128x1xf32> to vector<128x1024xf32>
        %eq3A_792 = arith.cmpf oeq, %select_n3A_781, %eq3A_791 : vector<128x1024xf32>
        %broadcast_in_dim3A_793 = vector.broadcast %cond3A_581 : i32 to vector<128x1024xi32>
        %select_n3A_794 = arith.select %eq3A_792, %add3A_772, %broadcast_in_dim3A_793 : vector<128x1024xi1>, vector<128x1024xi32>
        %reduce_min3A_795 = arith.constant dense<2147483647> : vector<128xi32>
        %reduce_min3A_796 = vector.multi_reduction <minsi>, %select_n3A_794, %reduce_min3A_795 [1] : vector<128x1024xi32> to vector<128xi32>
        %broadcast_in_dim3A_797 = vector.shape_cast %reduce_min3A_796 : vector<128xi32> to vector<128x1xi32>
        %lt3A = arith.cmpf olt, %broadcast_in_dim3A_790, %scan3A_768 : vector<128x1xf32>
        %select_n3A_798 = arith.select %lt3A, %broadcast_in_dim3A_790, %scan3A_768 : vector<128x1xi1>, vector<128x1xf32>
        %select_n3A_799 = arith.select %lt3A, %broadcast_in_dim3A_797, %scan3A_769 : vector<128x1xi1>, vector<128x1xi32>
        scf.yield %select_n3A_798, %select_n3A_799 : vector<128x1xf32>, vector<128x1xi32>
      }
      %scan3A_664 = arith.constant 10 : i32
      %swap3A_665 = arith.constant 0 : index
      %swap3A_666 = arith.constant 6 : index
      %swap3A_667 = vector.load %arg3[%swap3A_665, %swap3A_666] : memref<128x16xi32, #tpu.memory_space<vmem>>, vector<128x1xi32>
      tpu.vector_store %arg3[%swap3A_665, %swap3A_666], %scan3A_663#1 {strides = array<i32>} : memref<128x16xi32, #tpu.memory_space<vmem>>, vector<128x1xi32>,
      %broadcast_in_dim3A_668 = vector.broadcast %cond3A : f32 to vector<128x1xf32>
      %broadcast_in_dim3A_669 = vector.broadcast %cond3A_581 : i32 to vector<128x1xi32>
      %scan3A_670 = arith.constant 0 : i32
      %scan3A_671 = arith.constant 10 : i32
      %scan3A_672 = arith.addi %scan3A_670, %scan3A_671 : i32
      %scan3A_673 = arith.constant 1 : i32
      %scan3A_674:2 = scf.for %scan3A_767 = %scan3A_670 to %scan3A_672 step %scan3A_673 iter_args(%scan3A_768 = %broadcast_in_dim3A_668, %scan3A_769 = %broadcast_in_dim3A_669) -> (vector<128x1xf32>, vector<128x1xi32>)  : i32 {
        %iota3A_770 = tpu.iota {dimensions = array<i32: 1>} : vector<128x1024xi32>
        %mul3A = arith.constant 1024 : i32
        %mul3A_771 = arith.muli %scan3A_767, %mul3A : i32
        %add3A = vector.broadcast %mul3A_771 : i32 to vector<128x1024xi32>
        %add3A_772 = arith.addi %iota3A_770, %add3A : vector<128x1024xi32>
        %eq3A_773 = vector.broadcast %scan3A_663#1 : vector<128x1xi32> to vector<128x1024xi32>
        %eq3A_774 = arith.cmpi eq, %add3A_772, %eq3A_773 : vector<128x1024xi32>
        %get3A_775 = arith.index_cast %scan3A_767 : i32 to index
        %get3A_776 = arith.constant 0 : index
        %get3A_777 = arith.constant 0 : index
        %get3A_778 = vector.load %arg4[%get3A_775, %get3A_776, %get3A_777] : memref<10x128x1024xf32, #tpu.memory_space<vmem>>, vector<1x128x1024xf32>
        %get3A_779 = vector.shape_cast %get3A_778 : vector<1x128x1024xf32> to vector<128x1024xf32>
        %broadcast_in_dim3A_780 = vector.broadcast %cond3A : f32 to vector<128x1024xf32>
        %select_n3A_781 = arith.select %eq3A_774, %broadcast_in_dim3A_780, %get3A_779 : vector<128x1024xi1>, vector<128x1024xf32>
        %swap3A_782 = arith.index_cast %scan3A_767 : i32 to index
        %swap3A_783 = arith.constant 0 : index
        %swap3A_784 = arith.constant 0 : index
        %swap3A_785 = vector.load %arg4[%swap3A_782, %swap3A_783, %swap3A_784] : memref<10x128x1024xf32, #tpu.memory_space<vmem>>, vector<1x128x1024xf32>
        %swap3A_786 = vector.shape_cast %swap3A_785 : vector<1x128x1024xf32> to vector<128x1024xf32>
        %swap3A_787 = vector.shape_cast %select_n3A_781 : vector<128x1024xf32> to vector<1x128x1024xf32>
        tpu.vector_store %arg4[%swap3A_782, %swap3A_783, %swap3A_784], %swap3A_787 {strides = array<i32>} : memref<10x128x1024xf32, #tpu.memory_space<vmem>>, vector<1x128x1024xf32>,
        %reduce_min3A_788 = arith.constant dense<0x7F800000> : vector<128xf32>
        %reduce_min3A_789 = vector.multi_reduction <minimumf>, %select_n3A_781, %reduce_min3A_788 [1] : vector<128x1024xf32> to vector<128xf32>
        %broadcast_in_dim3A_790 = vector.shape_cast %reduce_min3A_789 : vector<128xf32> to vector<128x1xf32>
        %eq3A_791 = vector.broadcast %broadcast_in_dim3A_790 : vector<128x1xf32> to vector<128x1024xf32>
        %eq3A_792 = arith.cmpf oeq, %select_n3A_781, %eq3A_791 : vector<128x1024xf32>
        %broadcast_in_dim3A_793 = vector.broadcast %cond3A_581 : i32 to vector<128x1024xi32>
        %select_n3A_794 = arith.select %eq3A_792, %add3A_772, %broadcast_in_dim3A_793 : vector<128x1024xi1>, vector<128x1024xi32>
        %reduce_min3A_795 = arith.constant dense<2147483647> : vector<128xi32>
        %reduce_min3A_796 = vector.multi_reduction <minsi>, %select_n3A_794, %reduce_min3A_795 [1] : vector<128x1024xi32> to vector<128xi32>
        %broadcast_in_dim3A_797 = vector.shape_cast %reduce_min3A_796 : vector<128xi32> to vector<128x1xi32>
        %lt3A = arith.cmpf olt, %broadcast_in_dim3A_790, %scan3A_768 : vector<128x1xf32>
        %select_n3A_798 = arith.select %lt3A, %broadcast_in_dim3A_790, %scan3A_768 : vector<128x1xi1>, vector<128x1xf32>
        %select_n3A_799 = arith.select %lt3A, %broadcast_in_dim3A_797, %scan3A_769 : vector<128x1xi1>, vector<128x1xi32>
        scf.yield %select_n3A_798, %select_n3A_799 : vector<128x1xf32>, vector<128x1xi32>
      }
      %scan3A_675 = arith.constant 10 : i32
      %swap3A_676 = arith.constant 0 : index
      %swap3A_677 = arith.constant 7 : index
      %swap3A_678 = vector.load %arg3[%swap3A_676, %swap3A_677] : memref<128x16xi32, #tpu.memory_space<vmem>>, vector<128x1xi32>
      tpu.vector_store %arg3[%swap3A_676, %swap3A_677], %scan3A_674#1 {strides = array<i32>} : memref<128x16xi32, #tpu.memory_space<vmem>>, vector<128x1xi32>,
      %broadcast_in_dim3A_679 = vector.broadcast %cond3A : f32 to vector<128x1xf32>
      %broadcast_in_dim3A_680 = vector.broadcast %cond3A_581 : i32 to vector<128x1xi32>
      %scan3A_681 = arith.constant 0 : i32
      %scan3A_682 = arith.constant 10 : i32
      %scan3A_683 = arith.addi %scan3A_681, %scan3A_682 : i32
      %scan3A_684 = arith.constant 1 : i32
      %scan3A_685:2 = scf.for %scan3A_767 = %scan3A_681 to %scan3A_683 step %scan3A_684 iter_args(%scan3A_768 = %broadcast_in_dim3A_679, %scan3A_769 = %broadcast_in_dim3A_680) -> (vector<128x1xf32>, vector<128x1xi32>)  : i32 {
        %iota3A_770 = tpu.iota {dimensions = array<i32: 1>} : vector<128x1024xi32>
        %mul3A = arith.constant 1024 : i32
        %mul3A_771 = arith.muli %scan3A_767, %mul3A : i32
        %add3A = vector.broadcast %mul3A_771 : i32 to vector<128x1024xi32>
        %add3A_772 = arith.addi %iota3A_770, %add3A : vector<128x1024xi32>
        %eq3A_773 = vector.broadcast %scan3A_674#1 : vector<128x1xi32> to vector<128x1024xi32>
        %eq3A_774 = arith.cmpi eq, %add3A_772, %eq3A_773 : vector<128x1024xi32>
        %get3A_775 = arith.index_cast %scan3A_767 : i32 to index
        %get3A_776 = arith.constant 0 : index
        %get3A_777 = arith.constant 0 : index
        %get3A_778 = vector.load %arg4[%get3A_775, %get3A_776, %get3A_777] : memref<10x128x1024xf32, #tpu.memory_space<vmem>>, vector<1x128x1024xf32>
        %get3A_779 = vector.shape_cast %get3A_778 : vector<1x128x1024xf32> to vector<128x1024xf32>
        %broadcast_in_dim3A_780 = vector.broadcast %cond3A : f32 to vector<128x1024xf32>
        %select_n3A_781 = arith.select %eq3A_774, %broadcast_in_dim3A_780, %get3A_779 : vector<128x1024xi1>, vector<128x1024xf32>
        %swap3A_782 = arith.index_cast %scan3A_767 : i32 to index
        %swap3A_783 = arith.constant 0 : index
        %swap3A_784 = arith.constant 0 : index
        %swap3A_785 = vector.load %arg4[%swap3A_782, %swap3A_783, %swap3A_784] : memref<10x128x1024xf32, #tpu.memory_space<vmem>>, vector<1x128x1024xf32>
        %swap3A_786 = vector.shape_cast %swap3A_785 : vector<1x128x1024xf32> to vector<128x1024xf32>
        %swap3A_787 = vector.shape_cast %select_n3A_781 : vector<128x1024xf32> to vector<1x128x1024xf32>
        tpu.vector_store %arg4[%swap3A_782, %swap3A_783, %swap3A_784], %swap3A_787 {strides = array<i32>} : memref<10x128x1024xf32, #tpu.memory_space<vmem>>, vector<1x128x1024xf32>,
        %reduce_min3A_788 = arith.constant dense<0x7F800000> : vector<128xf32>
        %reduce_min3A_789 = vector.multi_reduction <minimumf>, %select_n3A_781, %reduce_min3A_788 [1] : vector<128x1024xf32> to vector<128xf32>
        %broadcast_in_dim3A_790 = vector.shape_cast %reduce_min3A_789 : vector<128xf32> to vector<128x1xf32>
        %eq3A_791 = vector.broadcast %broadcast_in_dim3A_790 : vector<128x1xf32> to vector<128x1024xf32>
        %eq3A_792 = arith.cmpf oeq, %select_n3A_781, %eq3A_791 : vector<128x1024xf32>
        %broadcast_in_dim3A_793 = vector.broadcast %cond3A_581 : i32 to vector<128x1024xi32>
        %select_n3A_794 = arith.select %eq3A_792, %add3A_772, %broadcast_in_dim3A_793 : vector<128x1024xi1>, vector<128x1024xi32>
        %reduce_min3A_795 = arith.constant dense<2147483647> : vector<128xi32>
        %reduce_min3A_796 = vector.multi_reduction <minsi>, %select_n3A_794, %reduce_min3A_795 [1] : vector<128x1024xi32> to vector<128xi32>
        %broadcast_in_dim3A_797 = vector.shape_cast %reduce_min3A_796 : vector<128xi32> to vector<128x1xi32>
        %lt3A = arith.cmpf olt, %broadcast_in_dim3A_790, %scan3A_768 : vector<128x1xf32>
        %select_n3A_798 = arith.select %lt3A, %broadcast_in_dim3A_790, %scan3A_768 : vector<128x1xi1>, vector<128x1xf32>
        %select_n3A_799 = arith.select %lt3A, %broadcast_in_dim3A_797, %scan3A_769 : vector<128x1xi1>, vector<128x1xi32>
        scf.yield %select_n3A_798, %select_n3A_799 : vector<128x1xf32>, vector<128x1xi32>
      }
      %scan3A_686 = arith.constant 10 : i32
      %swap3A_687 = arith.constant 0 : index
      %swap3A_688 = arith.constant 8 : index
      %swap3A_689 = vector.load %arg3[%swap3A_687, %swap3A_688] : memref<128x16xi32, #tpu.memory_space<vmem>>, vector<128x1xi32>
      tpu.vector_store %arg3[%swap3A_687, %swap3A_688], %scan3A_685#1 {strides = array<i32>} : memref<128x16xi32, #tpu.memory_space<vmem>>, vector<128x1xi32>,
      %broadcast_in_dim3A_690 = vector.broadcast %cond3A : f32 to vector<128x1xf32>
      %broadcast_in_dim3A_691 = vector.broadcast %cond3A_581 : i32 to vector<128x1xi32>
      %scan3A_692 = arith.constant 0 : i32
      %scan3A_693 = arith.constant 10 : i32
      %scan3A_694 = arith.addi %scan3A_692, %scan3A_693 : i32
      %scan3A_695 = arith.constant 1 : i32
      %scan3A_696:2 = scf.for %scan3A_767 = %scan3A_692 to %scan3A_694 step %scan3A_695 iter_args(%scan3A_768 = %broadcast_in_dim3A_690, %scan3A_769 = %broadcast_in_dim3A_691) -> (vector<128x1xf32>, vector<128x1xi32>)  : i32 {
        %iota3A_770 = tpu.iota {dimensions = array<i32: 1>} : vector<128x1024xi32>
        %mul3A = arith.constant 1024 : i32
        %mul3A_771 = arith.muli %scan3A_767, %mul3A : i32
        %add3A = vector.broadcast %mul3A_771 : i32 to vector<128x1024xi32>
        %add3A_772 = arith.addi %iota3A_770, %add3A : vector<128x1024xi32>
        %eq3A_773 = vector.broadcast %scan3A_685#1 : vector<128x1xi32> to vector<128x1024xi32>
        %eq3A_774 = arith.cmpi eq, %add3A_772, %eq3A_773 : vector<128x1024xi32>
        %get3A_775 = arith.index_cast %scan3A_767 : i32 to index
        %get3A_776 = arith.constant 0 : index
        %get3A_777 = arith.constant 0 : index
        %get3A_778 = vector.load %arg4[%get3A_775, %get3A_776, %get3A_777] : memref<10x128x1024xf32, #tpu.memory_space<vmem>>, vector<1x128x1024xf32>
        %get3A_779 = vector.shape_cast %get3A_778 : vector<1x128x1024xf32> to vector<128x1024xf32>
        %broadcast_in_dim3A_780 = vector.broadcast %cond3A : f32 to vector<128x1024xf32>
        %select_n3A_781 = arith.select %eq3A_774, %broadcast_in_dim3A_780, %get3A_779 : vector<128x1024xi1>, vector<128x1024xf32>
        %swap3A_782 = arith.index_cast %scan3A_767 : i32 to index
        %swap3A_783 = arith.constant 0 : index
        %swap3A_784 = arith.constant 0 : index
        %swap3A_785 = vector.load %arg4[%swap3A_782, %swap3A_783, %swap3A_784] : memref<10x128x1024xf32, #tpu.memory_space<vmem>>, vector<1x128x1024xf32>
        %swap3A_786 = vector.shape_cast %swap3A_785 : vector<1x128x1024xf32> to vector<128x1024xf32>
        %swap3A_787 = vector.shape_cast %select_n3A_781 : vector<128x1024xf32> to vector<1x128x1024xf32>
        tpu.vector_store %arg4[%swap3A_782, %swap3A_783, %swap3A_784], %swap3A_787 {strides = array<i32>} : memref<10x128x1024xf32, #tpu.memory_space<vmem>>, vector<1x128x1024xf32>,
        %reduce_min3A_788 = arith.constant dense<0x7F800000> : vector<128xf32>
        %reduce_min3A_789 = vector.multi_reduction <minimumf>, %select_n3A_781, %reduce_min3A_788 [1] : vector<128x1024xf32> to vector<128xf32>
        %broadcast_in_dim3A_790 = vector.shape_cast %reduce_min3A_789 : vector<128xf32> to vector<128x1xf32>
        %eq3A_791 = vector.broadcast %broadcast_in_dim3A_790 : vector<128x1xf32> to vector<128x1024xf32>
        %eq3A_792 = arith.cmpf oeq, %select_n3A_781, %eq3A_791 : vector<128x1024xf32>
        %broadcast_in_dim3A_793 = vector.broadcast %cond3A_581 : i32 to vector<128x1024xi32>
        %select_n3A_794 = arith.select %eq3A_792, %add3A_772, %broadcast_in_dim3A_793 : vector<128x1024xi1>, vector<128x1024xi32>
        %reduce_min3A_795 = arith.constant dense<2147483647> : vector<128xi32>
        %reduce_min3A_796 = vector.multi_reduction <minsi>, %select_n3A_794, %reduce_min3A_795 [1] : vector<128x1024xi32> to vector<128xi32>
        %broadcast_in_dim3A_797 = vector.shape_cast %reduce_min3A_796 : vector<128xi32> to vector<128x1xi32>
        %lt3A = arith.cmpf olt, %broadcast_in_dim3A_790, %scan3A_768 : vector<128x1xf32>
        %select_n3A_798 = arith.select %lt3A, %broadcast_in_dim3A_790, %scan3A_768 : vector<128x1xi1>, vector<128x1xf32>
        %select_n3A_799 = arith.select %lt3A, %broadcast_in_dim3A_797, %scan3A_769 : vector<128x1xi1>, vector<128x1xi32>
        scf.yield %select_n3A_798, %select_n3A_799 : vector<128x1xf32>, vector<128x1xi32>
      }
      %scan3A_697 = arith.constant 10 : i32
      %swap3A_698 = arith.constant 0 : index
      %swap3A_699 = arith.constant 9 : index
      %swap3A_700 = vector.load %arg3[%swap3A_698, %swap3A_699] : memref<128x16xi32, #tpu.memory_space<vmem>>, vector<128x1xi32>
      tpu.vector_store %arg3[%swap3A_698, %swap3A_699], %scan3A_696#1 {strides = array<i32>} : memref<128x16xi32, #tpu.memory_space<vmem>>, vector<128x1xi32>,
      %broadcast_in_dim3A_701 = vector.broadcast %cond3A : f32 to vector<128x1xf32>
      %broadcast_in_dim3A_702 = vector.broadcast %cond3A_581 : i32 to vector<128x1xi32>
      %scan3A_703 = arith.constant 0 : i32
      %scan3A_704 = arith.constant 10 : i32
      %scan3A_705 = arith.addi %scan3A_703, %scan3A_704 : i32
      %scan3A_706 = arith.constant 1 : i32
      %scan3A_707:2 = scf.for %scan3A_767 = %scan3A_703 to %scan3A_705 step %scan3A_706 iter_args(%scan3A_768 = %broadcast_in_dim3A_701, %scan3A_769 = %broadcast_in_dim3A_702) -> (vector<128x1xf32>, vector<128x1xi32>)  : i32 {
        %iota3A_770 = tpu.iota {dimensions = array<i32: 1>} : vector<128x1024xi32>
        %mul3A = arith.constant 1024 : i32
        %mul3A_771 = arith.muli %scan3A_767, %mul3A : i32
        %add3A = vector.broadcast %mul3A_771 : i32 to vector<128x1024xi32>
        %add3A_772 = arith.addi %iota3A_770, %add3A : vector<128x1024xi32>
        %eq3A_773 = vector.broadcast %scan3A_696#1 : vector<128x1xi32> to vector<128x1024xi32>
        %eq3A_774 = arith.cmpi eq, %add3A_772, %eq3A_773 : vector<128x1024xi32>
        %get3A_775 = arith.index_cast %scan3A_767 : i32 to index
        %get3A_776 = arith.constant 0 : index
        %get3A_777 = arith.constant 0 : index
        %get3A_778 = vector.load %arg4[%get3A_775, %get3A_776, %get3A_777] : memref<10x128x1024xf32, #tpu.memory_space<vmem>>, vector<1x128x1024xf32>
        %get3A_779 = vector.shape_cast %get3A_778 : vector<1x128x1024xf32> to vector<128x1024xf32>
        %broadcast_in_dim3A_780 = vector.broadcast %cond3A : f32 to vector<128x1024xf32>
        %select_n3A_781 = arith.select %eq3A_774, %broadcast_in_dim3A_780, %get3A_779 : vector<128x1024xi1>, vector<128x1024xf32>
        %swap3A_782 = arith.index_cast %scan3A_767 : i32 to index
        %swap3A_783 = arith.constant 0 : index
        %swap3A_784 = arith.constant 0 : index
        %swap3A_785 = vector.load %arg4[%swap3A_782, %swap3A_783, %swap3A_784] : memref<10x128x1024xf32, #tpu.memory_space<vmem>>, vector<1x128x1024xf32>
        %swap3A_786 = vector.shape_cast %swap3A_785 : vector<1x128x1024xf32> to vector<128x1024xf32>
        %swap3A_787 = vector.shape_cast %select_n3A_781 : vector<128x1024xf32> to vector<1x128x1024xf32>
        tpu.vector_store %arg4[%swap3A_782, %swap3A_783, %swap3A_784], %swap3A_787 {strides = array<i32>} : memref<10x128x1024xf32, #tpu.memory_space<vmem>>, vector<1x128x1024xf32>,
        %reduce_min3A_788 = arith.constant dense<0x7F800000> : vector<128xf32>
        %reduce_min3A_789 = vector.multi_reduction <minimumf>, %select_n3A_781, %reduce_min3A_788 [1] : vector<128x1024xf32> to vector<128xf32>
        %broadcast_in_dim3A_790 = vector.shape_cast %reduce_min3A_789 : vector<128xf32> to vector<128x1xf32>
        %eq3A_791 = vector.broadcast %broadcast_in_dim3A_790 : vector<128x1xf32> to vector<128x1024xf32>
        %eq3A_792 = arith.cmpf oeq, %select_n3A_781, %eq3A_791 : vector<128x1024xf32>
        %broadcast_in_dim3A_793 = vector.broadcast %cond3A_581 : i32 to vector<128x1024xi32>
        %select_n3A_794 = arith.select %eq3A_792, %add3A_772, %broadcast_in_dim3A_793 : vector<128x1024xi1>, vector<128x1024xi32>
        %reduce_min3A_795 = arith.constant dense<2147483647> : vector<128xi32>
        %reduce_min3A_796 = vector.multi_reduction <minsi>, %select_n3A_794, %reduce_min3A_795 [1] : vector<128x1024xi32> to vector<128xi32>
        %broadcast_in_dim3A_797 = vector.shape_cast %reduce_min3A_796 : vector<128xi32> to vector<128x1xi32>
        %lt3A = arith.cmpf olt, %broadcast_in_dim3A_790, %scan3A_768 : vector<128x1xf32>
        %select_n3A_798 = arith.select %lt3A, %broadcast_in_dim3A_790, %scan3A_768 : vector<128x1xi1>, vector<128x1xf32>
        %select_n3A_799 = arith.select %lt3A, %broadcast_in_dim3A_797, %scan3A_769 : vector<128x1xi1>, vector<128x1xi32>
        scf.yield %select_n3A_798, %select_n3A_799 : vector<128x1xf32>, vector<128x1xi32>
      }
      %scan3A_708 = arith.constant 10 : i32
      %swap3A_709 = arith.constant 0 : index
      %swap3A_710 = arith.constant 10 : index
      %swap3A_711 = vector.load %arg3[%swap3A_709, %swap3A_710] : memref<128x16xi32, #tpu.memory_space<vmem>>, vector<128x1xi32>
      tpu.vector_store %arg3[%swap3A_709, %swap3A_710], %scan3A_707#1 {strides = array<i32>} : memref<128x16xi32, #tpu.memory_space<vmem>>, vector<128x1xi32>,
      %broadcast_in_dim3A_712 = vector.broadcast %cond3A : f32 to vector<128x1xf32>
      %broadcast_in_dim3A_713 = vector.broadcast %cond3A_581 : i32 to vector<128x1xi32>
      %scan3A_714 = arith.constant 0 : i32
      %scan3A_715 = arith.constant 10 : i32
      %scan3A_716 = arith.addi %scan3A_714, %scan3A_715 : i32
      %scan3A_717 = arith.constant 1 : i32
      %scan3A_718:2 = scf.for %scan3A_767 = %scan3A_714 to %scan3A_716 step %scan3A_717 iter_args(%scan3A_768 = %broadcast_in_dim3A_712, %scan3A_769 = %broadcast_in_dim3A_713) -> (vector<128x1xf32>, vector<128x1xi32>)  : i32 {
        %iota3A_770 = tpu.iota {dimensions = array<i32: 1>} : vector<128x1024xi32>
        %mul3A = arith.constant 1024 : i32
        %mul3A_771 = arith.muli %scan3A_767, %mul3A : i32
        %add3A = vector.broadcast %mul3A_771 : i32 to vector<128x1024xi32>
        %add3A_772 = arith.addi %iota3A_770, %add3A : vector<128x1024xi32>
        %eq3A_773 = vector.broadcast %scan3A_707#1 : vector<128x1xi32> to vector<128x1024xi32>
        %eq3A_774 = arith.cmpi eq, %add3A_772, %eq3A_773 : vector<128x1024xi32>
        %get3A_775 = arith.index_cast %scan3A_767 : i32 to index
        %get3A_776 = arith.constant 0 : index
        %get3A_777 = arith.constant 0 : index
        %get3A_778 = vector.load %arg4[%get3A_775, %get3A_776, %get3A_777] : memref<10x128x1024xf32, #tpu.memory_space<vmem>>, vector<1x128x1024xf32>
        %get3A_779 = vector.shape_cast %get3A_778 : vector<1x128x1024xf32> to vector<128x1024xf32>
        %broadcast_in_dim3A_780 = vector.broadcast %cond3A : f32 to vector<128x1024xf32>
        %select_n3A_781 = arith.select %eq3A_774, %broadcast_in_dim3A_780, %get3A_779 : vector<128x1024xi1>, vector<128x1024xf32>
        %swap3A_782 = arith.index_cast %scan3A_767 : i32 to index
        %swap3A_783 = arith.constant 0 : index
        %swap3A_784 = arith.constant 0 : index
        %swap3A_785 = vector.load %arg4[%swap3A_782, %swap3A_783, %swap3A_784] : memref<10x128x1024xf32, #tpu.memory_space<vmem>>, vector<1x128x1024xf32>
        %swap3A_786 = vector.shape_cast %swap3A_785 : vector<1x128x1024xf32> to vector<128x1024xf32>
        %swap3A_787 = vector.shape_cast %select_n3A_781 : vector<128x1024xf32> to vector<1x128x1024xf32>
        tpu.vector_store %arg4[%swap3A_782, %swap3A_783, %swap3A_784], %swap3A_787 {strides = array<i32>} : memref<10x128x1024xf32, #tpu.memory_space<vmem>>, vector<1x128x1024xf32>,
        %reduce_min3A_788 = arith.constant dense<0x7F800000> : vector<128xf32>
        %reduce_min3A_789 = vector.multi_reduction <minimumf>, %select_n3A_781, %reduce_min3A_788 [1] : vector<128x1024xf32> to vector<128xf32>
        %broadcast_in_dim3A_790 = vector.shape_cast %reduce_min3A_789 : vector<128xf32> to vector<128x1xf32>
        %eq3A_791 = vector.broadcast %broadcast_in_dim3A_790 : vector<128x1xf32> to vector<128x1024xf32>
        %eq3A_792 = arith.cmpf oeq, %select_n3A_781, %eq3A_791 : vector<128x1024xf32>
        %broadcast_in_dim3A_793 = vector.broadcast %cond3A_581 : i32 to vector<128x1024xi32>
        %select_n3A_794 = arith.select %eq3A_792, %add3A_772, %broadcast_in_dim3A_793 : vector<128x1024xi1>, vector<128x1024xi32>
        %reduce_min3A_795 = arith.constant dense<2147483647> : vector<128xi32>
        %reduce_min3A_796 = vector.multi_reduction <minsi>, %select_n3A_794, %reduce_min3A_795 [1] : vector<128x1024xi32> to vector<128xi32>
        %broadcast_in_dim3A_797 = vector.shape_cast %reduce_min3A_796 : vector<128xi32> to vector<128x1xi32>
        %lt3A = arith.cmpf olt, %broadcast_in_dim3A_790, %scan3A_768 : vector<128x1xf32>
        %select_n3A_798 = arith.select %lt3A, %broadcast_in_dim3A_790, %scan3A_768 : vector<128x1xi1>, vector<128x1xf32>
        %select_n3A_799 = arith.select %lt3A, %broadcast_in_dim3A_797, %scan3A_769 : vector<128x1xi1>, vector<128x1xi32>
        scf.yield %select_n3A_798, %select_n3A_799 : vector<128x1xf32>, vector<128x1xi32>
      }
      %scan3A_719 = arith.constant 10 : i32
      %swap3A_720 = arith.constant 0 : index
      %swap3A_721 = arith.constant 11 : index
      %swap3A_722 = vector.load %arg3[%swap3A_720, %swap3A_721] : memref<128x16xi32, #tpu.memory_space<vmem>>, vector<128x1xi32>
      tpu.vector_store %arg3[%swap3A_720, %swap3A_721], %scan3A_718#1 {strides = array<i32>} : memref<128x16xi32, #tpu.memory_space<vmem>>, vector<128x1xi32>,
      %broadcast_in_dim3A_723 = vector.broadcast %cond3A : f32 to vector<128x1xf32>
      %broadcast_in_dim3A_724 = vector.broadcast %cond3A_581 : i32 to vector<128x1xi32>
      %scan3A_725 = arith.constant 0 : i32
      %scan3A_726 = arith.constant 10 : i32
      %scan3A_727 = arith.addi %scan3A_725, %scan3A_726 : i32
      %scan3A_728 = arith.constant 1 : i32
      %scan3A_729:2 = scf.for %scan3A_767 = %scan3A_725 to %scan3A_727 step %scan3A_728 iter_args(%scan3A_768 = %broadcast_in_dim3A_723, %scan3A_769 = %broadcast_in_dim3A_724) -> (vector<128x1xf32>, vector<128x1xi32>)  : i32 {
        %iota3A_770 = tpu.iota {dimensions = array<i32: 1>} : vector<128x1024xi32>
        %mul3A = arith.constant 1024 : i32
        %mul3A_771 = arith.muli %scan3A_767, %mul3A : i32
        %add3A = vector.broadcast %mul3A_771 : i32 to vector<128x1024xi32>
        %add3A_772 = arith.addi %iota3A_770, %add3A : vector<128x1024xi32>
        %eq3A_773 = vector.broadcast %scan3A_718#1 : vector<128x1xi32> to vector<128x1024xi32>
        %eq3A_774 = arith.cmpi eq, %add3A_772, %eq3A_773 : vector<128x1024xi32>
        %get3A_775 = arith.index_cast %scan3A_767 : i32 to index
        %get3A_776 = arith.constant 0 : index
        %get3A_777 = arith.constant 0 : index
        %get3A_778 = vector.load %arg4[%get3A_775, %get3A_776, %get3A_777] : memref<10x128x1024xf32, #tpu.memory_space<vmem>>, vector<1x128x1024xf32>
        %get3A_779 = vector.shape_cast %get3A_778 : vector<1x128x1024xf32> to vector<128x1024xf32>
        %broadcast_in_dim3A_780 = vector.broadcast %cond3A : f32 to vector<128x1024xf32>
        %select_n3A_781 = arith.select %eq3A_774, %broadcast_in_dim3A_780, %get3A_779 : vector<128x1024xi1>, vector<128x1024xf32>
        %swap3A_782 = arith.index_cast %scan3A_767 : i32 to index
        %swap3A_783 = arith.constant 0 : index
        %swap3A_784 = arith.constant 0 : index
        %swap3A_785 = vector.load %arg4[%swap3A_782, %swap3A_783, %swap3A_784] : memref<10x128x1024xf32, #tpu.memory_space<vmem>>, vector<1x128x1024xf32>
        %swap3A_786 = vector.shape_cast %swap3A_785 : vector<1x128x1024xf32> to vector<128x1024xf32>
        %swap3A_787 = vector.shape_cast %select_n3A_781 : vector<128x1024xf32> to vector<1x128x1024xf32>
        tpu.vector_store %arg4[%swap3A_782, %swap3A_783, %swap3A_784], %swap3A_787 {strides = array<i32>} : memref<10x128x1024xf32, #tpu.memory_space<vmem>>, vector<1x128x1024xf32>,
        %reduce_min3A_788 = arith.constant dense<0x7F800000> : vector<128xf32>
        %reduce_min3A_789 = vector.multi_reduction <minimumf>, %select_n3A_781, %reduce_min3A_788 [1] : vector<128x1024xf32> to vector<128xf32>
        %broadcast_in_dim3A_790 = vector.shape_cast %reduce_min3A_789 : vector<128xf32> to vector<128x1xf32>
        %eq3A_791 = vector.broadcast %broadcast_in_dim3A_790 : vector<128x1xf32> to vector<128x1024xf32>
        %eq3A_792 = arith.cmpf oeq, %select_n3A_781, %eq3A_791 : vector<128x1024xf32>
        %broadcast_in_dim3A_793 = vector.broadcast %cond3A_581 : i32 to vector<128x1024xi32>
        %select_n3A_794 = arith.select %eq3A_792, %add3A_772, %broadcast_in_dim3A_793 : vector<128x1024xi1>, vector<128x1024xi32>
        %reduce_min3A_795 = arith.constant dense<2147483647> : vector<128xi32>
        %reduce_min3A_796 = vector.multi_reduction <minsi>, %select_n3A_794, %reduce_min3A_795 [1] : vector<128x1024xi32> to vector<128xi32>
        %broadcast_in_dim3A_797 = vector.shape_cast %reduce_min3A_796 : vector<128xi32> to vector<128x1xi32>
        %lt3A = arith.cmpf olt, %broadcast_in_dim3A_790, %scan3A_768 : vector<128x1xf32>
        %select_n3A_798 = arith.select %lt3A, %broadcast_in_dim3A_790, %scan3A_768 : vector<128x1xi1>, vector<128x1xf32>
        %select_n3A_799 = arith.select %lt3A, %broadcast_in_dim3A_797, %scan3A_769 : vector<128x1xi1>, vector<128x1xi32>
        scf.yield %select_n3A_798, %select_n3A_799 : vector<128x1xf32>, vector<128x1xi32>
      }
      %scan3A_730 = arith.constant 10 : i32
      %swap3A_731 = arith.constant 0 : index
      %swap3A_732 = arith.constant 12 : index
      %swap3A_733 = vector.load %arg3[%swap3A_731, %swap3A_732] : memref<128x16xi32, #tpu.memory_space<vmem>>, vector<128x1xi32>
      tpu.vector_store %arg3[%swap3A_731, %swap3A_732], %scan3A_729#1 {strides = array<i32>} : memref<128x16xi32, #tpu.memory_space<vmem>>, vector<128x1xi32>,
      %broadcast_in_dim3A_734 = vector.broadcast %cond3A : f32 to vector<128x1xf32>
      %broadcast_in_dim3A_735 = vector.broadcast %cond3A_581 : i32 to vector<128x1xi32>
      %scan3A_736 = arith.constant 0 : i32
      %scan3A_737 = arith.constant 10 : i32
      %scan3A_738 = arith.addi %scan3A_736, %scan3A_737 : i32
      %scan3A_739 = arith.constant 1 : i32
      %scan3A_740:2 = scf.for %scan3A_767 = %scan3A_736 to %scan3A_738 step %scan3A_739 iter_args(%scan3A_768 = %broadcast_in_dim3A_734, %scan3A_769 = %broadcast_in_dim3A_735) -> (vector<128x1xf32>, vector<128x1xi32>)  : i32 {
        %iota3A_770 = tpu.iota {dimensions = array<i32: 1>} : vector<128x1024xi32>
        %mul3A = arith.constant 1024 : i32
        %mul3A_771 = arith.muli %scan3A_767, %mul3A : i32
        %add3A = vector.broadcast %mul3A_771 : i32 to vector<128x1024xi32>
        %add3A_772 = arith.addi %iota3A_770, %add3A : vector<128x1024xi32>
        %eq3A_773 = vector.broadcast %scan3A_729#1 : vector<128x1xi32> to vector<128x1024xi32>
        %eq3A_774 = arith.cmpi eq, %add3A_772, %eq3A_773 : vector<128x1024xi32>
        %get3A_775 = arith.index_cast %scan3A_767 : i32 to index
        %get3A_776 = arith.constant 0 : index
        %get3A_777 = arith.constant 0 : index
        %get3A_778 = vector.load %arg4[%get3A_775, %get3A_776, %get3A_777] : memref<10x128x1024xf32, #tpu.memory_space<vmem>>, vector<1x128x1024xf32>
        %get3A_779 = vector.shape_cast %get3A_778 : vector<1x128x1024xf32> to vector<128x1024xf32>
        %broadcast_in_dim3A_780 = vector.broadcast %cond3A : f32 to vector<128x1024xf32>
        %select_n3A_781 = arith.select %eq3A_774, %broadcast_in_dim3A_780, %get3A_779 : vector<128x1024xi1>, vector<128x1024xf32>
        %swap3A_782 = arith.index_cast %scan3A_767 : i32 to index
        %swap3A_783 = arith.constant 0 : index
        %swap3A_784 = arith.constant 0 : index
        %swap3A_785 = vector.load %arg4[%swap3A_782, %swap3A_783, %swap3A_784] : memref<10x128x1024xf32, #tpu.memory_space<vmem>>, vector<1x128x1024xf32>
        %swap3A_786 = vector.shape_cast %swap3A_785 : vector<1x128x1024xf32> to vector<128x1024xf32>
        %swap3A_787 = vector.shape_cast %select_n3A_781 : vector<128x1024xf32> to vector<1x128x1024xf32>
        tpu.vector_store %arg4[%swap3A_782, %swap3A_783, %swap3A_784], %swap3A_787 {strides = array<i32>} : memref<10x128x1024xf32, #tpu.memory_space<vmem>>, vector<1x128x1024xf32>,
        %reduce_min3A_788 = arith.constant dense<0x7F800000> : vector<128xf32>
        %reduce_min3A_789 = vector.multi_reduction <minimumf>, %select_n3A_781, %reduce_min3A_788 [1] : vector<128x1024xf32> to vector<128xf32>
        %broadcast_in_dim3A_790 = vector.shape_cast %reduce_min3A_789 : vector<128xf32> to vector<128x1xf32>
        %eq3A_791 = vector.broadcast %broadcast_in_dim3A_790 : vector<128x1xf32> to vector<128x1024xf32>
        %eq3A_792 = arith.cmpf oeq, %select_n3A_781, %eq3A_791 : vector<128x1024xf32>
        %broadcast_in_dim3A_793 = vector.broadcast %cond3A_581 : i32 to vector<128x1024xi32>
        %select_n3A_794 = arith.select %eq3A_792, %add3A_772, %broadcast_in_dim3A_793 : vector<128x1024xi1>, vector<128x1024xi32>
        %reduce_min3A_795 = arith.constant dense<2147483647> : vector<128xi32>
        %reduce_min3A_796 = vector.multi_reduction <minsi>, %select_n3A_794, %reduce_min3A_795 [1] : vector<128x1024xi32> to vector<128xi32>
        %broadcast_in_dim3A_797 = vector.shape_cast %reduce_min3A_796 : vector<128xi32> to vector<128x1xi32>
        %lt3A = arith.cmpf olt, %broadcast_in_dim3A_790, %scan3A_768 : vector<128x1xf32>
        %select_n3A_798 = arith.select %lt3A, %broadcast_in_dim3A_790, %scan3A_768 : vector<128x1xi1>, vector<128x1xf32>
        %select_n3A_799 = arith.select %lt3A, %broadcast_in_dim3A_797, %scan3A_769 : vector<128x1xi1>, vector<128x1xi32>
        scf.yield %select_n3A_798, %select_n3A_799 : vector<128x1xf32>, vector<128x1xi32>
      }
      %scan3A_741 = arith.constant 10 : i32
      %swap3A_742 = arith.constant 0 : index
      %swap3A_743 = arith.constant 13 : index
      %swap3A_744 = vector.load %arg3[%swap3A_742, %swap3A_743] : memref<128x16xi32, #tpu.memory_space<vmem>>, vector<128x1xi32>
      tpu.vector_store %arg3[%swap3A_742, %swap3A_743], %scan3A_740#1 {strides = array<i32>} : memref<128x16xi32, #tpu.memory_space<vmem>>, vector<128x1xi32>,
      %broadcast_in_dim3A_745 = vector.broadcast %cond3A : f32 to vector<128x1xf32>
      %broadcast_in_dim3A_746 = vector.broadcast %cond3A_581 : i32 to vector<128x1xi32>
      %scan3A_747 = arith.constant 0 : i32
      %scan3A_748 = arith.constant 10 : i32
      %scan3A_749 = arith.addi %scan3A_747, %scan3A_748 : i32
      %scan3A_750 = arith.constant 1 : i32
      %scan3A_751:2 = scf.for %scan3A_767 = %scan3A_747 to %scan3A_749 step %scan3A_750 iter_args(%scan3A_768 = %broadcast_in_dim3A_745, %scan3A_769 = %broadcast_in_dim3A_746) -> (vector<128x1xf32>, vector<128x1xi32>)  : i32 {
        %iota3A_770 = tpu.iota {dimensions = array<i32: 1>} : vector<128x1024xi32>
        %mul3A = arith.constant 1024 : i32
        %mul3A_771 = arith.muli %scan3A_767, %mul3A : i32
        %add3A = vector.broadcast %mul3A_771 : i32 to vector<128x1024xi32>
        %add3A_772 = arith.addi %iota3A_770, %add3A : vector<128x1024xi32>
        %eq3A_773 = vector.broadcast %scan3A_740#1 : vector<128x1xi32> to vector<128x1024xi32>
        %eq3A_774 = arith.cmpi eq, %add3A_772, %eq3A_773 : vector<128x1024xi32>
        %get3A_775 = arith.index_cast %scan3A_767 : i32 to index
        %get3A_776 = arith.constant 0 : index
        %get3A_777 = arith.constant 0 : index
        %get3A_778 = vector.load %arg4[%get3A_775, %get3A_776, %get3A_777] : memref<10x128x1024xf32, #tpu.memory_space<vmem>>, vector<1x128x1024xf32>
        %get3A_779 = vector.shape_cast %get3A_778 : vector<1x128x1024xf32> to vector<128x1024xf32>
        %broadcast_in_dim3A_780 = vector.broadcast %cond3A : f32 to vector<128x1024xf32>
        %select_n3A_781 = arith.select %eq3A_774, %broadcast_in_dim3A_780, %get3A_779 : vector<128x1024xi1>, vector<128x1024xf32>
        %swap3A_782 = arith.index_cast %scan3A_767 : i32 to index
        %swap3A_783 = arith.constant 0 : index
        %swap3A_784 = arith.constant 0 : index
        %swap3A_785 = vector.load %arg4[%swap3A_782, %swap3A_783, %swap3A_784] : memref<10x128x1024xf32, #tpu.memory_space<vmem>>, vector<1x128x1024xf32>
        %swap3A_786 = vector.shape_cast %swap3A_785 : vector<1x128x1024xf32> to vector<128x1024xf32>
        %swap3A_787 = vector.shape_cast %select_n3A_781 : vector<128x1024xf32> to vector<1x128x1024xf32>
        tpu.vector_store %arg4[%swap3A_782, %swap3A_783, %swap3A_784], %swap3A_787 {strides = array<i32>} : memref<10x128x1024xf32, #tpu.memory_space<vmem>>, vector<1x128x1024xf32>,
        %reduce_min3A_788 = arith.constant dense<0x7F800000> : vector<128xf32>
        %reduce_min3A_789 = vector.multi_reduction <minimumf>, %select_n3A_781, %reduce_min3A_788 [1] : vector<128x1024xf32> to vector<128xf32>
        %broadcast_in_dim3A_790 = vector.shape_cast %reduce_min3A_789 : vector<128xf32> to vector<128x1xf32>
        %eq3A_791 = vector.broadcast %broadcast_in_dim3A_790 : vector<128x1xf32> to vector<128x1024xf32>
        %eq3A_792 = arith.cmpf oeq, %select_n3A_781, %eq3A_791 : vector<128x1024xf32>
        %broadcast_in_dim3A_793 = vector.broadcast %cond3A_581 : i32 to vector<128x1024xi32>
        %select_n3A_794 = arith.select %eq3A_792, %add3A_772, %broadcast_in_dim3A_793 : vector<128x1024xi1>, vector<128x1024xi32>
        %reduce_min3A_795 = arith.constant dense<2147483647> : vector<128xi32>
        %reduce_min3A_796 = vector.multi_reduction <minsi>, %select_n3A_794, %reduce_min3A_795 [1] : vector<128x1024xi32> to vector<128xi32>
        %broadcast_in_dim3A_797 = vector.shape_cast %reduce_min3A_796 : vector<128xi32> to vector<128x1xi32>
        %lt3A = arith.cmpf olt, %broadcast_in_dim3A_790, %scan3A_768 : vector<128x1xf32>
        %select_n3A_798 = arith.select %lt3A, %broadcast_in_dim3A_790, %scan3A_768 : vector<128x1xi1>, vector<128x1xf32>
        %select_n3A_799 = arith.select %lt3A, %broadcast_in_dim3A_797, %scan3A_769 : vector<128x1xi1>, vector<128x1xi32>
        scf.yield %select_n3A_798, %select_n3A_799 : vector<128x1xf32>, vector<128x1xi32>
      }
      %scan3A_752 = arith.constant 10 : i32
      %swap3A_753 = arith.constant 0 : index
      %swap3A_754 = arith.constant 14 : index
      %swap3A_755 = vector.load %arg3[%swap3A_753, %swap3A_754] : memref<128x16xi32, #tpu.memory_space<vmem>>, vector<128x1xi32>
      tpu.vector_store %arg3[%swap3A_753, %swap3A_754], %scan3A_751#1 {strides = array<i32>} : memref<128x16xi32, #tpu.memory_space<vmem>>, vector<128x1xi32>,
      %broadcast_in_dim3A_756 = vector.broadcast %cond3A : f32 to vector<128x1xf32>
      %broadcast_in_dim3A_757 = vector.broadcast %cond3A_581 : i32 to vector<128x1xi32>
      %scan3A_758 = arith.constant 0 : i32
      %scan3A_759 = arith.constant 10 : i32
      %scan3A_760 = arith.addi %scan3A_758, %scan3A_759 : i32
      %scan3A_761 = arith.constant 1 : i32
      %scan3A_762:2 = scf.for %scan3A_767 = %scan3A_758 to %scan3A_760 step %scan3A_761 iter_args(%scan3A_768 = %broadcast_in_dim3A_756, %scan3A_769 = %broadcast_in_dim3A_757) -> (vector<128x1xf32>, vector<128x1xi32>)  : i32 {
        %iota3A_770 = tpu.iota {dimensions = array<i32: 1>} : vector<128x1024xi32>
        %mul3A = arith.constant 1024 : i32
        %mul3A_771 = arith.muli %scan3A_767, %mul3A : i32
        %add3A = vector.broadcast %mul3A_771 : i32 to vector<128x1024xi32>
        %add3A_772 = arith.addi %iota3A_770, %add3A : vector<128x1024xi32>
        %eq3A_773 = vector.broadcast %scan3A_751#1 : vector<128x1xi32> to vector<128x1024xi32>
        %eq3A_774 = arith.cmpi eq, %add3A_772, %eq3A_773 : vector<128x1024xi32>
        %get3A_775 = arith.index_cast %scan3A_767 : i32 to index
        %get3A_776 = arith.constant 0 : index
        %get3A_777 = arith.constant 0 : index
        %get3A_778 = vector.load %arg4[%get3A_775, %get3A_776, %get3A_777] : memref<10x128x1024xf32, #tpu.memory_space<vmem>>, vector<1x128x1024xf32>
        %get3A_779 = vector.shape_cast %get3A_778 : vector<1x128x1024xf32> to vector<128x1024xf32>
        %broadcast_in_dim3A_780 = vector.broadcast %cond3A : f32 to vector<128x1024xf32>
        %select_n3A_781 = arith.select %eq3A_774, %broadcast_in_dim3A_780, %get3A_779 : vector<128x1024xi1>, vector<128x1024xf32>
        %swap3A_782 = arith.index_cast %scan3A_767 : i32 to index
        %swap3A_783 = arith.constant 0 : index
        %swap3A_784 = arith.constant 0 : index
        %swap3A_785 = vector.load %arg4[%swap3A_782, %swap3A_783, %swap3A_784] : memref<10x128x1024xf32, #tpu.memory_space<vmem>>, vector<1x128x1024xf32>
        %swap3A_786 = vector.shape_cast %swap3A_785 : vector<1x128x1024xf32> to vector<128x1024xf32>
        %swap3A_787 = vector.shape_cast %select_n3A_781 : vector<128x1024xf32> to vector<1x128x1024xf32>
        tpu.vector_store %arg4[%swap3A_782, %swap3A_783, %swap3A_784], %swap3A_787 {strides = array<i32>} : memref<10x128x1024xf32, #tpu.memory_space<vmem>>, vector<1x128x1024xf32>,
        %reduce_min3A_788 = arith.constant dense<0x7F800000> : vector<128xf32>
        %reduce_min3A_789 = vector.multi_reduction <minimumf>, %select_n3A_781, %reduce_min3A_788 [1] : vector<128x1024xf32> to vector<128xf32>
        %broadcast_in_dim3A_790 = vector.shape_cast %reduce_min3A_789 : vector<128xf32> to vector<128x1xf32>
        %eq3A_791 = vector.broadcast %broadcast_in_dim3A_790 : vector<128x1xf32> to vector<128x1024xf32>
        %eq3A_792 = arith.cmpf oeq, %select_n3A_781, %eq3A_791 : vector<128x1024xf32>
        %broadcast_in_dim3A_793 = vector.broadcast %cond3A_581 : i32 to vector<128x1024xi32>
        %select_n3A_794 = arith.select %eq3A_792, %add3A_772, %broadcast_in_dim3A_793 : vector<128x1024xi1>, vector<128x1024xi32>
        %reduce_min3A_795 = arith.constant dense<2147483647> : vector<128xi32>
        %reduce_min3A_796 = vector.multi_reduction <minsi>, %select_n3A_794, %reduce_min3A_795 [1] : vector<128x1024xi32> to vector<128xi32>
        %broadcast_in_dim3A_797 = vector.shape_cast %reduce_min3A_796 : vector<128xi32> to vector<128x1xi32>
        %lt3A = arith.cmpf olt, %broadcast_in_dim3A_790, %scan3A_768 : vector<128x1xf32>
        %select_n3A_798 = arith.select %lt3A, %broadcast_in_dim3A_790, %scan3A_768 : vector<128x1xi1>, vector<128x1xf32>
        %select_n3A_799 = arith.select %lt3A, %broadcast_in_dim3A_797, %scan3A_769 : vector<128x1xi1>, vector<128x1xi32>
        scf.yield %select_n3A_798, %select_n3A_799 : vector<128x1xf32>, vector<128x1xi32>
      }
      %scan3A_763 = arith.constant 10 : i32
      %swap3A_764 = arith.constant 0 : index
      %swap3A_765 = arith.constant 15 : index
      %swap3A_766 = vector.load %arg3[%swap3A_764, %swap3A_765] : memref<128x16xi32, #tpu.memory_space<vmem>>, vector<128x1xi32>
      tpu.vector_store %arg3[%swap3A_764, %swap3A_765], %scan3A_762#1 {strides = array<i32>} : memref<128x16xi32, #tpu.memory_space<vmem>>, vector<128x1xi32>,
    } else {
    }
    return
  }
  func.func @transform_0(%arg0: i32) -> (i32, i32) {
    %c0_i32 = arith.constant 0 : i32
    %c0_i32_0 = arith.constant 0 : i32
    return %arg0, %c0_i32 : i32, i32
  }
  func.func @transform_1(%arg0: i32) -> (i32, i32, i32) {
    %c0_i32 = arith.constant 0 : i32
    %c0_i32_0 = arith.constant 0 : i32
    %c0_i32_1 = arith.constant 0 : i32
    %c0_i32_2 = arith.constant 0 : i32
    return %c0_i32, %c0_i32_0, %c0_i32_1 : i32, i32, i32
  }
  func.func @transform_2(%arg0: i32) -> (i32, i32) {
    %c0_i32 = arith.constant 0 : i32
    %c0_i32_0 = arith.constant 0 : i32
    return %arg0, %c0_i32 : i32, i32
  }
}

module attributes {stable_mosaic.version = 14 : i64} {
  func.func @_qkv_body(%arg0: i32, %arg1: memref<400x128xf32, #tpu.memory_space<vmem>>, %arg2: memref<128x384xf32, #tpu.memory_space<vmem>>, %arg3: memref<1x384xf32, #tpu.memory_space<vmem>>, %arg4: memref<400x128xf32, #tpu.memory_space<vmem>>, %arg5: memref<400x128xf32, #tpu.memory_space<vmem>>, %arg6: memref<400x128xf32, #tpu.memory_space<vmem>>) attributes {dimension_semantics = [#tpu.dimension_semantics<arbitrary>], iteration_bounds = array<i64: 25>, scalar_prefetch = 0 : i64, scratch_operands = 0 : i64, tpu.core_type = #tpu.core_type<tc>, window_params = [{transform_indices = @transform_0, window_bounds = array<i64: 400, 128>}, {pipeline_mode = #tpu.pipeline_mode<synchronous>, transform_indices = @transform_1, window_bounds = array<i64: 128, 384>}, {pipeline_mode = #tpu.pipeline_mode<synchronous>, transform_indices = @transform_2, window_bounds = array<i64: 1, 384>}, {transform_indices = @transform_3, window_bounds = array<i64: 400, 128>}, {transform_indices = @transform_4, window_bounds = array<i64: 400, 128>}, {transform_indices = @transform_5, window_bounds = array<i64: 400, 128>}]} {
    %get3A = arith.constant 0 : index
    %get3A_0 = arith.constant 0 : index
    %get3A_1 = vector.load %arg1[%get3A, %get3A_0] : memref<400x128xf32, #tpu.memory_space<vmem>>, vector<400x128xf32>
    %get3A_2 = arith.constant 0 : index
    %get3A_3 = arith.constant 0 : index
    %get3A_4 = vector.load %arg2[%get3A_2, %get3A_3] : memref<128x384xf32, #tpu.memory_space<vmem>>, vector<128x384xf32>
    %dot_general3A = arith.constant dense<0.000000e+00> : vector<400x384xf32>
    %dot_general3A_5 = tpu.matmul %get3A_1, %get3A_4, %dot_general3A {dimension_numbers = #tpu.dot_dimension_numbers<[1], [0], [0], [1], [0, 0, 1, 1], [], []>, transpose_lhs_hint = false} : vector<400x128xf32>, vector<128x384xf32>, vector<400x384xf32> -> vector<400x384xf32>
    %get3A_6 = arith.constant 0 : index
    %get3A_7 = arith.constant 0 : index
    %get3A_8 = vector.load %arg3[%get3A_6, %get3A_7] : memref<1x384xf32, #tpu.memory_space<vmem>>, vector<1x384xf32>
    %add3A = vector.broadcast %get3A_8 : vector<1x384xf32> to vector<400x384xf32>
    %add3A_9 = arith.addf %dot_general3A_5, %add3A : vector<400x384xf32>
    %slice3A = vector.extract_strided_slice %add3A_9 {offsets = [0, 0], sizes = [400, 128], strides = [1, 1]} : vector<400x384xf32> to vector<400x128xf32>
    %swap3A = arith.constant 0 : index
    %swap3A_10 = arith.constant 0 : index
    %swap3A_11 = vector.load %arg4[%swap3A, %swap3A_10] : memref<400x128xf32, #tpu.memory_space<vmem>>, vector<400x128xf32>
    tpu.vector_store %arg4[%swap3A, %swap3A_10], %slice3A {strides = array<i32>} : memref<400x128xf32, #tpu.memory_space<vmem>>, vector<400x128xf32>,
    %slice3A_12 = vector.extract_strided_slice %add3A_9 {offsets = [0, 128], sizes = [400, 128], strides = [1, 1]} : vector<400x384xf32> to vector<400x128xf32>
    %swap3A_13 = arith.constant 0 : index
    %swap3A_14 = arith.constant 0 : index
    %swap3A_15 = vector.load %arg5[%swap3A_13, %swap3A_14] : memref<400x128xf32, #tpu.memory_space<vmem>>, vector<400x128xf32>
    tpu.vector_store %arg5[%swap3A_13, %swap3A_14], %slice3A_12 {strides = array<i32>} : memref<400x128xf32, #tpu.memory_space<vmem>>, vector<400x128xf32>,
    %slice3A_16 = vector.extract_strided_slice %add3A_9 {offsets = [0, 256], sizes = [400, 128], strides = [1, 1]} : vector<400x384xf32> to vector<400x128xf32>
    %swap3A_17 = arith.constant 0 : index
    %swap3A_18 = arith.constant 0 : index
    %swap3A_19 = vector.load %arg6[%swap3A_17, %swap3A_18] : memref<400x128xf32, #tpu.memory_space<vmem>>, vector<400x128xf32>
    tpu.vector_store %arg6[%swap3A_17, %swap3A_18], %slice3A_16 {strides = array<i32>} : memref<400x128xf32, #tpu.memory_space<vmem>>, vector<400x128xf32>,
    return
  }
  func.func @transform_0(%arg0: i32) -> (i32, i32) {
    %c0_i32 = arith.constant 0 : i32
    %c0_i32_0 = arith.constant 0 : i32
    return %arg0, %c0_i32 : i32, i32
  }
  func.func @transform_1(%arg0: i32) -> (i32, i32) {
    %c0_i32 = arith.constant 0 : i32
    %c0_i32_0 = arith.constant 0 : i32
    %c0_i32_1 = arith.constant 0 : i32
    return %c0_i32, %c0_i32_0 : i32, i32
  }
  func.func @transform_2(%arg0: i32) -> (i32, i32) {
    %c0_i32 = arith.constant 0 : i32
    %c0_i32_0 = arith.constant 0 : i32
    %c0_i32_1 = arith.constant 0 : i32
    return %c0_i32, %c0_i32_0 : i32, i32
  }
  func.func @transform_3(%arg0: i32) -> (i32, i32) {
    %c0_i32 = arith.constant 0 : i32
    %c0_i32_0 = arith.constant 0 : i32
    return %arg0, %c0_i32 : i32, i32
  }
  func.func @transform_4(%arg0: i32) -> (i32, i32) {
    %c0_i32 = arith.constant 0 : i32
    %c0_i32_0 = arith.constant 0 : i32
    return %arg0, %c0_i32 : i32, i32
  }
  func.func @transform_5(%arg0: i32) -> (i32, i32) {
    %c0_i32 = arith.constant 0 : i32
    %c0_i32_0 = arith.constant 0 : i32
    return %arg0, %c0_i32 : i32, i32
  }
}

module attributes {stable_mosaic.version = 14 : i64} {
  func.func @_tstats_body(%arg0: i32, %arg1: memref<125x16x128xf32, #tpu.memory_space<vmem>>, %arg2: memref<125x1x128xf32, #tpu.memory_space<vmem>>, %arg3: memref<128x16xf32, #tpu.memory_space<vmem>>, %arg4: memref<1x16xf32, #tpu.memory_space<vmem>>, %arg5: memref<8x16xf32, #tpu.memory_space<vmem>>) attributes {dimension_semantics = [#tpu.dimension_semantics<arbitrary>], iteration_bounds = array<i64: 80>, scalar_prefetch = 0 : i64, scratch_operands = 0 : i64, tpu.core_type = #tpu.core_type<tc>, window_params = [{transform_indices = @transform_0, window_bounds = array<i64: 125, 16, 128>}, {transform_indices = @transform_1, window_bounds = array<i64: 125, 1, 128>}, {pipeline_mode = #tpu.pipeline_mode<synchronous>, transform_indices = @transform_2, window_bounds = array<i64: 128, 16>}, {pipeline_mode = #tpu.pipeline_mode<synchronous>, transform_indices = @transform_3, window_bounds = array<i64: 1, 16>}, {pipeline_mode = #tpu.pipeline_mode<synchronous>, transform_indices = @transform_4, window_bounds = array<i64: 8, 16>}]} {
    %eq3A = arith.constant 0 : i32
    %eq3A_0 = arith.cmpi eq, %arg0, %eq3A : i32
    %convert_element_type3A = arith.extui %eq3A_0 : i1 to i32
    %cond3A = arith.constant 0 : i32
    %cond3A_1 = arith.cmpi ne, %convert_element_type3A, %cond3A : i32
    scf.if %cond3A_1 {
      %broadcast_in_dim3A_36 = arith.constant 0.000000e+00 : f32
      %broadcast_in_dim3A_37 = vector.broadcast %broadcast_in_dim3A_36 : f32 to vector<8x16xf32>
      %swap3A_38 = arith.constant 0 : index
      %swap3A_39 = arith.constant 0 : index
      %swap3A_40 = vector.load %arg5[%swap3A_38, %swap3A_39] : memref<8x16xf32, #tpu.memory_space<vmem>>, vector<8x16xf32>
      tpu.vector_store %arg5[%swap3A_38, %swap3A_39], %broadcast_in_dim3A_37 {strides = array<i32>} : memref<8x16xf32, #tpu.memory_space<vmem>>, vector<8x16xf32>,
    } else {
    }
    %get3A = arith.constant 0 : index
    %get3A_2 = arith.constant 0 : index
    %get3A_3 = arith.constant 0 : index
    %get3A_4 = vector.load %arg1[%get3A, %get3A_2, %get3A_3] : memref<125x16x128xf32, #tpu.memory_space<vmem>>, vector<125x16x128xf32>
    %get3A_5 = arith.constant 0 : index
    %get3A_6 = arith.constant 0 : index
    %get3A_7 = arith.constant 0 : index
    %get3A_8 = vector.load %arg2[%get3A_5, %get3A_6, %get3A_7] : memref<125x1x128xf32, #tpu.memory_space<vmem>>, vector<125x1x128xf32>
    %broadcast_in_dim3A = vector.shape_cast %get3A_8 : vector<125x1x128xf32> to vector<125x1x128xf32>
    %broadcast_in_dim3A_9 = vector.broadcast %broadcast_in_dim3A : vector<125x1x128xf32> to vector<125x16x128xf32>
    %sub3A = arith.subf %get3A_4, %broadcast_in_dim3A_9 : vector<125x16x128xf32>
    %reshape3A = vector.shape_cast %sub3A : vector<125x16x128xf32> to vector<2000x128xf32>
    %get3A_10 = arith.constant 0 : index
    %get3A_11 = arith.constant 0 : index
    %get3A_12 = vector.load %arg3[%get3A_10, %get3A_11] : memref<128x16xf32, #tpu.memory_space<vmem>>, vector<128x16xf32>
    %dot_general3A = arith.constant dense<0.000000e+00> : vector<2000x16xf32>
    %dot_general3A_13 = tpu.matmul %reshape3A, %get3A_12, %dot_general3A {dimension_numbers = #tpu.dot_dimension_numbers<[1], [0], [0], [1], [0, 0, 1, 1], [], []>, transpose_lhs_hint = false} : vector<2000x128xf32>, vector<128x16xf32>, vector<2000x16xf32> -> vector<2000x16xf32>
    %get3A_14 = arith.constant 0 : index
    %get3A_15 = arith.constant 0 : index
    %get3A_16 = vector.load %arg4[%get3A_14, %get3A_15] : memref<1x16xf32, #tpu.memory_space<vmem>>, vector<1x16xf32>
    %add3A = vector.broadcast %get3A_16 : vector<1x16xf32> to vector<2000x16xf32>
    %add3A_17 = arith.addf %dot_general3A_13, %add3A : vector<2000x16xf32>
    %get3A_18 = arith.constant 0 : index
    %get3A_19 = arith.constant 0 : index
    %get3A_20 = vector.load %arg5[%get3A_18, %get3A_19] : memref<8x16xf32, #tpu.memory_space<vmem>>, vector<1x16xf32>
    %reduce_sum3A = arith.constant dense<0.000000e+00> : vector<16xf32>
    %reduce_sum3A_21 = vector.multi_reduction <add>, %add3A_17, %reduce_sum3A [0] : vector<2000x16xf32> to vector<16xf32>
    %broadcast_in_dim3A_22 = vector.shape_cast %reduce_sum3A_21 : vector<16xf32> to vector<1x16xf32>
    %add3A_23 = arith.addf %get3A_20, %broadcast_in_dim3A_22 : vector<1x16xf32>
    %swap3A = arith.constant 0 : index
    %swap3A_24 = arith.constant 0 : index
    %swap3A_25 = vector.load %arg5[%swap3A, %swap3A_24] : memref<8x16xf32, #tpu.memory_space<vmem>>, vector<1x16xf32>
    tpu.vector_store %arg5[%swap3A, %swap3A_24], %add3A_23 {strides = array<i32>} : memref<8x16xf32, #tpu.memory_space<vmem>>, vector<1x16xf32>,
    %get3A_26 = arith.constant 1 : index
    %get3A_27 = arith.constant 0 : index
    %get3A_28 = vector.load %arg5[%get3A_26, %get3A_27] : memref<8x16xf32, #tpu.memory_space<vmem>>, vector<1x16xf32>
    %mul3A = arith.mulf %add3A_17, %add3A_17 : vector<2000x16xf32>
    %reduce_sum3A_29 = arith.constant dense<0.000000e+00> : vector<16xf32>
    %reduce_sum3A_30 = vector.multi_reduction <add>, %mul3A, %reduce_sum3A_29 [0] : vector<2000x16xf32> to vector<16xf32>
    %broadcast_in_dim3A_31 = vector.shape_cast %reduce_sum3A_30 : vector<16xf32> to vector<1x16xf32>
    %add3A_32 = arith.addf %get3A_28, %broadcast_in_dim3A_31 : vector<1x16xf32>
    %swap3A_33 = arith.constant 1 : index
    %swap3A_34 = arith.constant 0 : index
    %swap3A_35 = vector.load %arg5[%swap3A_33, %swap3A_34] : memref<8x16xf32, #tpu.memory_space<vmem>>, vector<1x16xf32>
    tpu.vector_store %arg5[%swap3A_33, %swap3A_34], %add3A_32 {strides = array<i32>} : memref<8x16xf32, #tpu.memory_space<vmem>>, vector<1x16xf32>,
    return
  }
  func.func @transform_0(%arg0: i32) -> (i32, i32, i32) {
    %c0_i32 = arith.constant 0 : i32
    %c0_i32_0 = arith.constant 0 : i32
    %c0_i32_1 = arith.constant 0 : i32
    return %arg0, %c0_i32, %c0_i32_0 : i32, i32, i32
  }
  func.func @transform_1(%arg0: i32) -> (i32, i32, i32) {
    %c0_i32 = arith.constant 0 : i32
    %c0_i32_0 = arith.constant 0 : i32
    %c0_i32_1 = arith.constant 0 : i32
    return %arg0, %c0_i32, %c0_i32_0 : i32, i32, i32
  }
  func.func @transform_2(%arg0: i32) -> (i32, i32) {
    %c0_i32 = arith.constant 0 : i32
    %c0_i32_0 = arith.constant 0 : i32
    %c0_i32_1 = arith.constant 0 : i32
    return %c0_i32, %c0_i32_0 : i32, i32
  }
  func.func @transform_3(%arg0: i32) -> (i32, i32) {
    %c0_i32 = arith.constant 0 : i32
    %c0_i32_0 = arith.constant 0 : i32
    %c0_i32_1 = arith.constant 0 : i32
    return %c0_i32, %c0_i32_0 : i32, i32
  }
  func.func @transform_4(%arg0: i32) -> (i32, i32) {
    %c0_i32 = arith.constant 0 : i32
    %c0_i32_0 = arith.constant 0 : i32
    %c0_i32_1 = arith.constant 0 : i32
    return %c0_i32, %c0_i32_0 : i32, i32
  }
}

module attributes {stable_mosaic.version = 14 : i64} {
  func.func @_w0stats_body(%arg0: i32, %arg1: memref<80x16x128xf32, #tpu.memory_space<vmem>>, %arg2: memref<80x1x128xf32, #tpu.memory_space<vmem>>, %arg3: memref<80x16x128xf32, #tpu.memory_space<vmem>>, %arg4: memref<80x1x128xf32, #tpu.memory_space<vmem>>, %arg5: memref<128x16xf32, #tpu.memory_space<vmem>>, %arg6: memref<1x16xf32, #tpu.memory_space<vmem>>, %arg7: memref<1x16xf32, #tpu.memory_space<vmem>>, %arg8: memref<1x16xf32, #tpu.memory_space<vmem>>, %arg9: memref<16x128xf32, #tpu.memory_space<vmem>>, %arg10: memref<1x128xf32, #tpu.memory_space<vmem>>, %arg11: memref<8x128xf32, #tpu.memory_space<vmem>>) attributes {dimension_semantics = [#tpu.dimension_semantics<arbitrary>], iteration_bounds = array<i64: 125>, scalar_prefetch = 0 : i64, scratch_operands = 0 : i64, tpu.core_type = #tpu.core_type<tc>, window_params = [{transform_indices = @transform_0, window_bounds = array<i64: 80, 16, 128>}, {transform_indices = @transform_1, window_bounds = array<i64: 80, 1, 128>}, {transform_indices = @transform_2, window_bounds = array<i64: 80, 16, 128>}, {transform_indices = @transform_3, window_bounds = array<i64: 80, 1, 128>}, {pipeline_mode = #tpu.pipeline_mode<synchronous>, transform_indices = @transform_4, window_bounds = array<i64: 128, 16>}, {pipeline_mode = #tpu.pipeline_mode<synchronous>, transform_indices = @transform_5, window_bounds = array<i64: 1, 16>}, {pipeline_mode = #tpu.pipeline_mode<synchronous>, transform_indices = @transform_6, window_bounds = array<i64: 1, 16>}, {pipeline_mode = #tpu.pipeline_mode<synchronous>, transform_indices = @transform_7, window_bounds = array<i64: 1, 16>}, {pipeline_mode = #tpu.pipeline_mode<synchronous>, transform_indices = @transform_8, window_bounds = array<i64: 16, 128>}, {pipeline_mode = #tpu.pipeline_mode<synchronous>, transform_indices = @transform_9, window_bounds = array<i64: 1, 128>}, {pipeline_mode = #tpu.pipeline_mode<synchronous>, transform_indices = @transform_10, window_bounds = array<i64: 8, 128>}]} {
    %eq3A = arith.constant 0 : i32
    %eq3A_0 = arith.cmpi eq, %arg0, %eq3A : i32
    %convert_element_type3A = arith.extui %eq3A_0 : i1 to i32
    %cond3A = arith.constant 0 : i32
    %cond3A_1 = arith.cmpi ne, %convert_element_type3A, %cond3A : i32
    scf.if %cond3A_1 {
      %broadcast_in_dim3A_72 = arith.constant 0.000000e+00 : f32
      %broadcast_in_dim3A_73 = vector.broadcast %broadcast_in_dim3A_72 : f32 to vector<8x128xf32>
      %swap3A_74 = arith.constant 0 : index
      %swap3A_75 = arith.constant 0 : index
      %swap3A_76 = vector.load %arg11[%swap3A_74, %swap3A_75] : memref<8x128xf32, #tpu.memory_space<vmem>>, vector<8x128xf32>
      tpu.vector_store %arg11[%swap3A_74, %swap3A_75], %broadcast_in_dim3A_73 {strides = array<i32>} : memref<8x128xf32, #tpu.memory_space<vmem>>, vector<8x128xf32>,
    } else {
    }
    %get3A = arith.constant 0 : index
    %get3A_2 = arith.constant 0 : index
    %get3A_3 = arith.constant 0 : index
    %get3A_4 = vector.load %arg1[%get3A, %get3A_2, %get3A_3] : memref<80x16x128xf32, #tpu.memory_space<vmem>>, vector<80x16x128xf32>
    %get3A_5 = arith.constant 0 : index
    %get3A_6 = arith.constant 0 : index
    %get3A_7 = arith.constant 0 : index
    %get3A_8 = vector.load %arg2[%get3A_5, %get3A_6, %get3A_7] : memref<80x1x128xf32, #tpu.memory_space<vmem>>, vector<80x1x128xf32>
    %broadcast_in_dim3A = vector.shape_cast %get3A_8 : vector<80x1x128xf32> to vector<80x1x128xf32>
    %broadcast_in_dim3A_9 = vector.broadcast %broadcast_in_dim3A : vector<80x1x128xf32> to vector<80x16x128xf32>
    %sub3A = arith.subf %get3A_4, %broadcast_in_dim3A_9 : vector<80x16x128xf32>
    %reshape3A = vector.shape_cast %sub3A : vector<80x16x128xf32> to vector<1280x128xf32>
    %get3A_10 = arith.constant 0 : index
    %get3A_11 = arith.constant 0 : index
    %get3A_12 = vector.load %arg5[%get3A_10, %get3A_11] : memref<128x16xf32, #tpu.memory_space<vmem>>, vector<128x16xf32>
    %dot_general3A = arith.constant dense<0.000000e+00> : vector<1280x16xf32>
    %dot_general3A_13 = tpu.matmul %reshape3A, %get3A_12, %dot_general3A {dimension_numbers = #tpu.dot_dimension_numbers<[1], [0], [0], [1], [0, 0, 1, 1], [], []>, transpose_lhs_hint = false} : vector<1280x128xf32>, vector<128x16xf32>, vector<1280x16xf32> -> vector<1280x16xf32>
    %get3A_14 = arith.constant 0 : index
    %get3A_15 = arith.constant 0 : index
    %get3A_16 = vector.load %arg6[%get3A_14, %get3A_15] : memref<1x16xf32, #tpu.memory_space<vmem>>, vector<1x16xf32>
    %add3A = vector.broadcast %get3A_16 : vector<1x16xf32> to vector<1280x16xf32>
    %add3A_17 = arith.addf %dot_general3A_13, %add3A : vector<1280x16xf32>
    %get3A_18 = arith.constant 0 : index
    %get3A_19 = arith.constant 0 : index
    %get3A_20 = vector.load %arg7[%get3A_18, %get3A_19] : memref<1x16xf32, #tpu.memory_space<vmem>>, vector<1x16xf32>
    %mul3A = vector.broadcast %get3A_20 : vector<1x16xf32> to vector<1280x16xf32>
    %mul3A_21 = arith.mulf %add3A_17, %mul3A : vector<1280x16xf32>
    %get3A_22 = arith.constant 0 : index
    %get3A_23 = arith.constant 0 : index
    %get3A_24 = vector.load %arg8[%get3A_22, %get3A_23] : memref<1x16xf32, #tpu.memory_space<vmem>>, vector<1x16xf32>
    %add3A_25 = vector.broadcast %get3A_24 : vector<1x16xf32> to vector<1280x16xf32>
    %add3A_26 = arith.addf %mul3A_21, %add3A_25 : vector<1280x16xf32>
    %max3A = arith.constant 0.000000e+00 : f32
    %max3A_27 = vector.broadcast %max3A : f32 to vector<1280x16xf32>
    %max3A_28 = arith.maximumf %add3A_26, %max3A_27 : vector<1280x16xf32>
    %get3A_29 = arith.constant 0 : index
    %get3A_30 = arith.constant 0 : index
    %get3A_31 = vector.load %arg9[%get3A_29, %get3A_30] : memref<16x128xf32, #tpu.memory_space<vmem>>, vector<16x128xf32>
    %dot_general3A_32 = arith.constant dense<0.000000e+00> : vector<1280x128xf32>
    %dot_general3A_33 = tpu.matmul %max3A_28, %get3A_31, %dot_general3A_32 {dimension_numbers = #tpu.dot_dimension_numbers<[1], [0], [0], [1], [0, 0, 1, 1], [], []>, transpose_lhs_hint = false} : vector<1280x16xf32>, vector<16x128xf32>, vector<1280x128xf32> -> vector<1280x128xf32>
    %get3A_34 = arith.constant 0 : index
    %get3A_35 = arith.constant 0 : index
    %get3A_36 = vector.load %arg10[%get3A_34, %get3A_35] : memref<1x128xf32, #tpu.memory_space<vmem>>, vector<1x128xf32>
    %add3A_37 = vector.broadcast %get3A_36 : vector<1x128xf32> to vector<1280x128xf32>
    %add3A_38 = arith.addf %dot_general3A_33, %add3A_37 : vector<1280x128xf32>
    %get3A_39 = arith.constant 0 : index
    %get3A_40 = arith.constant 0 : index
    %get3A_41 = arith.constant 0 : index
    %get3A_42 = vector.load %arg3[%get3A_39, %get3A_40, %get3A_41] : memref<80x16x128xf32, #tpu.memory_space<vmem>>, vector<80x16x128xf32>
    %reshape3A_43 = vector.shape_cast %get3A_42 : vector<80x16x128xf32> to vector<1280x128xf32>
    %get3A_44 = arith.constant 0 : index
    %get3A_45 = arith.constant 0 : index
    %get3A_46 = arith.constant 0 : index
    %get3A_47 = vector.load %arg4[%get3A_44, %get3A_45, %get3A_46] : memref<80x1x128xf32, #tpu.memory_space<vmem>>, vector<80x1x128xf32>
    %broadcast_in_dim3A_48 = vector.shape_cast %get3A_47 : vector<80x1x128xf32> to vector<80x1x128xf32>
    %broadcast_in_dim3A_49 = vector.broadcast %broadcast_in_dim3A_48 : vector<80x1x128xf32> to vector<80x16x128xf32>
    %reshape3A_50 = vector.shape_cast %broadcast_in_dim3A_49 : vector<80x16x128xf32> to vector<1280x128xf32>
    %sub3A_51 = arith.subf %reshape3A_43, %reshape3A_50 : vector<1280x128xf32>
    %add3A_52 = arith.addf %sub3A_51, %add3A_38 : vector<1280x128xf32>
    %get3A_53 = arith.constant 0 : index
    %get3A_54 = arith.constant 0 : index
    %get3A_55 = vector.load %arg11[%get3A_53, %get3A_54] : memref<8x128xf32, #tpu.memory_space<vmem>>, vector<1x128xf32>
    %reduce_sum3A = arith.constant dense<0.000000e+00> : vector<128xf32>
    %reduce_sum3A_56 = vector.multi_reduction <add>, %add3A_52, %reduce_sum3A [0] : vector<1280x128xf32> to vector<128xf32>
    %broadcast_in_dim3A_57 = vector.shape_cast %reduce_sum3A_56 : vector<128xf32> to vector<1x128xf32>
    %add3A_58 = arith.addf %get3A_55, %broadcast_in_dim3A_57 : vector<1x128xf32>
    %swap3A = arith.constant 0 : index
    %swap3A_59 = arith.constant 0 : index
    %swap3A_60 = vector.load %arg11[%swap3A, %swap3A_59] : memref<8x128xf32, #tpu.memory_space<vmem>>, vector<1x128xf32>
    tpu.vector_store %arg11[%swap3A, %swap3A_59], %add3A_58 {strides = array<i32>} : memref<8x128xf32, #tpu.memory_space<vmem>>, vector<1x128xf32>,
    %get3A_61 = arith.constant 1 : index
    %get3A_62 = arith.constant 0 : index
    %get3A_63 = vector.load %arg11[%get3A_61, %get3A_62] : memref<8x128xf32, #tpu.memory_space<vmem>>, vector<1x128xf32>
    %mul3A_64 = arith.mulf %add3A_52, %add3A_52 : vector<1280x128xf32>
    %reduce_sum3A_65 = arith.constant dense<0.000000e+00> : vector<128xf32>
    %reduce_sum3A_66 = vector.multi_reduction <add>, %mul3A_64, %reduce_sum3A_65 [0] : vector<1280x128xf32> to vector<128xf32>
    %broadcast_in_dim3A_67 = vector.shape_cast %reduce_sum3A_66 : vector<128xf32> to vector<1x128xf32>
    %add3A_68 = arith.addf %get3A_63, %broadcast_in_dim3A_67 : vector<1x128xf32>
    %swap3A_69 = arith.constant 1 : index
    %swap3A_70 = arith.constant 0 : index
    %swap3A_71 = vector.load %arg11[%swap3A_69, %swap3A_70] : memref<8x128xf32, #tpu.memory_space<vmem>>, vector<1x128xf32>
    tpu.vector_store %arg11[%swap3A_69, %swap3A_70], %add3A_68 {strides = array<i32>} : memref<8x128xf32, #tpu.memory_space<vmem>>, vector<1x128xf32>,
    return
  }
  func.func @transform_0(%arg0: i32) -> (i32, i32, i32) {
    %c0_i32 = arith.constant 0 : i32
    %c0_i32_0 = arith.constant 0 : i32
    %c0_i32_1 = arith.constant 0 : i32
    return %arg0, %c0_i32, %c0_i32_0 : i32, i32, i32
  }
  func.func @transform_1(%arg0: i32) -> (i32, i32, i32) {
    %c0_i32 = arith.constant 0 : i32
    %c0_i32_0 = arith.constant 0 : i32
    %c0_i32_1 = arith.constant 0 : i32
    return %arg0, %c0_i32, %c0_i32_0 : i32, i32, i32
  }
  func.func @transform_2(%arg0: i32) -> (i32, i32, i32) {
    %c0_i32 = arith.constant 0 : i32
    %c0_i32_0 = arith.constant 0 : i32
    %c0_i32_1 = arith.constant 0 : i32
    return %arg0, %c0_i32, %c0_i32_0 : i32, i32, i32
  }
  func.func @transform_3(%arg0: i32) -> (i32, i32, i32) {
    %c0_i32 = arith.constant 0 : i32
    %c0_i32_0 = arith.constant 0 : i32
    %c0_i32_1 = arith.constant 0 : i32
    return %arg0, %c0_i32, %c0_i32_0 : i32, i32, i32
  }
  func.func @transform_4(%arg0: i32) -> (i32, i32) {
    %c0_i32 = arith.constant 0 : i32
    %c0_i32_0 = arith.constant 0 : i32
    %c0_i32_1 = arith.constant 0 : i32
    return %c0_i32, %c0_i32_0 : i32, i32
  }
  func.func @transform_5(%arg0: i32) -> (i32, i32) {
    %c0_i32 = arith.constant 0 : i32
    %c0_i32_0 = arith.constant 0 : i32
    %c0_i32_1 = arith.constant 0 : i32
    return %c0_i32, %c0_i32_0 : i32, i32
  }
  func.func @transform_6(%arg0: i32) -> (i32, i32) {
    %c0_i32 = arith.constant 0 : i32
    %c0_i32_0 = arith.constant 0 : i32
    %c0_i32_1 = arith.constant 0 : i32
    return %c0_i32, %c0_i32_0 : i32, i32
  }
  func.func @transform_7(%arg0: i32) -> (i32, i32) {
    %c0_i32 = arith.constant 0 : i32
    %c0_i32_0 = arith.constant 0 : i32
    %c0_i32_1 = arith.constant 0 : i32
    return %c0_i32, %c0_i32_0 : i32, i32
  }
  func.func @transform_8(%arg0: i32) -> (i32, i32) {
    %c0_i32 = arith.constant 0 : i32
    %c0_i32_0 = arith.constant 0 : i32
    %c0_i32_1 = arith.constant 0 : i32
    return %c0_i32, %c0_i32_0 : i32, i32
  }
  func.func @transform_9(%arg0: i32) -> (i32, i32) {
    %c0_i32 = arith.constant 0 : i32
    %c0_i32_0 = arith.constant 0 : i32
    %c0_i32_1 = arith.constant 0 : i32
    return %c0_i32, %c0_i32_0 : i32, i32
  }
  func.func @transform_10(%arg0: i32) -> (i32, i32) {
    %c0_i32 = arith.constant 0 : i32
    %c0_i32_0 = arith.constant 0 : i32
    %c0_i32_1 = arith.constant 0 : i32
    return %c0_i32, %c0_i32_0 : i32, i32
  }
}

module attributes {stable_mosaic.version = 14 : i64} {
  func.func @_w1_body(%arg0: i32, %arg1: memref<80x16x128xf32, #tpu.memory_space<vmem>>, %arg2: memref<80x1x128xf32, #tpu.memory_space<vmem>>, %arg3: memref<80x16x128xf32, #tpu.memory_space<vmem>>, %arg4: memref<80x1x128xf32, #tpu.memory_space<vmem>>, %arg5: memref<128x16xf32, #tpu.memory_space<vmem>>, %arg6: memref<1x16xf32, #tpu.memory_space<vmem>>, %arg7: memref<1x16xf32, #tpu.memory_space<vmem>>, %arg8: memref<1x16xf32, #tpu.memory_space<vmem>>, %arg9: memref<16x128xf32, #tpu.memory_space<vmem>>, %arg10: memref<1x128xf32, #tpu.memory_space<vmem>>, %arg11: memref<1x128xf32, #tpu.memory_space<vmem>>, %arg12: memref<1x128xf32, #tpu.memory_space<vmem>>, %arg13: memref<128x16xf32, #tpu.memory_space<vmem>>, %arg14: memref<1x16xf32, #tpu.memory_space<vmem>>, %arg15: memref<80x16x16xf32, #tpu.memory_space<vmem>>, %arg16: memref<8x16xf32, #tpu.memory_space<vmem>>) attributes {dimension_semantics = [#tpu.dimension_semantics<arbitrary>], iteration_bounds = array<i64: 125>, scalar_prefetch = 0 : i64, scratch_operands = 0 : i64, tpu.core_type = #tpu.core_type<tc>, window_params = [{transform_indices = @transform_0, window_bounds = array<i64: 80, 16, 128>}, {transform_indices = @transform_1, window_bounds = array<i64: 80, 1, 128>}, {transform_indices = @transform_2, window_bounds = array<i64: 80, 16, 128>}, {transform_indices = @transform_3, window_bounds = array<i64: 80, 1, 128>}, {pipeline_mode = #tpu.pipeline_mode<synchronous>, transform_indices = @transform_4, window_bounds = array<i64: 128, 16>}, {pipeline_mode = #tpu.pipeline_mode<synchronous>, transform_indices = @transform_5, window_bounds = array<i64: 1, 16>}, {pipeline_mode = #tpu.pipeline_mode<synchronous>, transform_indices = @transform_6, window_bounds = array<i64: 1, 16>}, {pipeline_mode = #tpu.pipeline_mode<synchronous>, transform_indices = @transform_7, window_bounds = array<i64: 1, 16>}, {pipeline_mode = #tpu.pipeline_mode<synchronous>, transform_indices = @transform_8, window_bounds = array<i64: 16, 128>}, {pipeline_mode = #tpu.pipeline_mode<synchronous>, transform_indices = @transform_9, window_bounds = array<i64: 1, 128>}, {pipeline_mode = #tpu.pipeline_mode<synchronous>, transform_indices = @transform_10, window_bounds = array<i64: 1, 128>}, {pipeline_mode = #tpu.pipeline_mode<synchronous>, transform_indices = @transform_11, window_bounds = array<i64: 1, 128>}, {pipeline_mode = #tpu.pipeline_mode<synchronous>, transform_indices = @transform_12, window_bounds = array<i64: 128, 16>}, {pipeline_mode = #tpu.pipeline_mode<synchronous>, transform_indices = @transform_13, window_bounds = array<i64: 1, 16>}, {transform_indices = @transform_14, window_bounds = array<i64: 80, 16, 16>}, {pipeline_mode = #tpu.pipeline_mode<synchronous>, transform_indices = @transform_15, window_bounds = array<i64: 8, 16>}]} {
    %eq3A = arith.constant 0 : i32
    %eq3A_0 = arith.cmpi eq, %arg0, %eq3A : i32
    %convert_element_type3A = arith.extui %eq3A_0 : i1 to i32
    %cond3A = arith.constant 0 : i32
    %cond3A_1 = arith.cmpi ne, %convert_element_type3A, %cond3A : i32
    scf.if %cond3A_1 {
      %broadcast_in_dim3A_100 = arith.constant 0.000000e+00 : f32
      %broadcast_in_dim3A_101 = vector.broadcast %broadcast_in_dim3A_100 : f32 to vector<8x16xf32>
      %swap3A_102 = arith.constant 0 : index
      %swap3A_103 = arith.constant 0 : index
      %swap3A_104 = vector.load %arg16[%swap3A_102, %swap3A_103] : memref<8x16xf32, #tpu.memory_space<vmem>>, vector<8x16xf32>
      tpu.vector_store %arg16[%swap3A_102, %swap3A_103], %broadcast_in_dim3A_101 {strides = array<i32>} : memref<8x16xf32, #tpu.memory_space<vmem>>, vector<8x16xf32>,
    } else {
    }
    %get3A = arith.constant 0 : index
    %get3A_2 = arith.constant 0 : index
    %get3A_3 = arith.constant 0 : index
    %get3A_4 = vector.load %arg1[%get3A, %get3A_2, %get3A_3] : memref<80x16x128xf32, #tpu.memory_space<vmem>>, vector<80x16x128xf32>
    %get3A_5 = arith.constant 0 : index
    %get3A_6 = arith.constant 0 : index
    %get3A_7 = arith.constant 0 : index
    %get3A_8 = vector.load %arg2[%get3A_5, %get3A_6, %get3A_7] : memref<80x1x128xf32, #tpu.memory_space<vmem>>, vector<80x1x128xf32>
    %broadcast_in_dim3A = vector.shape_cast %get3A_8 : vector<80x1x128xf32> to vector<80x1x128xf32>
    %broadcast_in_dim3A_9 = vector.broadcast %broadcast_in_dim3A : vector<80x1x128xf32> to vector<80x16x128xf32>
    %sub3A = arith.subf %get3A_4, %broadcast_in_dim3A_9 : vector<80x16x128xf32>
    %reshape3A = vector.shape_cast %sub3A : vector<80x16x128xf32> to vector<1280x128xf32>
    %get3A_10 = arith.constant 0 : index
    %get3A_11 = arith.constant 0 : index
    %get3A_12 = vector.load %arg5[%get3A_10, %get3A_11] : memref<128x16xf32, #tpu.memory_space<vmem>>, vector<128x16xf32>
    %dot_general3A = arith.constant dense<0.000000e+00> : vector<1280x16xf32>
    %dot_general3A_13 = tpu.matmul %reshape3A, %get3A_12, %dot_general3A {dimension_numbers = #tpu.dot_dimension_numbers<[1], [0], [0], [1], [0, 0, 1, 1], [], []>, transpose_lhs_hint = false} : vector<1280x128xf32>, vector<128x16xf32>, vector<1280x16xf32> -> vector<1280x16xf32>
    %get3A_14 = arith.constant 0 : index
    %get3A_15 = arith.constant 0 : index
    %get3A_16 = vector.load %arg6[%get3A_14, %get3A_15] : memref<1x16xf32, #tpu.memory_space<vmem>>, vector<1x16xf32>
    %add3A = vector.broadcast %get3A_16 : vector<1x16xf32> to vector<1280x16xf32>
    %add3A_17 = arith.addf %dot_general3A_13, %add3A : vector<1280x16xf32>
    %get3A_18 = arith.constant 0 : index
    %get3A_19 = arith.constant 0 : index
    %get3A_20 = vector.load %arg7[%get3A_18, %get3A_19] : memref<1x16xf32, #tpu.memory_space<vmem>>, vector<1x16xf32>
    %mul3A = vector.broadcast %get3A_20 : vector<1x16xf32> to vector<1280x16xf32>
    %mul3A_21 = arith.mulf %add3A_17, %mul3A : vector<1280x16xf32>
    %get3A_22 = arith.constant 0 : index
    %get3A_23 = arith.constant 0 : index
    %get3A_24 = vector.load %arg8[%get3A_22, %get3A_23] : memref<1x16xf32, #tpu.memory_space<vmem>>, vector<1x16xf32>
    %add3A_25 = vector.broadcast %get3A_24 : vector<1x16xf32> to vector<1280x16xf32>
    %add3A_26 = arith.addf %mul3A_21, %add3A_25 : vector<1280x16xf32>
    %max3A = arith.constant 0.000000e+00 : f32
    %max3A_27 = vector.broadcast %max3A : f32 to vector<1280x16xf32>
    %max3A_28 = arith.maximumf %add3A_26, %max3A_27 : vector<1280x16xf32>
    %get3A_29 = arith.constant 0 : index
    %get3A_30 = arith.constant 0 : index
    %get3A_31 = vector.load %arg9[%get3A_29, %get3A_30] : memref<16x128xf32, #tpu.memory_space<vmem>>, vector<16x128xf32>
    %dot_general3A_32 = arith.constant dense<0.000000e+00> : vector<1280x128xf32>
    %dot_general3A_33 = tpu.matmul %max3A_28, %get3A_31, %dot_general3A_32 {dimension_numbers = #tpu.dot_dimension_numbers<[1], [0], [0], [1], [0, 0, 1, 1], [], []>, transpose_lhs_hint = false} : vector<1280x16xf32>, vector<16x128xf32>, vector<1280x128xf32> -> vector<1280x128xf32>
    %get3A_34 = arith.constant 0 : index
    %get3A_35 = arith.constant 0 : index
    %get3A_36 = vector.load %arg10[%get3A_34, %get3A_35] : memref<1x128xf32, #tpu.memory_space<vmem>>, vector<1x128xf32>
    %add3A_37 = vector.broadcast %get3A_36 : vector<1x128xf32> to vector<1280x128xf32>
    %add3A_38 = arith.addf %dot_general3A_33, %add3A_37 : vector<1280x128xf32>
    %get3A_39 = arith.constant 0 : index
    %get3A_40 = arith.constant 0 : index
    %get3A_41 = arith.constant 0 : index
    %get3A_42 = vector.load %arg3[%get3A_39, %get3A_40, %get3A_41] : memref<80x16x128xf32, #tpu.memory_space<vmem>>, vector<80x16x128xf32>
    %reshape3A_43 = vector.shape_cast %get3A_42 : vector<80x16x128xf32> to vector<1280x128xf32>
    %get3A_44 = arith.constant 0 : index
    %get3A_45 = arith.constant 0 : index
    %get3A_46 = arith.constant 0 : index
    %get3A_47 = vector.load %arg4[%get3A_44, %get3A_45, %get3A_46] : memref<80x1x128xf32, #tpu.memory_space<vmem>>, vector<80x1x128xf32>
    %broadcast_in_dim3A_48 = vector.shape_cast %get3A_47 : vector<80x1x128xf32> to vector<80x1x128xf32>
    %broadcast_in_dim3A_49 = vector.broadcast %broadcast_in_dim3A_48 : vector<80x1x128xf32> to vector<80x16x128xf32>
    %reshape3A_50 = vector.shape_cast %broadcast_in_dim3A_49 : vector<80x16x128xf32> to vector<1280x128xf32>
    %sub3A_51 = arith.subf %reshape3A_43, %reshape3A_50 : vector<1280x128xf32>
    %add3A_52 = arith.addf %sub3A_51, %add3A_38 : vector<1280x128xf32>
    %get3A_53 = arith.constant 0 : index
    %get3A_54 = arith.constant 0 : index
    %get3A_55 = vector.load %arg11[%get3A_53, %get3A_54] : memref<1x128xf32, #tpu.memory_space<vmem>>, vector<1x128xf32>
    %mul3A_56 = vector.broadcast %get3A_55 : vector<1x128xf32> to vector<1280x128xf32>
    %mul3A_57 = arith.mulf %add3A_52, %mul3A_56 : vector<1280x128xf32>
    %get3A_58 = arith.constant 0 : index
    %get3A_59 = arith.constant 0 : index
    %get3A_60 = vector.load %arg12[%get3A_58, %get3A_59] : memref<1x128xf32, #tpu.memory_space<vmem>>, vector<1x128xf32>
    %add3A_61 = vector.broadcast %get3A_60 : vector<1x128xf32> to vector<1280x128xf32>
    %add3A_62 = arith.addf %mul3A_57, %add3A_61 : vector<1280x128xf32>
    %max3A_63 = arith.constant 0.000000e+00 : f32
    %max3A_64 = vector.broadcast %max3A_63 : f32 to vector<1280x128xf32>
    %max3A_65 = arith.maximumf %add3A_62, %max3A_64 : vector<1280x128xf32>
    %get3A_66 = arith.constant 0 : index
    %get3A_67 = arith.constant 0 : index
    %get3A_68 = vector.load %arg13[%get3A_66, %get3A_67] : memref<128x16xf32, #tpu.memory_space<vmem>>, vector<128x16xf32>
    %dot_general3A_69 = arith.constant dense<0.000000e+00> : vector<1280x16xf32>
    %dot_general3A_70 = tpu.matmul %max3A_65, %get3A_68, %dot_general3A_69 {dimension_numbers = #tpu.dot_dimension_numbers<[1], [0], [0], [1], [0, 0, 1, 1], [], []>, transpose_lhs_hint = false} : vector<1280x128xf32>, vector<128x16xf32>, vector<1280x16xf32> -> vector<1280x16xf32>
    %get3A_71 = arith.constant 0 : index
    %get3A_72 = arith.constant 0 : index
    %get3A_73 = vector.load %arg14[%get3A_71, %get3A_72] : memref<1x16xf32, #tpu.memory_space<vmem>>, vector<1x16xf32>
    %add3A_74 = vector.broadcast %get3A_73 : vector<1x16xf32> to vector<1280x16xf32>
    %add3A_75 = arith.addf %dot_general3A_70, %add3A_74 : vector<1280x16xf32>
    %reshape3A_76 = vector.shape_cast %add3A_75 : vector<1280x16xf32> to vector<80x16x16xf32>
    %swap3A = arith.constant 0 : index
    %swap3A_77 = arith.constant 0 : index
    %swap3A_78 = arith.constant 0 : index
    %swap3A_79 = vector.load %arg15[%swap3A, %swap3A_77, %swap3A_78] : memref<80x16x16xf32, #tpu.memory_space<vmem>>, vector<80x16x16xf32>
    tpu.vector_store %arg15[%swap3A, %swap3A_77, %swap3A_78], %reshape3A_76 {strides = array<i32>} : memref<80x16x16xf32, #tpu.memory_space<vmem>>, vector<80x16x16xf32>,
    %get3A_80 = arith.constant 0 : index
    %get3A_81 = arith.constant 0 : index
    %get3A_82 = vector.load %arg16[%get3A_80, %get3A_81] : memref<8x16xf32, #tpu.memory_space<vmem>>, vector<1x16xf32>
    %reduce_sum3A = arith.constant dense<0.000000e+00> : vector<16xf32>
    %reduce_sum3A_83 = vector.multi_reduction <add>, %add3A_75, %reduce_sum3A [0] : vector<1280x16xf32> to vector<16xf32>
    %broadcast_in_dim3A_84 = vector.shape_cast %reduce_sum3A_83 : vector<16xf32> to vector<1x16xf32>
    %add3A_85 = arith.addf %get3A_82, %broadcast_in_dim3A_84 : vector<1x16xf32>
    %swap3A_86 = arith.constant 0 : index
    %swap3A_87 = arith.constant 0 : index
    %swap3A_88 = vector.load %arg16[%swap3A_86, %swap3A_87] : memref<8x16xf32, #tpu.memory_space<vmem>>, vector<1x16xf32>
    tpu.vector_store %arg16[%swap3A_86, %swap3A_87], %add3A_85 {strides = array<i32>} : memref<8x16xf32, #tpu.memory_space<vmem>>, vector<1x16xf32>,
    %get3A_89 = arith.constant 1 : index
    %get3A_90 = arith.constant 0 : index
    %get3A_91 = vector.load %arg16[%get3A_89, %get3A_90] : memref<8x16xf32, #tpu.memory_space<vmem>>, vector<1x16xf32>
    %mul3A_92 = arith.mulf %add3A_75, %add3A_75 : vector<1280x16xf32>
    %reduce_sum3A_93 = arith.constant dense<0.000000e+00> : vector<16xf32>
    %reduce_sum3A_94 = vector.multi_reduction <add>, %mul3A_92, %reduce_sum3A_93 [0] : vector<1280x16xf32> to vector<16xf32>
    %broadcast_in_dim3A_95 = vector.shape_cast %reduce_sum3A_94 : vector<16xf32> to vector<1x16xf32>
    %add3A_96 = arith.addf %get3A_91, %broadcast_in_dim3A_95 : vector<1x16xf32>
    %swap3A_97 = arith.constant 1 : index
    %swap3A_98 = arith.constant 0 : index
    %swap3A_99 = vector.load %arg16[%swap3A_97, %swap3A_98] : memref<8x16xf32, #tpu.memory_space<vmem>>, vector<1x16xf32>
    tpu.vector_store %arg16[%swap3A_97, %swap3A_98], %add3A_96 {strides = array<i32>} : memref<8x16xf32, #tpu.memory_space<vmem>>, vector<1x16xf32>,
    return
  }
  func.func @transform_0(%arg0: i32) -> (i32, i32, i32) {
    %c0_i32 = arith.constant 0 : i32
    %c0_i32_0 = arith.constant 0 : i32
    %c0_i32_1 = arith.constant 0 : i32
    return %arg0, %c0_i32, %c0_i32_0 : i32, i32, i32
  }
  func.func @transform_1(%arg0: i32) -> (i32, i32, i32) {
    %c0_i32 = arith.constant 0 : i32
    %c0_i32_0 = arith.constant 0 : i32
    %c0_i32_1 = arith.constant 0 : i32
    return %arg0, %c0_i32, %c0_i32_0 : i32, i32, i32
  }
  func.func @transform_2(%arg0: i32) -> (i32, i32, i32) {
    %c0_i32 = arith.constant 0 : i32
    %c0_i32_0 = arith.constant 0 : i32
    %c0_i32_1 = arith.constant 0 : i32
    return %arg0, %c0_i32, %c0_i32_0 : i32, i32, i32
  }
  func.func @transform_3(%arg0: i32) -> (i32, i32, i32) {
    %c0_i32 = arith.constant 0 : i32
    %c0_i32_0 = arith.constant 0 : i32
    %c0_i32_1 = arith.constant 0 : i32
    return %arg0, %c0_i32, %c0_i32_0 : i32, i32, i32
  }
  func.func @transform_4(%arg0: i32) -> (i32, i32) {
    %c0_i32 = arith.constant 0 : i32
    %c0_i32_0 = arith.constant 0 : i32
    %c0_i32_1 = arith.constant 0 : i32
    return %c0_i32, %c0_i32_0 : i32, i32
  }
  func.func @transform_5(%arg0: i32) -> (i32, i32) {
    %c0_i32 = arith.constant 0 : i32
    %c0_i32_0 = arith.constant 0 : i32
    %c0_i32_1 = arith.constant 0 : i32
    return %c0_i32, %c0_i32_0 : i32, i32
  }
  func.func @transform_6(%arg0: i32) -> (i32, i32) {
    %c0_i32 = arith.constant 0 : i32
    %c0_i32_0 = arith.constant 0 : i32
    %c0_i32_1 = arith.constant 0 : i32
    return %c0_i32, %c0_i32_0 : i32, i32
  }
  func.func @transform_7(%arg0: i32) -> (i32, i32) {
    %c0_i32 = arith.constant 0 : i32
    %c0_i32_0 = arith.constant 0 : i32
    %c0_i32_1 = arith.constant 0 : i32
    return %c0_i32, %c0_i32_0 : i32, i32
  }
  func.func @transform_8(%arg0: i32) -> (i32, i32) {
    %c0_i32 = arith.constant 0 : i32
    %c0_i32_0 = arith.constant 0 : i32
    %c0_i32_1 = arith.constant 0 : i32
    return %c0_i32, %c0_i32_0 : i32, i32
  }
  func.func @transform_9(%arg0: i32) -> (i32, i32) {
    %c0_i32 = arith.constant 0 : i32
    %c0_i32_0 = arith.constant 0 : i32
    %c0_i32_1 = arith.constant 0 : i32
    return %c0_i32, %c0_i32_0 : i32, i32
  }
  func.func @transform_10(%arg0: i32) -> (i32, i32) {
    %c0_i32 = arith.constant 0 : i32
    %c0_i32_0 = arith.constant 0 : i32
    %c0_i32_1 = arith.constant 0 : i32
    return %c0_i32, %c0_i32_0 : i32, i32
  }
  func.func @transform_11(%arg0: i32) -> (i32, i32) {
    %c0_i32 = arith.constant 0 : i32
    %c0_i32_0 = arith.constant 0 : i32
    %c0_i32_1 = arith.constant 0 : i32
    return %c0_i32, %c0_i32_0 : i32, i32
  }
  func.func @transform_12(%arg0: i32) -> (i32, i32) {
    %c0_i32 = arith.constant 0 : i32
    %c0_i32_0 = arith.constant 0 : i32
    %c0_i32_1 = arith.constant 0 : i32
    return %c0_i32, %c0_i32_0 : i32, i32
  }
  func.func @transform_13(%arg0: i32) -> (i32, i32) {
    %c0_i32 = arith.constant 0 : i32
    %c0_i32_0 = arith.constant 0 : i32
    %c0_i32_1 = arith.constant 0 : i32
    return %c0_i32, %c0_i32_0 : i32, i32
  }
  func.func @transform_14(%arg0: i32) -> (i32, i32, i32) {
    %c0_i32 = arith.constant 0 : i32
    %c0_i32_0 = arith.constant 0 : i32
    %c0_i32_1 = arith.constant 0 : i32
    return %arg0, %c0_i32, %c0_i32_0 : i32, i32, i32
  }
  func.func @transform_15(%arg0: i32) -> (i32, i32) {
    %c0_i32 = arith.constant 0 : i32
    %c0_i32_0 = arith.constant 0 : i32
    %c0_i32_1 = arith.constant 0 : i32
    return %c0_i32, %c0_i32_0 : i32, i32
  }
}

module attributes {stable_mosaic.version = 14 : i64} {
  func.func @_final_body(%arg0: i32, %arg1: memref<80x16x16xf32, #tpu.memory_space<vmem>>, %arg2: memref<80x16x128xf32, #tpu.memory_space<vmem>>, %arg3: memref<80x16x128xf32, #tpu.memory_space<vmem>>, %arg4: memref<80x1x128xf32, #tpu.memory_space<vmem>>, %arg5: memref<128x16xf32, #tpu.memory_space<vmem>>, %arg6: memref<1x16xf32, #tpu.memory_space<vmem>>, %arg7: memref<1x16xf32, #tpu.memory_space<vmem>>, %arg8: memref<1x16xf32, #tpu.memory_space<vmem>>, %arg9: memref<16x128xf32, #tpu.memory_space<vmem>>, %arg10: memref<1x128xf32, #tpu.memory_space<vmem>>, %arg11: memref<1x16xf32, #tpu.memory_space<vmem>>, %arg12: memref<1x16xf32, #tpu.memory_space<vmem>>, %arg13: memref<16x16xf32, #tpu.memory_space<vmem>>, %arg14: memref<1x16xf32, #tpu.memory_space<vmem>>, %arg15: memref<16x128xf32, #tpu.memory_space<vmem>>, %arg16: memref<80x128xf32, #tpu.memory_space<vmem>>) attributes {dimension_semantics = [#tpu.dimension_semantics<arbitrary>], iteration_bounds = array<i64: 125>, scalar_prefetch = 0 : i64, scratch_operands = 0 : i64, tpu.core_type = #tpu.core_type<tc>, window_params = [{transform_indices = @transform_0, window_bounds = array<i64: 80, 16, 16>}, {transform_indices = @transform_1, window_bounds = array<i64: 80, 16, 128>}, {transform_indices = @transform_2, window_bounds = array<i64: 80, 16, 128>}, {transform_indices = @transform_3, window_bounds = array<i64: 80, 1, 128>}, {pipeline_mode = #tpu.pipeline_mode<synchronous>, transform_indices = @transform_4, window_bounds = array<i64: 128, 16>}, {pipeline_mode = #tpu.pipeline_mode<synchronous>, transform_indices = @transform_5, window_bounds = array<i64: 1, 16>}, {pipeline_mode = #tpu.pipeline_mode<synchronous>, transform_indices = @transform_6, window_bounds = array<i64: 1, 16>}, {pipeline_mode = #tpu.pipeline_mode<synchronous>, transform_indices = @transform_7, window_bounds = array<i64: 1, 16>}, {pipeline_mode = #tpu.pipeline_mode<synchronous>, transform_indices = @transform_8, window_bounds = array<i64: 16, 128>}, {pipeline_mode = #tpu.pipeline_mode<synchronous>, transform_indices = @transform_9, window_bounds = array<i64: 1, 128>}, {pipeline_mode = #tpu.pipeline_mode<synchronous>, transform_indices = @transform_10, window_bounds = array<i64: 1, 16>}, {pipeline_mode = #tpu.pipeline_mode<synchronous>, transform_indices = @transform_11, window_bounds = array<i64: 1, 16>}, {pipeline_mode = #tpu.pipeline_mode<synchronous>, transform_indices = @transform_12, window_bounds = array<i64: 16, 16>}, {pipeline_mode = #tpu.pipeline_mode<synchronous>, transform_indices = @transform_13, window_bounds = array<i64: 1, 16>}, {pipeline_mode = #tpu.pipeline_mode<synchronous>, transform_indices = @transform_14, window_bounds = array<i64: 16, 128>}, {transform_indices = @transform_15, window_bounds = array<i64: 80, 128>}]} {
    %get3A = arith.constant 0 : index
    %get3A_0 = arith.constant 0 : index
    %get3A_1 = arith.constant 0 : index
    %get3A_2 = vector.load %arg1[%get3A, %get3A_0, %get3A_1] : memref<80x16x16xf32, #tpu.memory_space<vmem>>, vector<80x16x16xf32>
    %reshape3A = vector.shape_cast %get3A_2 : vector<80x16x16xf32> to vector<1280x16xf32>
    %get3A_3 = arith.constant 0 : index
    %get3A_4 = arith.constant 0 : index
    %get3A_5 = vector.load %arg11[%get3A_3, %get3A_4] : memref<1x16xf32, #tpu.memory_space<vmem>>, vector<1x16xf32>
    %mul3A = vector.broadcast %get3A_5 : vector<1x16xf32> to vector<1280x16xf32>
    %mul3A_6 = arith.mulf %reshape3A, %mul3A : vector<1280x16xf32>
    %get3A_7 = arith.constant 0 : index
    %get3A_8 = arith.constant 0 : index
    %get3A_9 = vector.load %arg12[%get3A_7, %get3A_8] : memref<1x16xf32, #tpu.memory_space<vmem>>, vector<1x16xf32>
    %add3A = vector.broadcast %get3A_9 : vector<1x16xf32> to vector<1280x16xf32>
    %add3A_10 = arith.addf %mul3A_6, %add3A : vector<1280x16xf32>
    %max3A = arith.constant 0.000000e+00 : f32
    %max3A_11 = vector.broadcast %max3A : f32 to vector<1280x16xf32>
    %max3A_12 = arith.maximumf %add3A_10, %max3A_11 : vector<1280x16xf32>
    %get3A_13 = arith.constant 0 : index
    %get3A_14 = arith.constant 0 : index
    %get3A_15 = vector.load %arg13[%get3A_13, %get3A_14] : memref<16x16xf32, #tpu.memory_space<vmem>>, vector<16x16xf32>
    %dot_general3A = arith.constant dense<0.000000e+00> : vector<1280x16xf32>
    %dot_general3A_16 = tpu.matmul %max3A_12, %get3A_15, %dot_general3A {dimension_numbers = #tpu.dot_dimension_numbers<[1], [0], [0], [1], [0, 0, 1, 1], [], []>, transpose_lhs_hint = false} : vector<1280x16xf32>, vector<16x16xf32>, vector<1280x16xf32> -> vector<1280x16xf32>
    %get3A_17 = arith.constant 0 : index
    %get3A_18 = arith.constant 0 : index
    %get3A_19 = vector.load %arg14[%get3A_17, %get3A_18] : memref<1x16xf32, #tpu.memory_space<vmem>>, vector<1x16xf32>
    %add3A_20 = vector.broadcast %get3A_19 : vector<1x16xf32> to vector<1280x16xf32>
    %add3A_21 = arith.addf %dot_general3A_16, %add3A_20 : vector<1280x16xf32>
    %reshape3A_22 = vector.shape_cast %add3A_21 : vector<1280x16xf32> to vector<80x16x16xf32>
    %reduce_max3A = arith.constant dense<0xFF800000> : vector<80x16xf32>
    %reduce_max3A_23 = vector.multi_reduction <maximumf>, %reshape3A_22, %reduce_max3A [1] : vector<80x16x16xf32> to vector<80x16xf32>
    %broadcast_in_dim3A = vector.shape_cast %reduce_max3A_23 : vector<80x16xf32> to vector<80x1x16xf32>
    %sub3A = vector.broadcast %broadcast_in_dim3A : vector<80x1x16xf32> to vector<80x16x16xf32>
    %sub3A_24 = arith.subf %reshape3A_22, %sub3A : vector<80x16x16xf32>
    %exp3A = math.exp %sub3A_24 : vector<80x16x16xf32>
    %reduce_sum3A = arith.constant dense<0.000000e+00> : vector<80x16xf32>
    %reduce_sum3A_25 = vector.multi_reduction <add>, %exp3A, %reduce_sum3A [1] : vector<80x16x16xf32> to vector<80x16xf32>
    %broadcast_in_dim3A_26 = vector.shape_cast %reduce_sum3A_25 : vector<80x16xf32> to vector<80x1x16xf32>
    %div3A = vector.broadcast %broadcast_in_dim3A_26 : vector<80x1x16xf32> to vector<80x16x16xf32>
    %div3A_27 = arith.divf %exp3A, %div3A : vector<80x16x16xf32>
    %reshape3A_28 = vector.shape_cast %div3A_27 : vector<80x16x16xf32> to vector<1280x16xf32>
    %get3A_29 = arith.constant 0 : index
    %get3A_30 = arith.constant 0 : index
    %get3A_31 = vector.load %arg15[%get3A_29, %get3A_30] : memref<16x128xf32, #tpu.memory_space<vmem>>, vector<16x128xf32>
    %dot_general3A_32 = arith.constant dense<0.000000e+00> : vector<1280x128xf32>
    %dot_general3A_33 = tpu.matmul %reshape3A_28, %get3A_31, %dot_general3A_32 {dimension_numbers = #tpu.dot_dimension_numbers<[1], [0], [0], [1], [0, 0, 1, 1], [], []>, transpose_lhs_hint = false} : vector<1280x16xf32>, vector<16x128xf32>, vector<1280x128xf32> -> vector<1280x128xf32>
    %reshape3A_34 = vector.shape_cast %dot_general3A_33 : vector<1280x128xf32> to vector<80x16x128xf32>
    %get3A_35 = arith.constant 0 : index
    %get3A_36 = arith.constant 0 : index
    %get3A_37 = arith.constant 0 : index
    %get3A_38 = vector.load %arg3[%get3A_35, %get3A_36, %get3A_37] : memref<80x16x128xf32, #tpu.memory_space<vmem>>, vector<80x16x128xf32>
    %get3A_39 = arith.constant 0 : index
    %get3A_40 = arith.constant 0 : index
    %get3A_41 = arith.constant 0 : index
    %get3A_42 = vector.load %arg4[%get3A_39, %get3A_40, %get3A_41] : memref<80x1x128xf32, #tpu.memory_space<vmem>>, vector<80x1x128xf32>
    %broadcast_in_dim3A_43 = vector.shape_cast %get3A_42 : vector<80x1x128xf32> to vector<80x1x128xf32>
    %broadcast_in_dim3A_44 = vector.broadcast %broadcast_in_dim3A_43 : vector<80x1x128xf32> to vector<80x16x128xf32>
    %sub3A_45 = arith.subf %get3A_38, %broadcast_in_dim3A_44 : vector<80x16x128xf32>
    %reshape3A_46 = vector.shape_cast %sub3A_45 : vector<80x16x128xf32> to vector<1280x128xf32>
    %get3A_47 = arith.constant 0 : index
    %get3A_48 = arith.constant 0 : index
    %get3A_49 = vector.load %arg5[%get3A_47, %get3A_48] : memref<128x16xf32, #tpu.memory_space<vmem>>, vector<128x16xf32>
    %dot_general3A_50 = arith.constant dense<0.000000e+00> : vector<1280x16xf32>
    %dot_general3A_51 = tpu.matmul %reshape3A_46, %get3A_49, %dot_general3A_50 {dimension_numbers = #tpu.dot_dimension_numbers<[1], [0], [0], [1], [0, 0, 1, 1], [], []>, transpose_lhs_hint = false} : vector<1280x128xf32>, vector<128x16xf32>, vector<1280x16xf32> -> vector<1280x16xf32>
    %get3A_52 = arith.constant 0 : index
    %get3A_53 = arith.constant 0 : index
    %get3A_54 = vector.load %arg6[%get3A_52, %get3A_53] : memref<1x16xf32, #tpu.memory_space<vmem>>, vector<1x16xf32>
    %add3A_55 = vector.broadcast %get3A_54 : vector<1x16xf32> to vector<1280x16xf32>
    %add3A_56 = arith.addf %dot_general3A_51, %add3A_55 : vector<1280x16xf32>
    %get3A_57 = arith.constant 0 : index
    %get3A_58 = arith.constant 0 : index
    %get3A_59 = vector.load %arg7[%get3A_57, %get3A_58] : memref<1x16xf32, #tpu.memory_space<vmem>>, vector<1x16xf32>
    %mul3A_60 = vector.broadcast %get3A_59 : vector<1x16xf32> to vector<1280x16xf32>
    %mul3A_61 = arith.mulf %add3A_56, %mul3A_60 : vector<1280x16xf32>
    %get3A_62 = arith.constant 0 : index
    %get3A_63 = arith.constant 0 : index
    %get3A_64 = vector.load %arg8[%get3A_62, %get3A_63] : memref<1x16xf32, #tpu.memory_space<vmem>>, vector<1x16xf32>
    %add3A_65 = vector.broadcast %get3A_64 : vector<1x16xf32> to vector<1280x16xf32>
    %add3A_66 = arith.addf %mul3A_61, %add3A_65 : vector<1280x16xf32>
    %max3A_67 = arith.constant 0.000000e+00 : f32
    %max3A_68 = vector.broadcast %max3A_67 : f32 to vector<1280x16xf32>
    %max3A_69 = arith.maximumf %add3A_66, %max3A_68 : vector<1280x16xf32>
    %get3A_70 = arith.constant 0 : index
    %get3A_71 = arith.constant 0 : index
    %get3A_72 = vector.load %arg9[%get3A_70, %get3A_71] : memref<16x128xf32, #tpu.memory_space<vmem>>, vector<16x128xf32>
    %dot_general3A_73 = arith.constant dense<0.000000e+00> : vector<1280x128xf32>
    %dot_general3A_74 = tpu.matmul %max3A_69, %get3A_72, %dot_general3A_73 {dimension_numbers = #tpu.dot_dimension_numbers<[1], [0], [0], [1], [0, 0, 1, 1], [], []>, transpose_lhs_hint = false} : vector<1280x16xf32>, vector<16x128xf32>, vector<1280x128xf32> -> vector<1280x128xf32>
    %get3A_75 = arith.constant 0 : index
    %get3A_76 = arith.constant 0 : index
    %get3A_77 = vector.load %arg10[%get3A_75, %get3A_76] : memref<1x128xf32, #tpu.memory_space<vmem>>, vector<1x128xf32>
    %add3A_78 = vector.broadcast %get3A_77 : vector<1x128xf32> to vector<1280x128xf32>
    %add3A_79 = arith.addf %dot_general3A_74, %add3A_78 : vector<1280x128xf32>
    %reshape3A_80 = vector.shape_cast %add3A_79 : vector<1280x128xf32> to vector<80x16x128xf32>
    %get3A_81 = arith.constant 0 : index
    %get3A_82 = arith.constant 0 : index
    %get3A_83 = arith.constant 0 : index
    %get3A_84 = vector.load %arg2[%get3A_81, %get3A_82, %get3A_83] : memref<80x16x128xf32, #tpu.memory_space<vmem>>, vector<80x16x128xf32>
    %add3A_85 = arith.addf %get3A_84, %reshape3A_80 : vector<80x16x128xf32>
    %mul3A_86 = arith.mulf %add3A_85, %reshape3A_34 : vector<80x16x128xf32>
    %reduce_sum3A_87 = arith.constant dense<0.000000e+00> : vector<80x128xf32>
    %reduce_sum3A_88 = vector.multi_reduction <add>, %mul3A_86, %reduce_sum3A_87 [1] : vector<80x16x128xf32> to vector<80x128xf32>
    %swap3A = arith.constant 0 : index
    %swap3A_89 = arith.constant 0 : index
    %swap3A_90 = vector.load %arg16[%swap3A, %swap3A_89] : memref<80x128xf32, #tpu.memory_space<vmem>>, vector<80x128xf32>
    tpu.vector_store %arg16[%swap3A, %swap3A_89], %reduce_sum3A_88 {strides = array<i32>} : memref<80x128xf32, #tpu.memory_space<vmem>>, vector<80x128xf32>,
    return
  }
  func.func @transform_0(%arg0: i32) -> (i32, i32, i32) {
    %c0_i32 = arith.constant 0 : i32
    %c0_i32_0 = arith.constant 0 : i32
    %c0_i32_1 = arith.constant 0 : i32
    return %arg0, %c0_i32, %c0_i32_0 : i32, i32, i32
  }
  func.func @transform_1(%arg0: i32) -> (i32, i32, i32) {
    %c0_i32 = arith.constant 0 : i32
    %c0_i32_0 = arith.constant 0 : i32
    %c0_i32_1 = arith.constant 0 : i32
    return %arg0, %c0_i32, %c0_i32_0 : i32, i32, i32
  }
  func.func @transform_2(%arg0: i32) -> (i32, i32, i32) {
    %c0_i32 = arith.constant 0 : i32
    %c0_i32_0 = arith.constant 0 : i32
    %c0_i32_1 = arith.constant 0 : i32
    return %arg0, %c0_i32, %c0_i32_0 : i32, i32, i32
  }
  func.func @transform_3(%arg0: i32) -> (i32, i32, i32) {
    %c0_i32 = arith.constant 0 : i32
    %c0_i32_0 = arith.constant 0 : i32
    %c0_i32_1 = arith.constant 0 : i32
    return %arg0, %c0_i32, %c0_i32_0 : i32, i32, i32
  }
  func.func @transform_4(%arg0: i32) -> (i32, i32) {
    %c0_i32 = arith.constant 0 : i32
    %c0_i32_0 = arith.constant 0 : i32
    %c0_i32_1 = arith.constant 0 : i32
    return %c0_i32, %c0_i32_0 : i32, i32
  }
  func.func @transform_5(%arg0: i32) -> (i32, i32) {
    %c0_i32 = arith.constant 0 : i32
    %c0_i32_0 = arith.constant 0 : i32
    %c0_i32_1 = arith.constant 0 : i32
    return %c0_i32, %c0_i32_0 : i32, i32
  }
  func.func @transform_6(%arg0: i32) -> (i32, i32) {
    %c0_i32 = arith.constant 0 : i32
    %c0_i32_0 = arith.constant 0 : i32
    %c0_i32_1 = arith.constant 0 : i32
    return %c0_i32, %c0_i32_0 : i32, i32
  }
  func.func @transform_7(%arg0: i32) -> (i32, i32) {
    %c0_i32 = arith.constant 0 : i32
    %c0_i32_0 = arith.constant 0 : i32
    %c0_i32_1 = arith.constant 0 : i32
    return %c0_i32, %c0_i32_0 : i32, i32
  }
  func.func @transform_8(%arg0: i32) -> (i32, i32) {
    %c0_i32 = arith.constant 0 : i32
    %c0_i32_0 = arith.constant 0 : i32
    %c0_i32_1 = arith.constant 0 : i32
    return %c0_i32, %c0_i32_0 : i32, i32
  }
  func.func @transform_9(%arg0: i32) -> (i32, i32) {
    %c0_i32 = arith.constant 0 : i32
    %c0_i32_0 = arith.constant 0 : i32
    %c0_i32_1 = arith.constant 0 : i32
    return %c0_i32, %c0_i32_0 : i32, i32
  }
  func.func @transform_10(%arg0: i32) -> (i32, i32) {
    %c0_i32 = arith.constant 0 : i32
    %c0_i32_0 = arith.constant 0 : i32
    %c0_i32_1 = arith.constant 0 : i32
    return %c0_i32, %c0_i32_0 : i32, i32
  }
  func.func @transform_11(%arg0: i32) -> (i32, i32) {
    %c0_i32 = arith.constant 0 : i32
    %c0_i32_0 = arith.constant 0 : i32
    %c0_i32_1 = arith.constant 0 : i32
    return %c0_i32, %c0_i32_0 : i32, i32
  }
  func.func @transform_12(%arg0: i32) -> (i32, i32) {
    %c0_i32 = arith.constant 0 : i32
    %c0_i32_0 = arith.constant 0 : i32
    %c0_i32_1 = arith.constant 0 : i32
    return %c0_i32, %c0_i32_0 : i32, i32
  }
  func.func @transform_13(%arg0: i32) -> (i32, i32) {
    %c0_i32 = arith.constant 0 : i32
    %c0_i32_0 = arith.constant 0 : i32
    %c0_i32_1 = arith.constant 0 : i32
    return %c0_i32, %c0_i32_0 : i32, i32
  }
  func.func @transform_14(%arg0: i32) -> (i32, i32) {
    %c0_i32 = arith.constant 0 : i32
    %c0_i32_0 = arith.constant 0 : i32
    %c0_i32_1 = arith.constant 0 : i32
    return %c0_i32, %c0_i32_0 : i32, i32
  }
  func.func @transform_15(%arg0: i32) -> (i32, i32) {
    %c0_i32 = arith.constant 0 : i32
    %c0_i32_0 = arith.constant 0 : i32
    return %arg0, %c0_i32 : i32, i32
  }
}

</mosaic_0001>

<sc_bundles>
// kernel: kernel.9.cloned.1.call-start
scs
__scs_entry_jumppad:
0x0: {  	(pc) =	sbr.rel $0x88, $3  }
0x1: {  	(tag) =	ssettag $0x0;
	lr =	simm.s32 $0x1  }
0x2: {  	[smem:$0x3F8B] =	sst lr;
	_ =	strace $0xD0000000  }
0x3: {  	_ = 	snop  }
0x4: {  	_ = 	snop  }
0x5: {  	_ = 	snop  }
0x6: {  	_ = 	snop  }
0x7: {  	_ = 	snop  }
__scs_overlays_trampoline_lowered:
0x8: {  	[smem:$0x3F9A] =	sst s0  }
0x9: {  	[smem:$0x3F9B] =	sst s1  }
0xa: {  	[smem:$0x3F9C] =	sst s2  }
0xb: {  	[smem:$0x3F9D] =	sst s3  }
0xc: {  	[smem:$0x3F9E] =	sst s4  }
0xd: {  	[smem:$0x3F9F] =	sst s5  }
0xe: {  	[smem:$0x3FA0] =	sst s6  }
0xf: {  	[smem:$0x3FA1] =	sst s7  }
0x10: {  	[smem:$0x3FA2] =	sst s8  }
0x11: {  	[smem:$0x3FA3] =	sst s9;
	s0 =	simm.s32 @!p0 $0x0  }
0x12: {  	s1 =	sld [smem:$0x3F89];
	s0 =	simm.s32 @p0 $0x1  }
0x13: {  	[smem:$0x3FA4] =	sst s0;
	s0 =	simm.s32 @!p1 $0x0  }
0x14: {  	s2 =	sld [smem:$0x3F88];
	s0 =	simm.s32 @p1 $0x1  }
0x15: {  	[smem:$0x3FA5] =	sst s0;
	s0 =	simm.s32 @!p2 $0x0  }
0x16: {  	s3 =	sld [smem:$0x3FDB];
	s0 =	simm.s32 @p2 $0x1  }
0x17: {  	s4 =	simm.s32 $0x1BF5;
	[smem:$0x3FA7] =	sst s0  }
0x18: {  	s0 =	sld [smem:$0x3F8A];
	_ =	swait.ge [sflag:s4], $0x0  }
0x19: {  	s7 =	sld [smem:$0x3F8B]  }
0x1a: {  	s8 =	sadd.s32 $0xFFFFE003, lr  }
0x1b: {  	s9 =	sadd.s32 $0xFFFFFEF7, lr;
	s5 =	simm.s32 $0xFFFFFFFF;
	p2 =	slt.u32 s8, $0xFFFFF086  }
0x1c: {  	p1 =	slt.u32 s9, $0xF7A;
	s5 =	simm.s32 @!p2 $0x0  }
0x1d: {  	s5 =	simm.s32 @p1 $0x1;
	p0 =	seq.s32 s7, s2  }
0x1e: {  	s7 =	smul.u32 @!p0 $0xF7A, s2;
	p2 =	seq.s32 @!p0 s5, $0x0  }
0x1f: {  	s9 =	smul.u32 $0xF7A, s1;
	s8 =	simm.s32 @!p0 $0x1BF5;
	p2 =	por !p2, p0  }
0x20: {  	[sflag:s8] =	ssyncset.s32 @!p0 $0xFFFFF086;
	s6 =	sadd.s32 @!p0 s3, s7;
	s7 =	simm.s32 @!p0 $0x108  }
0x21: {  	s3 =	sadd.s32 s3, s9;
	s6 =	sadd.s32 @!p0 $0x88, s6;
	s7 =	simm.s32 @p2 $0x1082  }
0x22: {  	[simem:s7], [sflag:s8] =	dma.local @!p0 [hbm:s6], $0xF7A  }
0x23: {  	s9 =	sor.u32 $0xD0000000, s2;
	s6 =	simm.s32 $0x108;
	_ =	swait.ge @!p0 [sflag:s8], $0x0  }
0x24: {  	s3 =	sadd.s32 $0x88, s3;
	s6 =	simm.s32 @!p1 $0x1082;
	[sflag:s4] =	ssyncset.s32 $0xFFFFF086  }
0x25: {  	[simem:s6], [sflag:s4] =	dma.local [hbm:s3], $0xF7A  }
0x26: {  	[smem:$0x3F8B] =	sst s1;
	(tag) =	ssettag s2;
	_ =	strace s9  }
0x27: {  	s1 =	sld [smem:$0x3F9B]  }
0x28: {  	s2 =	sld [smem:$0x3F9C]  }
0x29: {  	s4 =	sld [smem:$0x3F9E]  }
0x2a: {  	p0 =	seq.s32 s5, $0x0;
	s5 =	sld [smem:$0x3F9F]  }
0x2b: {  	s6 =	sld [smem:$0x3FA0]  }
0x2c: {  	s7 =	sld [smem:$0x3FA1]  }
0x2d: {  	s3 =	simm.s32 $0x108;
	s8 =	sld [smem:$0x3FA2]  }
0x2e: {  	s3 =	simm.s32 @!p0 $0x1082;
	s9 =	sld [smem:$0x3FA3]  }
0x2f: {  	lr =	sadd.s32 s0, s3;
	s0 =	sld [smem:$0x3F9A]  }
0x30: {  	s3 =	sld [smem:$0x3F9D]  }
0x31: {  	[smem:$0x3FA6] =	sst s10  }
0x32: {  	s10 =	sld [smem:$0x3FA4];
	_ =	sdelay $0x3  }
0x33: {  	p0 =	seq.s32 s10, $0x1;
	s10 =	sld [smem:$0x3FA6];
	_ =	sdelay $0x3  }
0x34: {  	[smem:$0x3FA6] =	sst s10  }
0x35: {  	s10 =	sld [smem:$0x3FA5];
	_ =	sdelay $0x3  }
0x36: {  	p1 =	seq.s32 s10, $0x1;
	s10 =	sld [smem:$0x3FA6];
	_ =	sdelay $0x3  }
0x37: {  	[smem:$0x3FA6] =	sst s10  }
0x38: {  	s10 =	sld [smem:$0x3FA7]  }
0x39: {  	_ = 	snop;
	(pc) =	sbr.ind lr, $3  }
0x3a: {  	_ = 	snop  }
0x3b: {  	_ = 	snop  }
0x3c: {  	p2 =	seq.s32 s10, $0x1;
	s10 =	sld [smem:$0x3FA6]  }
0x3d: {  	_ =	shalt  }
0x3e: {  	_ =	shalt  }
0x3f: {  	_ =	shalt  }
0x40: {  	_ =	shalt  }
0x41: {  	_ =	shalt  }
0x42: {  	_ =	shalt  }
0x43: {  	_ =	shalt  }
0x44: {  	_ =	shalt  }
0x45: {  	_ =	shalt  }
0x46: {  	_ =	shalt  }
0x47: {  	_ =	shalt  }
0x48: {  	_ =	shalt  }
0x49: {  	_ =	shalt  }
0x4a: {  	_ =	shalt  }
0x4b: {  	_ =	shalt  }
0x4c: {  	_ =	shalt  }
0x4d: {  	_ =	shalt  }
0x4e: {  	_ =	shalt  }
0x4f: {  	_ =	shalt  }
0x50: {  	_ =	shalt  }
0x51: {  	_ =	shalt  }
0x52: {  	_ =	shalt  }
0x53: {  	_ =	shalt  }
0x54: {  	_ =	shalt  }
0x55: {  	_ =	shalt  }
0x56: {  	_ =	shalt  }
0x57: {  	_ =	shalt  }
0x58: {  	_ =	shalt  }
0x59: {  	_ =	shalt  }
0x5a: {  	_ =	shalt  }
0x5b: {  	_ =	shalt  }
0x5c: {  	_ =	shalt  }
0x5d: {  	_ =	shalt  }
0x5e: {  	_ =	shalt  }
0x5f: {  	_ =	shalt  }
0x60: {  	_ =	shalt  }
0x61: {  	_ =	shalt  }
0x62: {  	_ =	shalt  }
0x63: {  	_ =	shalt  }
0x64: {  	_ =	shalt  }
0x65: {  	_ =	shalt  }
0x66: {  	_ =	shalt  }
0x67: {  	_ =	shalt  }
0x68: {  	_ =	shalt  }
0x69: {  	_ =	shalt  }
0x6a: {  	_ =	shalt  }
0x6b: {  	_ =	shalt  }
0x6c: {  	_ =	shalt  }
0x6d: {  	_ =	shalt  }
0x6e: {  	_ =	shalt  }
0x6f: {  	_ =	shalt  }
0x70: {  	_ =	shalt  }
0x71: {  	_ =	shalt  }
0x72: {  	_ =	shalt  }
0x73: {  	_ =	shalt  }
0x74: {  	_ =	shalt  }
0x75: {  	_ =	shalt  }
0x76: {  	_ =	shalt  }
0x77: {  	_ =	shalt  }
0x78: {  	_ =	shalt  }
0x79: {  	_ =	shalt  }
0x7a: {  	_ =	shalt  }
0x7b: {  	_ =	shalt  }
0x7c: {  	_ =	shalt  }
0x7d: {  	_ =	shalt  }
0x7e: {  	_ =	shalt  }
0x7f: {  	_ =	shalt  }
0x80: {  	_ =	shalt  }
0x81: {  	_ =	shalt  }
0x82: {  	_ =	shalt  }
0x83: {  	_ =	shalt  }
0x84: {  	_ =	shalt  }
0x85: {  	_ =	shalt  }
0x86: {  	_ =	shalt  }
0x87: {  	_ =	shalt  }
.Lfunc_end0:
.L_simem_size_0:
called_computation_lowered:
.L_overlay_start_0:
0x88: {  	s2 =	sld [smem:$0x3FD9]  }
0x89: {  	s3 =	sld [smem:$0x3FFE];
	_ =	sdelay $0x1  }
0x8a: {  	s1 =	srdreg.scid  }
0x8b: {  	s0 =	sand.u32 $0x1, s1  }
0x8c: {  	s17 =	sshll.u32 s0, $0xA;
	s2 =	sadd.s32 s3, s2  }
0x8d: {  	s2 =	sadd.s32 s2, s17  }
0x8e: {  	[smem:$0x3FB2] =	sst s2  }
0x8f: {  	_ = 	snop  }
0x90: {  	s2 =	sld [smem:$0x3FD0];
	(tm) =	ssettm $0x1  }
0x91: {  	s18 =	sld [smem:$0x3FFB];
	_ =	sdelay $0x3  }
0x92: {  	_ =	strace s18  }
0x93: {  	s3 =	sld [smem:$0x3FFC];
	_ =	sdelay $0x3  }
0x94: {  	_ =	strace s3  }
0x95: {  	s3 =	sld [smem:$0x3FFD];
	_ =	sdelay $0x3  }
0x96: {  	_ =	strace s3  }
0x97: {  	_ =	strace $0x8FFFFFFF  }
0x98: {  	s19 =	sld [smem:$0x3FDB];
	_ =	sdelay $0x1  }
0x99: {  	s4 =	simm.s32 $_scs_section_size  }
0x9a: {  	s5 =	simm.s32 $_size__tile_overlayer_lowered;
	s6 =	simm.s32 $_tile_overlayer_lowered  }
0x9b: {  	s22 =	simm.s32 $0x1BFF;
	s21 =	sshll.u32 s6, $0x1;
	s3 =	sadd.s32 s4, s19  }
0x9c: {  	s7 =	simm.s32 $0x0;
	s20 =	sshll.u32 s5, $0x1;
	s5 =	sadd.s32 s21, s3  }
0x9d: {  	[timem:s7], [sflag:s22] =	dma.local [hbm:s5], s20  }
0x9e: {  	_ =	swait.ge [sflag:s22], s20  }
0x9f: {  	s4 =	ssub.s32 $0x0, s20;
	[sflag:s22] =	ssyncset.done $0x0  }
0xa0: {  	[sflag:s22] =	ssyncadd.s32 s4;
	_ =	sdelay $0x1  }
0xa1: {  	s23 =	simm.s32 $0x1B8B  }
0xa2: {  	_ =	swait.ge [sflag:s23], $0x1  }
0xa3: {  	[sflag:s23] =	ssyncset.done $0x0  }
0xa4: {  	s25 =	simm.s32 $0x1B8E;
	s24 =	sld [smem:$0x3FFE];
	[sflag:s23] =	ssyncadd.s32 $0xFFFFFFFF  }
0xa5: {  	s26 =	simm.s32 $execute0_lowered;
	[smem:$0x3FD2] =	sst s25  }
0xa6: {  	s5 =	sshll.u32 s26, $0x1;
	_ =	strace $0x80000046;
	[dreg:$0x1] =	wrdreg $0xFFFFFFFF  }
0xa7: {  	s28 =	simm.s32 $_size_execute0_lowered;
	s3 =	sadd.s32 s3, s5;
	[dreg:$0x0] =	wrdreg $0x0  }
0xa8: {  	s5 =	sshll.u32 s28, $0x1;
	[dreg:$0x2] =	wrdreg s3  }
0xa9: {  	[dreg:$0x3] =	wrdreg s5  }
0xaa: {  	[dreg:$0x4] =	wrdreg $0xC0  }
0xab: {  	_ =	task [dreg:s7], $0x5FFFF  }
0xac: {  	[dreg:$0x1] =	wrdreg $0xFFFFFFFF  }
0xad: {  	[dreg:$0x0] =	wrdreg $0x60  }
0xae: {  	[dreg:$0x2] =	wrdreg s24  }
0xaf: {  	[dreg:$0x3] =	wrdreg s2  }
0xb0: {  	[dreg:$0x4] =	wrdreg $0x9  }
0xb1: {  	_ =	task.clear_ibuf [dreg:s7], $0x5FFFF;
	_ =	strace $0x90000046  }
0xb2: {  	s29 =	simm.s32 $0x9;
	_ =	strace $0x80000048  }
0xb3: {  	_ =	swait.ge [sflag:s29], $0x1  }
0xb4: {  	[sflag:s29] =	ssyncadd.s32 $0xFFFFFFFF  }
0xb5: {  	_ =	strace $0x90000048  }
0xb6: {  	_ =	sfence  }
0xb7: {  	s30 =	sld [smem:$0x0];
	_ =	sdelay $0x2  }
0xb8: {  	s31 =	sshll.u32 s1, $0xD;
	s1 =	sshrl.u32 s1, $0x2  }
0xb9: {  	s3 =	sand.u32 $0x4000, s31;
	s1 =	sadd.s32 s1, s30  }
0xba: {  	s0 =	sor.u32 s3, s0;
	s1 =	sshll.u32 s1, $0x11  }
0xbb: {  	s0 =	sor.u32 s1, s0  }
0xbc: {  	s0 =	sadd.s32 $0x8F2B, s0  }
0xbd: {  	[sflag:s0] =	ssyncadd.remote.s32 $0x1  }
0xbe: {  	_ =	sfence.sel $0xFFFF  }
0xbf: {  	[dreg:$0x0] =	wrdreg $0xFFFFFFFF;
	(pc) =	sbr.abs _section_cstart, $3  }
0xc0: {  	[dreg:$0x1] =	wrdreg $0xFFFFFFFF  }
0xc1: {  	_ =	task.clear_ibuf [dreg:s7], $0x2FFFF;
	_ =	strace $0x9FFFFFFF  }
0xc2: {  	(tm) =	ssettm $0x7FFFFFFF  }
0xc3: {  	_ =	shalt  }
tec
execute0_lowered:
.L_overlay_start_1:
0x0: {  	(tag) =	ssettag $0x1  }
0x1: {  	s5 =	rddreg [dreg:$0x0];
	s1 =	srdreg.scid  }
0x2: {  	s0 =	stileid.u32;
	s2 =	rddreg [dreg:$0x1]  }
0x3: {  	s3 =	simm.s32 $0x0;
	s11 =	simm.s32 $0x4;
	s12 =	simm.s32 $0x28  }
0x4: {  	s13 =	simm.s32 $0x80;
	s14 =	simm.s32 $0x1480;
	s15 =	simm.s32 $0x2880  }
0x5: {  	s16 =	simm.s32 $0x1;
	s17 =	simm.s32 $0x2;
	s6 =	smul.u32 $0x2710, s0  }
0x6: {  	s18 =	simm.s32 $0x3;
	s4 =	sand.u32 $0x1, s1;
	s29 =	smul.u32 $0x27100, s0  }
0x7: {  	s19 =	simm.s32 $0x0;
	[smem:$0x7FF] =	sst s3;
	s7 =	smul.u32 $0x1388, s4  }
0x8: {  	s1 =	rddreg [dreg:$0x2];
	_ =	strace $0x80000047;
	s9 =	smul.u32 $0x13880, s4  }
0x9: {  	s8 =	ssub.s32 $0x2, s4;
	s4 =	sadd.s32 $0x31000, s5;
	s30 =	sadd.s32 s29, s5  }
0xa: {  	s31 =	sshrl.u32 s8, $0x1;
	s6 =	sadd.s32 s7, s6;
	s9 =	sadd.s32 s9, s30  }
0xb: {  	s7 =	ssub.s32 s8, s31;
	s6 =	sshrl.u32 s6, $0x3;
	s8 =	sadd.s32 $0x58200, s9  }
0xc: {  	s10 =	sadd.s32 s6, s5;
	s6 =	smax.u32 s7, $0x1;
	s7 =	sadd.s32 $0x2C9200, s9  }
0xd: {  	s5 =	sadd.s32 $0x9E00, s5;
	s9 =	sadd.s32 $0x53A200, s9;
	s10 =	sadd.s32 $0x4E00, s10  }
.LBB2_1:
0xe: {  	[tilespmem:s3], [sflag:$0x4] =	stream.linear.gather [hbm4b:s10+s3], $0x28, $0x38;
	[tilespmem:$0x3C80] =	vst v63  }
0xf: {  	_ =	swait.ge [sflag:s11], $0x28  }
0x10: {  	[sflag:s11] =	ssyncset.done $0x0  }
0x11: {  	[sflag:s11] =	ssyncadd.s32 $0xFFFFFFD8  }
0x12: {  	[tilespmem:s13], [sflag:$0x1] =	stream.indirect.gather [hbm4b:s2+s12], $0x80, s3, s12, $0xb8;
	[tilespmem:$0x3C80] =	vst v63  }
0x13: {  	_ = 	snop  }
0x14: {  	[tilespmem:s14], [sflag:$0x2] =	stream.indirect.gather [hbm4b:s4+s12], $0x80, s3, s12, $0xb8;
	[tilespmem:$0x3C80] =	vst v63  }
0x15: {  	_ = 	snop  }
0x16: {  	[tilespmem:s15], [sflag:$0x3] =	stream.indirect.gather [hbm4b:s5+s12], $0x80, s3, s12, $0xb8;
	[tilespmem:$0x3C80] =	vst v63  }
0x17: {  	_ =	swait.ge [sflag:s16], $0x1400  }
0x18: {  	[sflag:s16] =	ssyncset.done $0x0  }
0x19: {  	[sflag:s16] =	ssyncadd.s32 $0xFFFFEC00  }
0x1a: {  	_ =	swait.ge [sflag:s17], $0x1400  }
0x1b: {  	[sflag:s17] =	ssyncset.done $0x0  }
0x1c: {  	[sflag:s17] =	ssyncadd.s32 $0xFFFFEC00  }
0x1d: {  	_ =	swait.ge [sflag:s18], $0x1400  }
0x1e: {  	[sflag:s18] =	ssyncset.done $0x0  }
0x1f: {  	s20 =	sadd.s32 $0x0, s8;
	[sflag:s18] =	ssyncadd.s32 $0xFFFFEC00  }
0x20: {  	[hbm4b:s20+s3] =	stream.linear.scatter [tilespmem:s13], [sflag:$0x4], $0x1400, $0x38;
	[tilespmem:$0x3C80] =	vst v63  }
0x21: {  	_ =	swait.ge [sflag:s11], $0x1400  }
0x22: {  	[sflag:s11] =	ssyncset.done $0x0  }
0x23: {  	s30 =	sadd.s32 $0x0, s7;
	[sflag:s11] =	ssyncadd.s32 $0xFFFFEC00  }
0x24: {  	[hbm4b:s30+s3] =	stream.linear.scatter [tilespmem:s14], [sflag:$0x4], $0x1400, $0x38;
	[tilespmem:$0x3C80] =	vst v63  }
0x25: {  	_ =	swait.ge [sflag:s11], $0x1400  }
0x26: {  	[sflag:s11] =	ssyncset.done $0x0  }
0x27: {  	s31 =	sadd.s32 $0x0, s9;
	[sflag:s11] =	ssyncadd.s32 $0xFFFFEC00  }
0x28: {  	[hbm4b:s31+s3] =	stream.linear.scatter [tilespmem:s15], [sflag:$0x4], $0x1400, $0x38;
	[tilespmem:$0x3C80] =	vst v63  }
0x29: {  	_ =	swait.ge [sflag:s11], $0x1400  }
0x2a: {  	s21 =	smov.u32 s10;
	s20 =	simm.s32 $0x280;
	[sflag:s11] =	ssyncset.done $0x0  }
.LBB2_2:
0x2b: {  	p0 =	sne.s32 s20, $0x13600;
	[sflag:s11] =	ssyncadd.s32 $0xFFFFEC00;
	s21 =	sadd.s32 $0x5, s21  }
0x2c: {  	[tilespmem:s3], [sflag:$0x4] =	stream.linear.gather [hbm4b:s21+s3], $0x28, $0x38;
	[tilespmem:$0x3C80] =	vst v63  }
0x2d: {  	s22 =	smov.u32 s20;
	s20 =	sadd.s32 $0x280, s20;
	_ =	swait.ge [sflag:s11], $0x28  }
0x2e: {  	[sflag:s11] =	ssyncset.done $0x0  }
0x2f: {  	[sflag:s11] =	ssyncadd.s32 $0xFFFFFFD8  }
0x30: {  	[tilespmem:s13], [sflag:$0x1] =	stream.indirect.gather [hbm4b:s2+s12], $0x80, s3, s12, $0xb8;
	[tilespmem:$0x3C80] =	vst v63  }
0x31: {  	_ = 	snop  }
0x32: {  	[tilespmem:s14], [sflag:$0x2] =	stream.indirect.gather [hbm4b:s4+s12], $0x80, s3, s12, $0xb8;
	[tilespmem:$0x3C80] =	vst v63  }
0x33: {  	_ = 	snop  }
0x34: {  	[tilespmem:s15], [sflag:$0x3] =	stream.indirect.gather [hbm4b:s5+s12], $0x80, s3, s12, $0xb8;
	[tilespmem:$0x3C80] =	vst v63  }
0x35: {  	_ =	swait.ge [sflag:s16], $0x1400  }
0x36: {  	[sflag:s16] =	ssyncset.done $0x0  }
0x37: {  	[sflag:s16] =	ssyncadd.s32 $0xFFFFEC00  }
0x38: {  	_ =	swait.ge [sflag:s17], $0x1400  }
0x39: {  	[sflag:s17] =	ssyncset.done $0x0  }
0x3a: {  	[sflag:s17] =	ssyncadd.s32 $0xFFFFEC00  }
0x3b: {  	_ =	swait.ge [sflag:s18], $0x1400  }
0x3c: {  	[sflag:s18] =	ssyncset.done $0x0  }
0x3d: {  	s23 =	sadd.s32 s22, s8;
	[sflag:s18] =	ssyncadd.s32 $0xFFFFEC00  }
0x3e: {  	[hbm4b:s23+s3] =	stream.linear.scatter [tilespmem:s13], [sflag:$0x4], $0x1400, $0x38;
	[tilespmem:$0x3C80] =	vst v63  }
0x3f: {  	_ =	swait.ge [sflag:s11], $0x1400  }
0x40: {  	[sflag:s11] =	ssyncset.done $0x0  }
0x41: {  	s23 =	sadd.s32 s22, s7;
	[sflag:s11] =	ssyncadd.s32 $0xFFFFEC00  }
0x42: {  	[hbm4b:s23+s3] =	stream.linear.scatter [tilespmem:s14], [sflag:$0x4], $0x1400, $0x38;
	[tilespmem:$0x3C80] =	vst v63  }
0x43: {  	_ =	swait.ge [sflag:s11], $0x1400  }
.Ltmp0:
0x44: {  	[sflag:s11] =	ssyncset.done $0x0;
	(pc) =	sbr.rel @p0 .LBB2_2-.Ltmp0, $4  }
0x45: {  	s22 =	sadd.s32 s22, s9;
	[sflag:s11] =	ssyncadd.s32 $0xFFFFEC00  }
0x46: {  	[hbm4b:s22+s3] =	stream.linear.scatter [tilespmem:s15], [sflag:$0x4], $0x1400, $0x38;
	[tilespmem:$0x3C80] =	vst v63  }
0x47: {  	_ =	swait.ge [sflag:s11], $0x1400  }
0x48: {  	[sflag:s11] =	ssyncset.done $0x0  }
0x49: {  	s19 =	sadd.s32 $0x1, s19  }
0x4a: {  	p0 =	sne.s32 s19, s6  }
.Ltmp1:
0x4b: {  	_ = 	snop;
	(pc) =	sbr.rel @p0 .LBB2_1-.Ltmp1, $2  }
0x4c: {  	_ =	sdelay $0x2  }
0x4d: {  	[sflag:s11] =	ssyncadd.s32 $0xFFFFEC00  }
0x4e: {  	_ =	sfence.sel $0x180000  }
0x4f: {  	[bflag:$0x0] =	sbarrier.arrive $0xFFFF  }
0x50: {  	p0 =	sne.s32 s0, $0x0;
	_ =	strace $0x90000047  }
0x51: {  	s0 =	sadd.s32 @!p0 $0x100000, s1;
	[bflag:$0x2] =	sbarrier.arrive $0xFFFF  }
0x52: {  	[sflag:s0] =	ssyncadd.tile.s32 @!p0 $0x1;
	_ =	shalt  }
.Lfunc_end2:
_tile_overlayer_lowered:
.L_overlay_start_2:
0x53: {  	(tag) =	ssettag $0x2  }
0x54: {  	s0 =	rddreg [dreg:$0x0];
	s2 =	stileid.u32  }
0x55: {  	s1 =	rddreg [dreg:$0x1];
	p0 =	sne.s32 s2, $0x0  }
0x56: {  	s3 =	rddreg [dreg:$0x2];
	[bflag:$0x3] =	sbarrier.arrive $0xFFFF;
	s2 =	simm.s32 @!p0 $0x1C04  }
0x57: {  	[timem:s3], [sflag:s2] =	dma.local @!p0 [hbm:s0], s1  }
0x58: {  	s0 =	simm.s32 @!p0 $0x4  }
0x59: {  	_ =	swait.ge @!p0 [sflag:s0], s1  }
0x5a: {  	s1 =	ssub.s32 @!p0 $0x0, s1;
	[sflag:s0] =	ssyncset.done @!p0 $0x0  }
0x5b: {  	[sflag:s0] =	ssyncadd.s32 @!p0 s1  }
0x5c: {  	[bflag:$0x3] =	sbarrier.arrive $0xFFFF  }
0x5d: {  	_ =	shalt  }

</sc_bundles>
